<compile_context>
chip_gen: v7x
topology: tpu7x:2x2x1
jax: 0.10.2.dev20260603
libtpu: 0.0.44.dev20260713+nightly
codegen_flags: <defaults>
</compile_context>

<pallas_src>
import functools

import jax
import jax.numpy as jnp
from jax import lax
from jax.experimental import pallas as pl
from jax.experimental.pallas import tpu as pltpu
from jax.experimental.pallas import tpu_sc as plsc

_N = 10000
_E = 320000
_D = 128
_DH = _D // 2
_NC = 2
_NS = 16
_CB = 96
_KC2 = 216
_EPT = _KC2 * _CB
_SLPT = _N // _NS
_DMPT = _EPT - _E // _NS - _SLPT
_NA = _N + 16
_RPT = 624
_ATAIL = _NA - _NS * _RPT
_OTAIL = _N - _NS * _RPT
_NH = _N // _NC
_DPT = 320
_DLAST = _NH - 15 * _DPT
_BR = 2000
_GRID = _N // _BR

_mesh = plsc.VectorSubcoreMesh(
    core_axis_name="c", subcore_axis_name="s",
    num_cores=_NC, num_subcores=_NS,
)

_sc_params = pltpu.CompilerParams(use_tc_tiling_on_sc=False)
_sc_params_nl = pltpu.CompilerParams(use_tc_tiling_on_sc=False,
                                     needs_layout_passes=False)


def _rsqrt_newton(x):
    xi = plsc.bitcast(x, jnp.int32)
    yi = jnp.int32(0x5F3759DF) - lax.shift_right_logical(xi, 1)
    y = plsc.bitcast(yi, jnp.float32)
    for _ in range(3):
        y = y * (1.5 - 0.5 * x * y * y)
    return y


@functools.partial(
    pl.kernel,
    out_type=jax.ShapeDtypeStruct((_N,), jnp.float32),
    mesh=_mesh,
    scratch_types=[
        pltpu.VMEM((_KC2, _CB), jnp.int32),
        pltpu.VMEM((_CB,), jnp.float32),
        pltpu.VMEM((_DPT,), jnp.float32),
        pltpu.VMEM_SHARED((_NA,), jnp.float32),
        [pltpu.SemaphoreType.DMA] * 8,
    ],
    compiler_params=_sc_params_nl,
)
def _sc_degree(er_hbm, zn_hbm, out_hbm, dst_v, ones_v, dinv_v, cnt_sh,
               dsems):
    cid = lax.axis_index("c")
    sid = lax.axis_index("s")
    pltpu.sync_copy(er_hbm.at[1, sid], dst_v)

    def fill(i, carry):
        ones_v[pl.ds(i * 16, 16)] = jnp.ones((16,), jnp.float32)
        return carry

    lax.fori_loop(0, _CB // 16, fill, 0)

    @pl.when(sid == 0)
    def _():
        pltpu.sync_copy(zn_hbm, cnt_sh)

    plsc.subcore_barrier()

    def fire(c, b):
        pltpu.async_copy(ones_v, cnt_sh.at[dst_v.at[c]], dsems[b], add=True)

    def drain(c, b):
        pltpu.make_async_copy(ones_v, cnt_sh.at[dst_v.at[c]],
                              dsems[b]).wait()

    for b in range(8):
        fire(b, b)

    def grp(g, carry):
        for b in range(8):
            c = 8 * g + 8 + b
            drain(c - 8, b)
            fire(c, b)
        return carry

    lax.fori_loop(0, (_KC2 - 8) // 8, grp, 0)
    for b in range(8):
        drain(_KC2 - 8 + b, b)
    plsc.subcore_barrier()

    base = cid * _NH + sid * _DPT

    def run(n_nodes, n_vec):
        pltpu.sync_copy(cnt_sh.at[pl.ds(base, n_nodes)],
                        dinv_v.at[pl.ds(0, n_nodes)])

        def body(i, carry):
            v = dinv_v[pl.ds(i * 16, 16)]
            dinv_v[pl.ds(i * 16, 16)] = _rsqrt_newton(v)
            return carry

        lax.fori_loop(0, n_vec, body, 0)
        pltpu.sync_copy(dinv_v.at[pl.ds(0, n_nodes)],
                        out_hbm.at[pl.ds(base, n_nodes)])

    @pl.when(sid < _NS - 1)
    def _():
        run(_DPT, _DPT // 16)

    @pl.when(sid == _NS - 1)
    def _():
        run(_DLAST, (_DLAST + 15) // 16)


@functools.partial(
    pl.kernel,
    out_type=jax.ShapeDtypeStruct((_N, _D), jnp.float32),
    mesh=_mesh,
    scratch_types=[
        pltpu.VMEM((_KC2, _CB), jnp.int32),
        pltpu.VMEM((_KC2, _CB), jnp.int32),
        pltpu.VMEM((8, _CB, _DH), jnp.float32),
        pltpu.VMEM_SHARED((_NA, _DH), jnp.float32),
        [pltpu.SemaphoreType.DMA] * 8,
        [pltpu.SemaphoreType.DMA] * 8,
    ],
    compiler_params=_sc_params,
)
def _sc_scatter(g_hbm, er_hbm, z2_hbm, out_hbm,
                src_v, dst_v, rows_v, acc_sh, gsems, ssems):
    cid = lax.axis_index("c")
    sid = lax.axis_index("s")
    pltpu.sync_copy(er_hbm.at[0, sid], src_v)
    pltpu.sync_copy(er_hbm.at[1, sid], dst_v)

    def xrow(r, carry):
        def xvec(j, carry2):
            v = src_v[r, pl.ds(j * 16, 16)]
            src_v[r, pl.ds(j * 16, 16)] = v * 2 + cid
            return carry2

        return lax.fori_loop(0, _CB // 16, xvec, carry)

    lax.fori_loop(0, _KC2, xrow, 0)
    r0 = sid * _RPT
    pltpu.sync_copy(z2_hbm.at[pl.ds(r0, _RPT)], acc_sh.at[pl.ds(r0, _RPT)])

    @pl.when(sid == 0)
    def _():
        pltpu.sync_copy(z2_hbm.at[pl.ds(_NS * _RPT, _ATAIL)],
                        acc_sh.at[pl.ds(_NS * _RPT, _ATAIL)])

    plsc.subcore_barrier()

    def gather(c, b):
        pltpu.async_copy(g_hbm.at[src_v.at[c]], rows_v.at[b], gsems[b])

    def wait_gather(c, b):
        pltpu.make_async_copy(g_hbm.at[src_v.at[c]],
                              rows_v.at[b], gsems[b]).wait()

    def scatter(c, b):
        pltpu.async_copy(rows_v.at[b], acc_sh.at[dst_v.at[c]],
                         ssems[b], add=True)

    def wait_scatter(c, b):
        pltpu.make_async_copy(rows_v.at[b], acc_sh.at[dst_v.at[c]],
                              ssems[b]).wait()

    for c0 in range(4):
        gather(c0, c0)

    def group(g, carry):
        for b in range(8):
            c = 8 * g + b
            wait_gather(c, b)
            scatter(c, b)
            b4 = (b + 4) % 8

            @pl.when(c >= 4)
            def _():
                wait_scatter(c - 4, b4)

            @pl.when(c + 4 < _KC2)
            def _():
                gather(c + 4, b4)

        return carry

    lax.fori_loop(0, _KC2 // 8, group, 0)
    wait_scatter(_KC2 - 4, 4)
    wait_scatter(_KC2 - 3, 5)
    wait_scatter(_KC2 - 2, 6)
    wait_scatter(_KC2 - 1, 7)

    plsc.subcore_barrier()
    pltpu.sync_copy(acc_sh.at[pl.ds(r0, _RPT)],
                    out_hbm.at[pl.ds(r0, _RPT), pl.ds(cid * _DH, _DH)])

    @pl.when(sid == 0)
    def _():
        pltpu.sync_copy(acc_sh.at[pl.ds(_NS * _RPT, _OTAIL)],
                        out_hbm.at[pl.ds(_NS * _RPT, _OTAIL),
                                   pl.ds(cid * _DH, _DH)])


def _mm_body(x_ref, w_ref, h_ref):
    h_ref[...] = jnp.dot(x_ref[...], w_ref[...],
                         preferred_element_type=jnp.float32,
                         precision=lax.Precision.HIGHEST)


_tc_mm = pl.pallas_call(
    _mm_body,
    grid=(_GRID,),
    in_specs=[
        pl.BlockSpec((_BR, _D), lambda i: (i, 0)),
        pl.BlockSpec((_D, _D), lambda i: (0, 0)),
    ],
    out_specs=pl.BlockSpec((_BR, _D), lambda i: (i, 0)),
    out_shape=jax.ShapeDtypeStruct((_N, _D), jnp.float32),
)


def _scale_body(h_ref, dv_ref, g_ref):
    g_ref[...] = h_ref[...] * dv_ref[...]


_tc_scale = pl.pallas_call(
    _scale_body,
    grid=(_GRID,),
    in_specs=[
        pl.BlockSpec((_BR, _D), lambda i: (i, 0)),
        pl.BlockSpec((_BR, _D), lambda i: (i, 0)),
    ],
    out_specs=pl.BlockSpec((_BR, _D), lambda i: (i, 0)),
    out_shape=jax.ShapeDtypeStruct((_N, _D), jnp.float32),
)


def _ep_body(p_ref, dv_ref, b_ref, o_ref):
    u = p_ref[...] * dv_ref[...] + b_ref[...]
    o_ref[...] = u * 0.5 * (1.0 + lax.erf(u * (2.0 ** -0.5)))


_tc_ep = pl.pallas_call(
    _ep_body,
    grid=(_GRID,),
    in_specs=[
        pl.BlockSpec((_BR, _D), lambda i: (i, 0)),
        pl.BlockSpec((_BR, _D), lambda i: (i, 0)),
        pl.BlockSpec((1, _D), lambda i: (0, 0)),
    ],
    out_specs=pl.BlockSpec((_BR, _D), lambda i: (i, 0)),
    out_shape=jax.ShapeDtypeStruct((_N, _D), jnp.float32),
)


def kernel(x, edge_index, W, b):
    e2 = edge_index.reshape(2, _NS, _E // _NS)
    loop = jnp.arange(_N, dtype=jnp.int32).reshape(_NS, _SLPT)
    sl = jnp.stack([loop, loop])
    dmi = jnp.arange(_NS * _DMPT, dtype=jnp.int32).reshape(_NS, _DMPT)
    dm = jnp.stack([dmi % _N, _N + (dmi % 16)])
    er = jnp.concatenate([e2, sl, dm], axis=2).reshape(2, _NS, _KC2, _CB)
    zn = jnp.zeros((_NA,), jnp.float32)
    z2 = jnp.zeros((_NA, _DH), jnp.float32)
    h = _tc_mm(x, W)
    dinv = _sc_degree(er, zn)
    dinvb = jnp.broadcast_to(dinv[:, None], (_N, _D))
    g = _tc_scale(h, dinvb)
    gview = g.reshape(2 * _N, _DH)
    p = _sc_scatter(gview, er, z2)
    return _tc_ep(p, dinvb, b.reshape(1, _D))

# --- scband reference (transcript-rebuilt; emitter-appended) ---
"""Pipeline reference for scband-narrative-graph-layer-16853451670131 (READ-ONLY COPY).

The authoritative reference and input builder live on the scoring server;
editing this copy changes nothing except your own understanding.
"""

import jax, jax.numpy as jnp
import numpy as np

N = 10000
E = 320000
D_IN = 128
D_OUT = 128


def setup_inputs(seed: int = 0) -> dict:
    key = jax.random.key(seed)
    k1, k2, k3 = jax.random.split(key, 3)
    x = jax.random.normal(k1, (N, D_IN), dtype=jnp.float32)
    edge_index = jax.random.randint(k2, (2, E), 0, N, dtype=jnp.int32)
    # GCNConv learned params: weight [in, out] (glorot-ish) and bias [out]
    W = jax.random.normal(k3, (D_IN, D_OUT), dtype=jnp.float32) / np.sqrt(D_IN)
    b = jnp.zeros((D_OUT,), dtype=jnp.float32)
    return {"x": x, "edge_index": edge_index, "W": W, "b": b}


def reference(x, edge_index, W, b):
    # GCNConv (PyG semantics): add self-loops, symmetric degree normalization,
    # linear transform, scatter-add aggregation, bias; then GELU activation.
    n = x.shape[0]
    src = edge_index[0]
    dst = edge_index[1]
    loop = jnp.arange(n, dtype=src.dtype)
    src = jnp.concatenate([src, loop])
    dst = jnp.concatenate([dst, loop])
    # degree (with self-loops), computed on destination nodes
    deg = jnp.zeros((n,), dtype=x.dtype).at[dst].add(1.0)
    dinv = jax.lax.rsqrt(jnp.maximum(deg, 1e-12))
    norm = dinv[src] * dinv[dst]
    # linear transform first (as in PyG GCNConv), then propagate
    h = x @ W
    msg = h[src] * norm[:, None]
    out = jnp.zeros((n, h.shape[1]), dtype=h.dtype).at[dst].add(msg)
    out = out + b
    return jax.nn.gelu(out, approximate=False)

if __name__ == "__main__":
    import jax
    _d = setup_inputs()
    print(jax.jit(kernel)(*tuple(_d.values())))

</pallas_src>

<mosaic_0001>
#map = affine_map<(d0, d1) -> (0, 0, 0, 0)>
#map1 = affine_map<(d0, d1) -> (0)>
module attributes {stable_mosaic.version = 14 : i64} {
  func.func @_sc_degree(%arg0: i32, %arg1: i32, %arg2: memref<2x16x216x96xi32, #tpu.memory_space<hbm>>, %arg3: memref<10016xf32, #tpu.memory_space<hbm>>, %arg4: memref<10000xf32, #tpu.memory_space<hbm>>, %arg5: memref<216x96xi32, #tpu.memory_space<vmem>>, %arg6: memref<96xf32, #tpu.memory_space<vmem>>, %arg7: memref<320xf32, #tpu.memory_space<vmem>>, %arg8: memref<10016xf32, #tpu.memory_space<vmem_shared>>, %arg9: memref<!tpu.dma_semaphore, #tpu.memory_space<semaphore_mem>>, %arg10: memref<!tpu.dma_semaphore, #tpu.memory_space<semaphore_mem>>, %arg11: memref<!tpu.dma_semaphore, #tpu.memory_space<semaphore_mem>>, %arg12: memref<!tpu.dma_semaphore, #tpu.memory_space<semaphore_mem>>, %arg13: memref<!tpu.dma_semaphore, #tpu.memory_space<semaphore_mem>>, %arg14: memref<!tpu.dma_semaphore, #tpu.memory_space<semaphore_mem>>, %arg15: memref<!tpu.dma_semaphore, #tpu.memory_space<semaphore_mem>>, %arg16: memref<!tpu.dma_semaphore, #tpu.memory_space<semaphore_mem>>) attributes {dimension_semantics = [#tpu.dimension_semantics<core_parallel>, #tpu.dimension_semantics<subcore_parallel>], iteration_bounds = array<i64: 2, 16>, scalar_prefetch = 0 : i64, scratch_operands = 12 : i64, tpu.core_type = #tpu.core_type<sc_vector_subcore>, window_params = [{transform_indices = #map}, {transform_indices = #map1}, {transform_indices = #map1}]} {
    %run_scoped3A = arith.constant 1 : i32
    "tpu.region"() ({
      %run_scoped3A_120 = tpu.sem_alloc : memref<!tpu.dma_semaphore, #tpu.memory_space<semaphore_mem>>
      %dma_start3A_121 = arith.constant 0 : i32
      %dma_start3A_122 = arith.constant 0 : i32
      %dma_start3A_123 = tpu.memref_slice %arg2[%run_scoped3A, %arg1, %dma_start3A_121, %dma_start3A_122] : memref<2x16x216x96xi32, #tpu.memory_space<hbm>> -> memref<1x1x216x96xi32, #tpu.memory_space<hbm>>
      %dma_start3A_124 = tpu.memref_squeeze %dma_start3A_123 : memref<1x1x216x96xi32, #tpu.memory_space<hbm>> -> memref<216x96xi32, #tpu.memory_space<hbm>>
      %dma_start3A_125 = arith.constant 0 : i32
      %dma_start3A_126 = arith.constant 0 : i32
      %dma_start3A_127 = tpu.memref_slice %arg2[%run_scoped3A, %arg1, %dma_start3A_125, %dma_start3A_126] : memref<2x16x216x96xi32, #tpu.memory_space<hbm>> -> memref<1x1x216x96xi32, #tpu.memory_space<hbm>>
      %dma_start3A_128 = tpu.memref_squeeze %dma_start3A_127 : memref<1x1x216x96xi32, #tpu.memory_space<hbm>> -> memref<216x96xi32, #tpu.memory_space<hbm>>
      tpu.enqueue_dma source(%dma_start3A_128 : memref<216x96xi32, #tpu.memory_space<hbm>>) target(%arg5 : memref<216x96xi32, #tpu.memory_space<vmem>>) target_semaphore(%run_scoped3A_120 : memref<!tpu.dma_semaphore, #tpu.memory_space<semaphore_mem>>)
      %dma_wait3A_129 = arith.constant 0 : i32
      %dma_wait3A_130 = arith.constant 0 : i32
      %dma_wait3A_131 = tpu.memref_slice %arg2[%run_scoped3A, %arg1, %dma_wait3A_129, %dma_wait3A_130] : memref<2x16x216x96xi32, #tpu.memory_space<hbm>> -> memref<1x1x216x96xi32, #tpu.memory_space<hbm>>
      %dma_wait3A_132 = tpu.memref_squeeze %dma_wait3A_131 : memref<1x1x216x96xi32, #tpu.memory_space<hbm>> -> memref<216x96xi32, #tpu.memory_space<hbm>>
      %dma_wait3A_133 = arith.constant 0 : i32
      %dma_wait3A_134 = arith.constant 0 : i32
      %dma_wait3A_135 = tpu.memref_slice %arg2[%run_scoped3A, %arg1, %dma_wait3A_133, %dma_wait3A_134] : memref<2x16x216x96xi32, #tpu.memory_space<hbm>> -> memref<1x1x216x96xi32, #tpu.memory_space<hbm>>
      %dma_wait3A_136 = tpu.memref_squeeze %dma_wait3A_135 : memref<1x1x216x96xi32, #tpu.memory_space<hbm>> -> memref<216x96xi32, #tpu.memory_space<hbm>>
      tpu.wait_dma2 semaphore(%run_scoped3A_120 : memref<!tpu.dma_semaphore, #tpu.memory_space<semaphore_mem>>) src(%dma_wait3A_136 : memref<216x96xi32, #tpu.memory_space<hbm>>) dst(%arg5 : memref<216x96xi32, #tpu.memory_space<vmem>>)
      tpu.yield
    }) : () -> ()
    %scan3A = arith.constant 0 : i32
    %scan3A_0 = arith.constant 0 : i32
    %scan3A_1 = arith.constant 6 : i32
    %scan3A_2 = arith.addi %scan3A_0, %scan3A_1 : i32
    %scan3A_3 = arith.constant 1 : i32
    scf.for %scan3A_120 = %scan3A_0 to %scan3A_2 step %scan3A_3  : i32 {
      %broadcast_in_dim3A = arith.constant 1.000000e+00 : f32
      %broadcast_in_dim3A_121 = vector.broadcast %broadcast_in_dim3A : f32 to vector<16xf32>
      %mul3A_122 = arith.constant 16 : i32
      %mul3A_123 = arith.muli %scan3A_120, %mul3A_122 : i32
      %swap3A = arith.index_cast %mul3A_123 : i32 to index
      %swap3A_124 = tpu.vector_load %arg6[%swap3A] {strides = array<i32>} : memref<96xf32, #tpu.memory_space<vmem>>, vector<16xf32>,
      tpu.vector_store %arg6[%swap3A], %broadcast_in_dim3A_121 {strides = array<i32>} : memref<96xf32, #tpu.memory_space<vmem>>, vector<16xf32>,
    }
    %scan3A_4 = arith.constant 6 : i32
    %eq3A = arith.constant 0 : i32
    %eq3A_5 = arith.cmpi eq, %arg1, %eq3A : i32
    %convert_element_type3A = arith.extui %eq3A_5 : i1 to i32
    %cond3A = arith.constant 0 : i32
    %cond3A_6 = arith.cmpi ne, %convert_element_type3A, %cond3A : i32
    scf.if %cond3A_6 {
      "tpu.region"() ({
        %run_scoped3A_120 = tpu.sem_alloc : memref<!tpu.dma_semaphore, #tpu.memory_space<semaphore_mem>>
        tpu.enqueue_dma source(%arg3 : memref<10016xf32, #tpu.memory_space<hbm>>) target(%arg8 : memref<10016xf32, #tpu.memory_space<vmem_shared>>) target_semaphore(%run_scoped3A_120 : memref<!tpu.dma_semaphore, #tpu.memory_space<semaphore_mem>>)
        tpu.wait_dma2 semaphore(%run_scoped3A_120 : memref<!tpu.dma_semaphore, #tpu.memory_space<semaphore_mem>>) src(%arg3 : memref<10016xf32, #tpu.memory_space<hbm>>) dst(%arg8 : memref<10016xf32, #tpu.memory_space<vmem_shared>>)
        tpu.yield
      }) : () -> ()
    } else {
    }
    %barrier3A = arith.constant 0 : index
    tpu.barrier barrier_id(%barrier3A)
    %dma_start3A = arith.constant 0 : i32
    %dma_start3A_7 = arith.constant 0 : i32
    %dma_start3A_8 = tpu.memref_slice %arg5[%dma_start3A, %dma_start3A_7] : memref<216x96xi32, #tpu.memory_space<vmem>> -> memref<1x96xi32, #tpu.memory_space<vmem>>
    %dma_start3A_9 = tpu.memref_squeeze %dma_start3A_8 : memref<1x96xi32, #tpu.memory_space<vmem>> -> memref<96xi32, #tpu.memory_space<vmem>>
    %dma_start3A_10 = arith.constant 0 : i32
    %dma_start3A_11 = tpu.memref_slice %arg8[%dma_start3A_10] : memref<10016xf32, #tpu.memory_space<vmem_shared>> -> memref<10016xf32, #tpu.memory_space<vmem_shared>>
    tpu.enqueue_indirect_dma source(%arg6 : memref<96xf32, #tpu.memory_space<vmem>>) target(%dma_start3A_11 : memref<10016xf32, #tpu.memory_space<vmem_shared>>) offsets(%dma_start3A_9 : memref<96xi32, #tpu.memory_space<vmem>>) semaphore(%arg9 : memref<!tpu.dma_semaphore, #tpu.memory_space<semaphore_mem>>) {add = true}
    %dma_start3A_12 = arith.constant 1 : i32
    %dma_start3A_13 = arith.constant 0 : i32
    %dma_start3A_14 = tpu.memref_slice %arg5[%dma_start3A_12, %dma_start3A_13] : memref<216x96xi32, #tpu.memory_space<vmem>> -> memref<1x96xi32, #tpu.memory_space<vmem>>
    %dma_start3A_15 = tpu.memref_squeeze %dma_start3A_14 : memref<1x96xi32, #tpu.memory_space<vmem>> -> memref<96xi32, #tpu.memory_space<vmem>>
    %dma_start3A_16 = arith.constant 0 : i32
    %dma_start3A_17 = tpu.memref_slice %arg8[%dma_start3A_16] : memref<10016xf32, #tpu.memory_space<vmem_shared>> -> memref<10016xf32, #tpu.memory_space<vmem_shared>>
    tpu.enqueue_indirect_dma source(%arg6 : memref<96xf32, #tpu.memory_space<vmem>>) target(%dma_start3A_17 : memref<10016xf32, #tpu.memory_space<vmem_shared>>) offsets(%dma_start3A_15 : memref<96xi32, #tpu.memory_space<vmem>>) semaphore(%arg10 : memref<!tpu.dma_semaphore, #tpu.memory_space<semaphore_mem>>) {add = true}
    %dma_start3A_18 = arith.constant 2 : i32
    %dma_start3A_19 = arith.constant 0 : i32
    %dma_start3A_20 = tpu.memref_slice %arg5[%dma_start3A_18, %dma_start3A_19] : memref<216x96xi32, #tpu.memory_space<vmem>> -> memref<1x96xi32, #tpu.memory_space<vmem>>
    %dma_start3A_21 = tpu.memref_squeeze %dma_start3A_20 : memref<1x96xi32, #tpu.memory_space<vmem>> -> memref<96xi32, #tpu.memory_space<vmem>>
    %dma_start3A_22 = arith.constant 0 : i32
    %dma_start3A_23 = tpu.memref_slice %arg8[%dma_start3A_22] : memref<10016xf32, #tpu.memory_space<vmem_shared>> -> memref<10016xf32, #tpu.memory_space<vmem_shared>>
    tpu.enqueue_indirect_dma source(%arg6 : memref<96xf32, #tpu.memory_space<vmem>>) target(%dma_start3A_23 : memref<10016xf32, #tpu.memory_space<vmem_shared>>) offsets(%dma_start3A_21 : memref<96xi32, #tpu.memory_space<vmem>>) semaphore(%arg11 : memref<!tpu.dma_semaphore, #tpu.memory_space<semaphore_mem>>) {add = true}
    %dma_start3A_24 = arith.constant 3 : i32
    %dma_start3A_25 = arith.constant 0 : i32
    %dma_start3A_26 = tpu.memref_slice %arg5[%dma_start3A_24, %dma_start3A_25] : memref<216x96xi32, #tpu.memory_space<vmem>> -> memref<1x96xi32, #tpu.memory_space<vmem>>
    %dma_start3A_27 = tpu.memref_squeeze %dma_start3A_26 : memref<1x96xi32, #tpu.memory_space<vmem>> -> memref<96xi32, #tpu.memory_space<vmem>>
    %dma_start3A_28 = arith.constant 0 : i32
    %dma_start3A_29 = tpu.memref_slice %arg8[%dma_start3A_28] : memref<10016xf32, #tpu.memory_space<vmem_shared>> -> memref<10016xf32, #tpu.memory_space<vmem_shared>>
    tpu.enqueue_indirect_dma source(%arg6 : memref<96xf32, #tpu.memory_space<vmem>>) target(%dma_start3A_29 : memref<10016xf32, #tpu.memory_space<vmem_shared>>) offsets(%dma_start3A_27 : memref<96xi32, #tpu.memory_space<vmem>>) semaphore(%arg12 : memref<!tpu.dma_semaphore, #tpu.memory_space<semaphore_mem>>) {add = true}
    %dma_start3A_30 = arith.constant 4 : i32
    %dma_start3A_31 = arith.constant 0 : i32
    %dma_start3A_32 = tpu.memref_slice %arg5[%dma_start3A_30, %dma_start3A_31] : memref<216x96xi32, #tpu.memory_space<vmem>> -> memref<1x96xi32, #tpu.memory_space<vmem>>
    %dma_start3A_33 = tpu.memref_squeeze %dma_start3A_32 : memref<1x96xi32, #tpu.memory_space<vmem>> -> memref<96xi32, #tpu.memory_space<vmem>>
    %dma_start3A_34 = arith.constant 0 : i32
    %dma_start3A_35 = tpu.memref_slice %arg8[%dma_start3A_34] : memref<10016xf32, #tpu.memory_space<vmem_shared>> -> memref<10016xf32, #tpu.memory_space<vmem_shared>>
    tpu.enqueue_indirect_dma source(%arg6 : memref<96xf32, #tpu.memory_space<vmem>>) target(%dma_start3A_35 : memref<10016xf32, #tpu.memory_space<vmem_shared>>) offsets(%dma_start3A_33 : memref<96xi32, #tpu.memory_space<vmem>>) semaphore(%arg13 : memref<!tpu.dma_semaphore, #tpu.memory_space<semaphore_mem>>) {add = true}
    %dma_start3A_36 = arith.constant 5 : i32
    %dma_start3A_37 = arith.constant 0 : i32
    %dma_start3A_38 = tpu.memref_slice %arg5[%dma_start3A_36, %dma_start3A_37] : memref<216x96xi32, #tpu.memory_space<vmem>> -> memref<1x96xi32, #tpu.memory_space<vmem>>
    %dma_start3A_39 = tpu.memref_squeeze %dma_start3A_38 : memref<1x96xi32, #tpu.memory_space<vmem>> -> memref<96xi32, #tpu.memory_space<vmem>>
    %dma_start3A_40 = arith.constant 0 : i32
    %dma_start3A_41 = tpu.memref_slice %arg8[%dma_start3A_40] : memref<10016xf32, #tpu.memory_space<vmem_shared>> -> memref<10016xf32, #tpu.memory_space<vmem_shared>>
    tpu.enqueue_indirect_dma source(%arg6 : memref<96xf32, #tpu.memory_space<vmem>>) target(%dma_start3A_41 : memref<10016xf32, #tpu.memory_space<vmem_shared>>) offsets(%dma_start3A_39 : memref<96xi32, #tpu.memory_space<vmem>>) semaphore(%arg14 : memref<!tpu.dma_semaphore, #tpu.memory_space<semaphore_mem>>) {add = true}
    %dma_start3A_42 = arith.constant 6 : i32
    %dma_start3A_43 = arith.constant 0 : i32
    %dma_start3A_44 = tpu.memref_slice %arg5[%dma_start3A_42, %dma_start3A_43] : memref<216x96xi32, #tpu.memory_space<vmem>> -> memref<1x96xi32, #tpu.memory_space<vmem>>
    %dma_start3A_45 = tpu.memref_squeeze %dma_start3A_44 : memref<1x96xi32, #tpu.memory_space<vmem>> -> memref<96xi32, #tpu.memory_space<vmem>>
    %dma_start3A_46 = arith.constant 0 : i32
    %dma_start3A_47 = tpu.memref_slice %arg8[%dma_start3A_46] : memref<10016xf32, #tpu.memory_space<vmem_shared>> -> memref<10016xf32, #tpu.memory_space<vmem_shared>>
    tpu.enqueue_indirect_dma source(%arg6 : memref<96xf32, #tpu.memory_space<vmem>>) target(%dma_start3A_47 : memref<10016xf32, #tpu.memory_space<vmem_shared>>) offsets(%dma_start3A_45 : memref<96xi32, #tpu.memory_space<vmem>>) semaphore(%arg15 : memref<!tpu.dma_semaphore, #tpu.memory_space<semaphore_mem>>) {add = true}
    %dma_start3A_48 = arith.constant 7 : i32
    %dma_start3A_49 = arith.constant 0 : i32
    %dma_start3A_50 = tpu.memref_slice %arg5[%dma_start3A_48, %dma_start3A_49] : memref<216x96xi32, #tpu.memory_space<vmem>> -> memref<1x96xi32, #tpu.memory_space<vmem>>
    %dma_start3A_51 = tpu.memref_squeeze %dma_start3A_50 : memref<1x96xi32, #tpu.memory_space<vmem>> -> memref<96xi32, #tpu.memory_space<vmem>>
    %dma_start3A_52 = arith.constant 0 : i32
    %dma_start3A_53 = tpu.memref_slice %arg8[%dma_start3A_52] : memref<10016xf32, #tpu.memory_space<vmem_shared>> -> memref<10016xf32, #tpu.memory_space<vmem_shared>>
    tpu.enqueue_indirect_dma source(%arg6 : memref<96xf32, #tpu.memory_space<vmem>>) target(%dma_start3A_53 : memref<10016xf32, #tpu.memory_space<vmem_shared>>) offsets(%dma_start3A_51 : memref<96xi32, #tpu.memory_space<vmem>>) semaphore(%arg16 : memref<!tpu.dma_semaphore, #tpu.memory_space<semaphore_mem>>) {add = true}
    %scan3A_54 = arith.constant 0 : i32
    %scan3A_55 = arith.constant 0 : i32
    %scan3A_56 = arith.constant 26 : i32
    %scan3A_57 = arith.addi %scan3A_55, %scan3A_56 : i32
    %scan3A_58 = arith.constant 1 : i32
    scf.for %scan3A_120 = %scan3A_55 to %scan3A_57 step %scan3A_58  : i32 {
      %mul3A_121 = arith.constant 8 : i32
      %mul3A_122 = arith.muli %mul3A_121, %scan3A_120 : i32
      %add3A_123 = arith.constant 8 : i32
      %add3A_124 = arith.addi %mul3A_122, %add3A_123 : i32
      %add3A_125 = arith.constant 0 : i32
      %add3A_126 = arith.addi %add3A_124, %add3A_125 : i32
      %sub3A = arith.constant 8 : i32
      %sub3A_127 = arith.subi %add3A_126, %sub3A : i32
      %dma_wait3A_128 = arith.constant 0 : i32
      %dma_wait3A_129 = tpu.memref_slice %arg5[%sub3A_127, %dma_wait3A_128] : memref<216x96xi32, #tpu.memory_space<vmem>> -> memref<1x96xi32, #tpu.memory_space<vmem>>
      %dma_wait3A_130 = tpu.memref_squeeze %dma_wait3A_129 : memref<1x96xi32, #tpu.memory_space<vmem>> -> memref<96xi32, #tpu.memory_space<vmem>>
      %dma_wait3A_131 = arith.constant 0 : i32
      %dma_wait3A_132 = tpu.memref_slice %arg8[%dma_wait3A_131] : memref<10016xf32, #tpu.memory_space<vmem_shared>> -> memref<10016xf32, #tpu.memory_space<vmem_shared>>
      tpu.wait_indirect_dma semaphore(%arg9 : memref<!tpu.dma_semaphore, #tpu.memory_space<semaphore_mem>>) src(%arg6 : memref<96xf32, #tpu.memory_space<vmem>>) dst(%dma_wait3A_132 : memref<10016xf32, #tpu.memory_space<vmem_shared>>)
      %dma_start3A_133 = arith.constant 0 : i32
      %dma_start3A_134 = tpu.memref_slice %arg5[%add3A_126, %dma_start3A_133] : memref<216x96xi32, #tpu.memory_space<vmem>> -> memref<1x96xi32, #tpu.memory_space<vmem>>
      %dma_start3A_135 = tpu.memref_squeeze %dma_start3A_134 : memref<1x96xi32, #tpu.memory_space<vmem>> -> memref<96xi32, #tpu.memory_space<vmem>>
      %dma_start3A_136 = arith.constant 0 : i32
      %dma_start3A_137 = tpu.memref_slice %arg8[%dma_start3A_136] : memref<10016xf32, #tpu.memory_space<vmem_shared>> -> memref<10016xf32, #tpu.memory_space<vmem_shared>>
      tpu.enqueue_indirect_dma source(%arg6 : memref<96xf32, #tpu.memory_space<vmem>>) target(%dma_start3A_137 : memref<10016xf32, #tpu.memory_space<vmem_shared>>) offsets(%dma_start3A_135 : memref<96xi32, #tpu.memory_space<vmem>>) semaphore(%arg9 : memref<!tpu.dma_semaphore, #tpu.memory_space<semaphore_mem>>) {add = true}
      %mul3A_138 = arith.constant 8 : i32
      %mul3A_139 = arith.muli %mul3A_138, %scan3A_120 : i32
      %add3A_140 = arith.constant 8 : i32
      %add3A_141 = arith.addi %mul3A_139, %add3A_140 : i32
      %add3A_142 = arith.constant 1 : i32
      %add3A_143 = arith.addi %add3A_141, %add3A_142 : i32
      %sub3A_144 = arith.constant 8 : i32
      %sub3A_145 = arith.subi %add3A_143, %sub3A_144 : i32
      %dma_wait3A_146 = arith.constant 0 : i32
      %dma_wait3A_147 = tpu.memref_slice %arg5[%sub3A_145, %dma_wait3A_146] : memref<216x96xi32, #tpu.memory_space<vmem>> -> memref<1x96xi32, #tpu.memory_space<vmem>>
      %dma_wait3A_148 = tpu.memref_squeeze %dma_wait3A_147 : memref<1x96xi32, #tpu.memory_space<vmem>> -> memref<96xi32, #tpu.memory_space<vmem>>
      %dma_wait3A_149 = arith.constant 0 : i32
      %dma_wait3A_150 = tpu.memref_slice %arg8[%dma_wait3A_149] : memref<10016xf32, #tpu.memory_space<vmem_shared>> -> memref<10016xf32, #tpu.memory_space<vmem_shared>>
      tpu.wait_indirect_dma semaphore(%arg10 : memref<!tpu.dma_semaphore, #tpu.memory_space<semaphore_mem>>) src(%arg6 : memref<96xf32, #tpu.memory_space<vmem>>) dst(%dma_wait3A_150 : memref<10016xf32, #tpu.memory_space<vmem_shared>>)
      %dma_start3A_151 = arith.constant 0 : i32
      %dma_start3A_152 = tpu.memref_slice %arg5[%add3A_143, %dma_start3A_151] : memref<216x96xi32, #tpu.memory_space<vmem>> -> memref<1x96xi32, #tpu.memory_space<vmem>>
      %dma_start3A_153 = tpu.memref_squeeze %dma_start3A_152 : memref<1x96xi32, #tpu.memory_space<vmem>> -> memref<96xi32, #tpu.memory_space<vmem>>
      %dma_start3A_154 = arith.constant 0 : i32
      %dma_start3A_155 = tpu.memref_slice %arg8[%dma_start3A_154] : memref<10016xf32, #tpu.memory_space<vmem_shared>> -> memref<10016xf32, #tpu.memory_space<vmem_shared>>
      tpu.enqueue_indirect_dma source(%arg6 : memref<96xf32, #tpu.memory_space<vmem>>) target(%dma_start3A_155 : memref<10016xf32, #tpu.memory_space<vmem_shared>>) offsets(%dma_start3A_153 : memref<96xi32, #tpu.memory_space<vmem>>) semaphore(%arg10 : memref<!tpu.dma_semaphore, #tpu.memory_space<semaphore_mem>>) {add = true}
      %mul3A_156 = arith.constant 8 : i32
      %mul3A_157 = arith.muli %mul3A_156, %scan3A_120 : i32
      %add3A_158 = arith.constant 8 : i32
      %add3A_159 = arith.addi %mul3A_157, %add3A_158 : i32
      %add3A_160 = arith.constant 2 : i32
      %add3A_161 = arith.addi %add3A_159, %add3A_160 : i32
      %sub3A_162 = arith.constant 8 : i32
      %sub3A_163 = arith.subi %add3A_161, %sub3A_162 : i32
      %dma_wait3A_164 = arith.constant 0 : i32
      %dma_wait3A_165 = tpu.memref_slice %arg5[%sub3A_163, %dma_wait3A_164] : memref<216x96xi32, #tpu.memory_space<vmem>> -> memref<1x96xi32, #tpu.memory_space<vmem>>
      %dma_wait3A_166 = tpu.memref_squeeze %dma_wait3A_165 : memref<1x96xi32, #tpu.memory_space<vmem>> -> memref<96xi32, #tpu.memory_space<vmem>>
      %dma_wait3A_167 = arith.constant 0 : i32
      %dma_wait3A_168 = tpu.memref_slice %arg8[%dma_wait3A_167] : memref<10016xf32, #tpu.memory_space<vmem_shared>> -> memref<10016xf32, #tpu.memory_space<vmem_shared>>
      tpu.wait_indirect_dma semaphore(%arg11 : memref<!tpu.dma_semaphore, #tpu.memory_space<semaphore_mem>>) src(%arg6 : memref<96xf32, #tpu.memory_space<vmem>>) dst(%dma_wait3A_168 : memref<10016xf32, #tpu.memory_space<vmem_shared>>)
      %dma_start3A_169 = arith.constant 0 : i32
      %dma_start3A_170 = tpu.memref_slice %arg5[%add3A_161, %dma_start3A_169] : memref<216x96xi32, #tpu.memory_space<vmem>> -> memref<1x96xi32, #tpu.memory_space<vmem>>
      %dma_start3A_171 = tpu.memref_squeeze %dma_start3A_170 : memref<1x96xi32, #tpu.memory_space<vmem>> -> memref<96xi32, #tpu.memory_space<vmem>>
      %dma_start3A_172 = arith.constant 0 : i32
      %dma_start3A_173 = tpu.memref_slice %arg8[%dma_start3A_172] : memref<10016xf32, #tpu.memory_space<vmem_shared>> -> memref<10016xf32, #tpu.memory_space<vmem_shared>>
      tpu.enqueue_indirect_dma source(%arg6 : memref<96xf32, #tpu.memory_space<vmem>>) target(%dma_start3A_173 : memref<10016xf32, #tpu.memory_space<vmem_shared>>) offsets(%dma_start3A_171 : memref<96xi32, #tpu.memory_space<vmem>>) semaphore(%arg11 : memref<!tpu.dma_semaphore, #tpu.memory_space<semaphore_mem>>) {add = true}
      %mul3A_174 = arith.constant 8 : i32
      %mul3A_175 = arith.muli %mul3A_174, %scan3A_120 : i32
      %add3A_176 = arith.constant 8 : i32
      %add3A_177 = arith.addi %mul3A_175, %add3A_176 : i32
      %add3A_178 = arith.constant 3 : i32
      %add3A_179 = arith.addi %add3A_177, %add3A_178 : i32
      %sub3A_180 = arith.constant 8 : i32
      %sub3A_181 = arith.subi %add3A_179, %sub3A_180 : i32
      %dma_wait3A_182 = arith.constant 0 : i32
      %dma_wait3A_183 = tpu.memref_slice %arg5[%sub3A_181, %dma_wait3A_182] : memref<216x96xi32, #tpu.memory_space<vmem>> -> memref<1x96xi32, #tpu.memory_space<vmem>>
      %dma_wait3A_184 = tpu.memref_squeeze %dma_wait3A_183 : memref<1x96xi32, #tpu.memory_space<vmem>> -> memref<96xi32, #tpu.memory_space<vmem>>
      %dma_wait3A_185 = arith.constant 0 : i32
      %dma_wait3A_186 = tpu.memref_slice %arg8[%dma_wait3A_185] : memref<10016xf32, #tpu.memory_space<vmem_shared>> -> memref<10016xf32, #tpu.memory_space<vmem_shared>>
      tpu.wait_indirect_dma semaphore(%arg12 : memref<!tpu.dma_semaphore, #tpu.memory_space<semaphore_mem>>) src(%arg6 : memref<96xf32, #tpu.memory_space<vmem>>) dst(%dma_wait3A_186 : memref<10016xf32, #tpu.memory_space<vmem_shared>>)
      %dma_start3A_187 = arith.constant 0 : i32
      %dma_start3A_188 = tpu.memref_slice %arg5[%add3A_179, %dma_start3A_187] : memref<216x96xi32, #tpu.memory_space<vmem>> -> memref<1x96xi32, #tpu.memory_space<vmem>>
      %dma_start3A_189 = tpu.memref_squeeze %dma_start3A_188 : memref<1x96xi32, #tpu.memory_space<vmem>> -> memref<96xi32, #tpu.memory_space<vmem>>
      %dma_start3A_190 = arith.constant 0 : i32
      %dma_start3A_191 = tpu.memref_slice %arg8[%dma_start3A_190] : memref<10016xf32, #tpu.memory_space<vmem_shared>> -> memref<10016xf32, #tpu.memory_space<vmem_shared>>
      tpu.enqueue_indirect_dma source(%arg6 : memref<96xf32, #tpu.memory_space<vmem>>) target(%dma_start3A_191 : memref<10016xf32, #tpu.memory_space<vmem_shared>>) offsets(%dma_start3A_189 : memref<96xi32, #tpu.memory_space<vmem>>) semaphore(%arg12 : memref<!tpu.dma_semaphore, #tpu.memory_space<semaphore_mem>>) {add = true}
      %mul3A_192 = arith.constant 8 : i32
      %mul3A_193 = arith.muli %mul3A_192, %scan3A_120 : i32
      %add3A_194 = arith.constant 8 : i32
      %add3A_195 = arith.addi %mul3A_193, %add3A_194 : i32
      %add3A_196 = arith.constant 4 : i32
      %add3A_197 = arith.addi %add3A_195, %add3A_196 : i32
      %sub3A_198 = arith.constant 8 : i32
      %sub3A_199 = arith.subi %add3A_197, %sub3A_198 : i32
      %dma_wait3A_200 = arith.constant 0 : i32
      %dma_wait3A_201 = tpu.memref_slice %arg5[%sub3A_199, %dma_wait3A_200] : memref<216x96xi32, #tpu.memory_space<vmem>> -> memref<1x96xi32, #tpu.memory_space<vmem>>
      %dma_wait3A_202 = tpu.memref_squeeze %dma_wait3A_201 : memref<1x96xi32, #tpu.memory_space<vmem>> -> memref<96xi32, #tpu.memory_space<vmem>>
      %dma_wait3A_203 = arith.constant 0 : i32
      %dma_wait3A_204 = tpu.memref_slice %arg8[%dma_wait3A_203] : memref<10016xf32, #tpu.memory_space<vmem_shared>> -> memref<10016xf32, #tpu.memory_space<vmem_shared>>
      tpu.wait_indirect_dma semaphore(%arg13 : memref<!tpu.dma_semaphore, #tpu.memory_space<semaphore_mem>>) src(%arg6 : memref<96xf32, #tpu.memory_space<vmem>>) dst(%dma_wait3A_204 : memref<10016xf32, #tpu.memory_space<vmem_shared>>)
      %dma_start3A_205 = arith.constant 0 : i32
      %dma_start3A_206 = tpu.memref_slice %arg5[%add3A_197, %dma_start3A_205] : memref<216x96xi32, #tpu.memory_space<vmem>> -> memref<1x96xi32, #tpu.memory_space<vmem>>
      %dma_start3A_207 = tpu.memref_squeeze %dma_start3A_206 : memref<1x96xi32, #tpu.memory_space<vmem>> -> memref<96xi32, #tpu.memory_space<vmem>>
      %dma_start3A_208 = arith.constant 0 : i32
      %dma_start3A_209 = tpu.memref_slice %arg8[%dma_start3A_208] : memref<10016xf32, #tpu.memory_space<vmem_shared>> -> memref<10016xf32, #tpu.memory_space<vmem_shared>>
      tpu.enqueue_indirect_dma source(%arg6 : memref<96xf32, #tpu.memory_space<vmem>>) target(%dma_start3A_209 : memref<10016xf32, #tpu.memory_space<vmem_shared>>) offsets(%dma_start3A_207 : memref<96xi32, #tpu.memory_space<vmem>>) semaphore(%arg13 : memref<!tpu.dma_semaphore, #tpu.memory_space<semaphore_mem>>) {add = true}
      %mul3A_210 = arith.constant 8 : i32
      %mul3A_211 = arith.muli %mul3A_210, %scan3A_120 : i32
      %add3A_212 = arith.constant 8 : i32
      %add3A_213 = arith.addi %mul3A_211, %add3A_212 : i32
      %add3A_214 = arith.constant 5 : i32
      %add3A_215 = arith.addi %add3A_213, %add3A_214 : i32
      %sub3A_216 = arith.constant 8 : i32
      %sub3A_217 = arith.subi %add3A_215, %sub3A_216 : i32
      %dma_wait3A_218 = arith.constant 0 : i32
      %dma_wait3A_219 = tpu.memref_slice %arg5[%sub3A_217, %dma_wait3A_218] : memref<216x96xi32, #tpu.memory_space<vmem>> -> memref<1x96xi32, #tpu.memory_space<vmem>>
      %dma_wait3A_220 = tpu.memref_squeeze %dma_wait3A_219 : memref<1x96xi32, #tpu.memory_space<vmem>> -> memref<96xi32, #tpu.memory_space<vmem>>
      %dma_wait3A_221 = arith.constant 0 : i32
      %dma_wait3A_222 = tpu.memref_slice %arg8[%dma_wait3A_221] : memref<10016xf32, #tpu.memory_space<vmem_shared>> -> memref<10016xf32, #tpu.memory_space<vmem_shared>>
      tpu.wait_indirect_dma semaphore(%arg14 : memref<!tpu.dma_semaphore, #tpu.memory_space<semaphore_mem>>) src(%arg6 : memref<96xf32, #tpu.memory_space<vmem>>) dst(%dma_wait3A_222 : memref<10016xf32, #tpu.memory_space<vmem_shared>>)
      %dma_start3A_223 = arith.constant 0 : i32
      %dma_start3A_224 = tpu.memref_slice %arg5[%add3A_215, %dma_start3A_223] : memref<216x96xi32, #tpu.memory_space<vmem>> -> memref<1x96xi32, #tpu.memory_space<vmem>>
      %dma_start3A_225 = tpu.memref_squeeze %dma_start3A_224 : memref<1x96xi32, #tpu.memory_space<vmem>> -> memref<96xi32, #tpu.memory_space<vmem>>
      %dma_start3A_226 = arith.constant 0 : i32
      %dma_start3A_227 = tpu.memref_slice %arg8[%dma_start3A_226] : memref<10016xf32, #tpu.memory_space<vmem_shared>> -> memref<10016xf32, #tpu.memory_space<vmem_shared>>
      tpu.enqueue_indirect_dma source(%arg6 : memref<96xf32, #tpu.memory_space<vmem>>) target(%dma_start3A_227 : memref<10016xf32, #tpu.memory_space<vmem_shared>>) offsets(%dma_start3A_225 : memref<96xi32, #tpu.memory_space<vmem>>) semaphore(%arg14 : memref<!tpu.dma_semaphore, #tpu.memory_space<semaphore_mem>>) {add = true}
      %mul3A_228 = arith.constant 8 : i32
      %mul3A_229 = arith.muli %mul3A_228, %scan3A_120 : i32
      %add3A_230 = arith.constant 8 : i32
      %add3A_231 = arith.addi %mul3A_229, %add3A_230 : i32
      %add3A_232 = arith.constant 6 : i32
      %add3A_233 = arith.addi %add3A_231, %add3A_232 : i32
      %sub3A_234 = arith.constant 8 : i32
      %sub3A_235 = arith.subi %add3A_233, %sub3A_234 : i32
      %dma_wait3A_236 = arith.constant 0 : i32
      %dma_wait3A_237 = tpu.memref_slice %arg5[%sub3A_235, %dma_wait3A_236] : memref<216x96xi32, #tpu.memory_space<vmem>> -> memref<1x96xi32, #tpu.memory_space<vmem>>
      %dma_wait3A_238 = tpu.memref_squeeze %dma_wait3A_237 : memref<1x96xi32, #tpu.memory_space<vmem>> -> memref<96xi32, #tpu.memory_space<vmem>>
      %dma_wait3A_239 = arith.constant 0 : i32
      %dma_wait3A_240 = tpu.memref_slice %arg8[%dma_wait3A_239] : memref<10016xf32, #tpu.memory_space<vmem_shared>> -> memref<10016xf32, #tpu.memory_space<vmem_shared>>
      tpu.wait_indirect_dma semaphore(%arg15 : memref<!tpu.dma_semaphore, #tpu.memory_space<semaphore_mem>>) src(%arg6 : memref<96xf32, #tpu.memory_space<vmem>>) dst(%dma_wait3A_240 : memref<10016xf32, #tpu.memory_space<vmem_shared>>)
      %dma_start3A_241 = arith.constant 0 : i32
      %dma_start3A_242 = tpu.memref_slice %arg5[%add3A_233, %dma_start3A_241] : memref<216x96xi32, #tpu.memory_space<vmem>> -> memref<1x96xi32, #tpu.memory_space<vmem>>
      %dma_start3A_243 = tpu.memref_squeeze %dma_start3A_242 : memref<1x96xi32, #tpu.memory_space<vmem>> -> memref<96xi32, #tpu.memory_space<vmem>>
      %dma_start3A_244 = arith.constant 0 : i32
      %dma_start3A_245 = tpu.memref_slice %arg8[%dma_start3A_244] : memref<10016xf32, #tpu.memory_space<vmem_shared>> -> memref<10016xf32, #tpu.memory_space<vmem_shared>>
      tpu.enqueue_indirect_dma source(%arg6 : memref<96xf32, #tpu.memory_space<vmem>>) target(%dma_start3A_245 : memref<10016xf32, #tpu.memory_space<vmem_shared>>) offsets(%dma_start3A_243 : memref<96xi32, #tpu.memory_space<vmem>>) semaphore(%arg15 : memref<!tpu.dma_semaphore, #tpu.memory_space<semaphore_mem>>) {add = true}
      %mul3A_246 = arith.constant 8 : i32
      %mul3A_247 = arith.muli %mul3A_246, %scan3A_120 : i32
      %add3A_248 = arith.constant 8 : i32
      %add3A_249 = arith.addi %mul3A_247, %add3A_248 : i32
      %add3A_250 = arith.constant 7 : i32
      %add3A_251 = arith.addi %add3A_249, %add3A_250 : i32
      %sub3A_252 = arith.constant 8 : i32
      %sub3A_253 = arith.subi %add3A_251, %sub3A_252 : i32
      %dma_wait3A_254 = arith.constant 0 : i32
      %dma_wait3A_255 = tpu.memref_slice %arg5[%sub3A_253, %dma_wait3A_254] : memref<216x96xi32, #tpu.memory_space<vmem>> -> memref<1x96xi32, #tpu.memory_space<vmem>>
      %dma_wait3A_256 = tpu.memref_squeeze %dma_wait3A_255 : memref<1x96xi32, #tpu.memory_space<vmem>> -> memref<96xi32, #tpu.memory_space<vmem>>
      %dma_wait3A_257 = arith.constant 0 : i32
      %dma_wait3A_258 = tpu.memref_slice %arg8[%dma_wait3A_257] : memref<10016xf32, #tpu.memory_space<vmem_shared>> -> memref<10016xf32, #tpu.memory_space<vmem_shared>>
      tpu.wait_indirect_dma semaphore(%arg16 : memref<!tpu.dma_semaphore, #tpu.memory_space<semaphore_mem>>) src(%arg6 : memref<96xf32, #tpu.memory_space<vmem>>) dst(%dma_wait3A_258 : memref<10016xf32, #tpu.memory_space<vmem_shared>>)
      %dma_start3A_259 = arith.constant 0 : i32
      %dma_start3A_260 = tpu.memref_slice %arg5[%add3A_251, %dma_start3A_259] : memref<216x96xi32, #tpu.memory_space<vmem>> -> memref<1x96xi32, #tpu.memory_space<vmem>>
      %dma_start3A_261 = tpu.memref_squeeze %dma_start3A_260 : memref<1x96xi32, #tpu.memory_space<vmem>> -> memref<96xi32, #tpu.memory_space<vmem>>
      %dma_start3A_262 = arith.constant 0 : i32
      %dma_start3A_263 = tpu.memref_slice %arg8[%dma_start3A_262] : memref<10016xf32, #tpu.memory_space<vmem_shared>> -> memref<10016xf32, #tpu.memory_space<vmem_shared>>
      tpu.enqueue_indirect_dma source(%arg6 : memref<96xf32, #tpu.memory_space<vmem>>) target(%dma_start3A_263 : memref<10016xf32, #tpu.memory_space<vmem_shared>>) offsets(%dma_start3A_261 : memref<96xi32, #tpu.memory_space<vmem>>) semaphore(%arg16 : memref<!tpu.dma_semaphore, #tpu.memory_space<semaphore_mem>>) {add = true}
    }
    %scan3A_59 = arith.constant 26 : i32
    %dma_wait3A = arith.constant 208 : i32
    %dma_wait3A_60 = arith.constant 0 : i32
    %dma_wait3A_61 = tpu.memref_slice %arg5[%dma_wait3A, %dma_wait3A_60] : memref<216x96xi32, #tpu.memory_space<vmem>> -> memref<1x96xi32, #tpu.memory_space<vmem>>
    %dma_wait3A_62 = tpu.memref_squeeze %dma_wait3A_61 : memref<1x96xi32, #tpu.memory_space<vmem>> -> memref<96xi32, #tpu.memory_space<vmem>>
    %dma_wait3A_63 = arith.constant 0 : i32
    %dma_wait3A_64 = tpu.memref_slice %arg8[%dma_wait3A_63] : memref<10016xf32, #tpu.memory_space<vmem_shared>> -> memref<10016xf32, #tpu.memory_space<vmem_shared>>
    tpu.wait_indirect_dma semaphore(%arg9 : memref<!tpu.dma_semaphore, #tpu.memory_space<semaphore_mem>>) src(%arg6 : memref<96xf32, #tpu.memory_space<vmem>>) dst(%dma_wait3A_64 : memref<10016xf32, #tpu.memory_space<vmem_shared>>)
    %dma_wait3A_65 = arith.constant 209 : i32
    %dma_wait3A_66 = arith.constant 0 : i32
    %dma_wait3A_67 = tpu.memref_slice %arg5[%dma_wait3A_65, %dma_wait3A_66] : memref<216x96xi32, #tpu.memory_space<vmem>> -> memref<1x96xi32, #tpu.memory_space<vmem>>
    %dma_wait3A_68 = tpu.memref_squeeze %dma_wait3A_67 : memref<1x96xi32, #tpu.memory_space<vmem>> -> memref<96xi32, #tpu.memory_space<vmem>>
    %dma_wait3A_69 = arith.constant 0 : i32
    %dma_wait3A_70 = tpu.memref_slice %arg8[%dma_wait3A_69] : memref<10016xf32, #tpu.memory_space<vmem_shared>> -> memref<10016xf32, #tpu.memory_space<vmem_shared>>
    tpu.wait_indirect_dma semaphore(%arg10 : memref<!tpu.dma_semaphore, #tpu.memory_space<semaphore_mem>>) src(%arg6 : memref<96xf32, #tpu.memory_space<vmem>>) dst(%dma_wait3A_70 : memref<10016xf32, #tpu.memory_space<vmem_shared>>)
    %dma_wait3A_71 = arith.constant 210 : i32
    %dma_wait3A_72 = arith.constant 0 : i32
    %dma_wait3A_73 = tpu.memref_slice %arg5[%dma_wait3A_71, %dma_wait3A_72] : memref<216x96xi32, #tpu.memory_space<vmem>> -> memref<1x96xi32, #tpu.memory_space<vmem>>
    %dma_wait3A_74 = tpu.memref_squeeze %dma_wait3A_73 : memref<1x96xi32, #tpu.memory_space<vmem>> -> memref<96xi32, #tpu.memory_space<vmem>>
    %dma_wait3A_75 = arith.constant 0 : i32
    %dma_wait3A_76 = tpu.memref_slice %arg8[%dma_wait3A_75] : memref<10016xf32, #tpu.memory_space<vmem_shared>> -> memref<10016xf32, #tpu.memory_space<vmem_shared>>
    tpu.wait_indirect_dma semaphore(%arg11 : memref<!tpu.dma_semaphore, #tpu.memory_space<semaphore_mem>>) src(%arg6 : memref<96xf32, #tpu.memory_space<vmem>>) dst(%dma_wait3A_76 : memref<10016xf32, #tpu.memory_space<vmem_shared>>)
    %dma_wait3A_77 = arith.constant 211 : i32
    %dma_wait3A_78 = arith.constant 0 : i32
    %dma_wait3A_79 = tpu.memref_slice %arg5[%dma_wait3A_77, %dma_wait3A_78] : memref<216x96xi32, #tpu.memory_space<vmem>> -> memref<1x96xi32, #tpu.memory_space<vmem>>
    %dma_wait3A_80 = tpu.memref_squeeze %dma_wait3A_79 : memref<1x96xi32, #tpu.memory_space<vmem>> -> memref<96xi32, #tpu.memory_space<vmem>>
    %dma_wait3A_81 = arith.constant 0 : i32
    %dma_wait3A_82 = tpu.memref_slice %arg8[%dma_wait3A_81] : memref<10016xf32, #tpu.memory_space<vmem_shared>> -> memref<10016xf32, #tpu.memory_space<vmem_shared>>
    tpu.wait_indirect_dma semaphore(%arg12 : memref<!tpu.dma_semaphore, #tpu.memory_space<semaphore_mem>>) src(%arg6 : memref<96xf32, #tpu.memory_space<vmem>>) dst(%dma_wait3A_82 : memref<10016xf32, #tpu.memory_space<vmem_shared>>)
    %dma_wait3A_83 = arith.constant 212 : i32
    %dma_wait3A_84 = arith.constant 0 : i32
    %dma_wait3A_85 = tpu.memref_slice %arg5[%dma_wait3A_83, %dma_wait3A_84] : memref<216x96xi32, #tpu.memory_space<vmem>> -> memref<1x96xi32, #tpu.memory_space<vmem>>
    %dma_wait3A_86 = tpu.memref_squeeze %dma_wait3A_85 : memref<1x96xi32, #tpu.memory_space<vmem>> -> memref<96xi32, #tpu.memory_space<vmem>>
    %dma_wait3A_87 = arith.constant 0 : i32
    %dma_wait3A_88 = tpu.memref_slice %arg8[%dma_wait3A_87] : memref<10016xf32, #tpu.memory_space<vmem_shared>> -> memref<10016xf32, #tpu.memory_space<vmem_shared>>
    tpu.wait_indirect_dma semaphore(%arg13 : memref<!tpu.dma_semaphore, #tpu.memory_space<semaphore_mem>>) src(%arg6 : memref<96xf32, #tpu.memory_space<vmem>>) dst(%dma_wait3A_88 : memref<10016xf32, #tpu.memory_space<vmem_shared>>)
    %dma_wait3A_89 = arith.constant 213 : i32
    %dma_wait3A_90 = arith.constant 0 : i32
    %dma_wait3A_91 = tpu.memref_slice %arg5[%dma_wait3A_89, %dma_wait3A_90] : memref<216x96xi32, #tpu.memory_space<vmem>> -> memref<1x96xi32, #tpu.memory_space<vmem>>
    %dma_wait3A_92 = tpu.memref_squeeze %dma_wait3A_91 : memref<1x96xi32, #tpu.memory_space<vmem>> -> memref<96xi32, #tpu.memory_space<vmem>>
    %dma_wait3A_93 = arith.constant 0 : i32
    %dma_wait3A_94 = tpu.memref_slice %arg8[%dma_wait3A_93] : memref<10016xf32, #tpu.memory_space<vmem_shared>> -> memref<10016xf32, #tpu.memory_space<vmem_shared>>
    tpu.wait_indirect_dma semaphore(%arg14 : memref<!tpu.dma_semaphore, #tpu.memory_space<semaphore_mem>>) src(%arg6 : memref<96xf32, #tpu.memory_space<vmem>>) dst(%dma_wait3A_94 : memref<10016xf32, #tpu.memory_space<vmem_shared>>)
    %dma_wait3A_95 = arith.constant 214 : i32
    %dma_wait3A_96 = arith.constant 0 : i32
    %dma_wait3A_97 = tpu.memref_slice %arg5[%dma_wait3A_95, %dma_wait3A_96] : memref<216x96xi32, #tpu.memory_space<vmem>> -> memref<1x96xi32, #tpu.memory_space<vmem>>
    %dma_wait3A_98 = tpu.memref_squeeze %dma_wait3A_97 : memref<1x96xi32, #tpu.memory_space<vmem>> -> memref<96xi32, #tpu.memory_space<vmem>>
    %dma_wait3A_99 = arith.constant 0 : i32
    %dma_wait3A_100 = tpu.memref_slice %arg8[%dma_wait3A_99] : memref<10016xf32, #tpu.memory_space<vmem_shared>> -> memref<10016xf32, #tpu.memory_space<vmem_shared>>
    tpu.wait_indirect_dma semaphore(%arg15 : memref<!tpu.dma_semaphore, #tpu.memory_space<semaphore_mem>>) src(%arg6 : memref<96xf32, #tpu.memory_space<vmem>>) dst(%dma_wait3A_100 : memref<10016xf32, #tpu.memory_space<vmem_shared>>)
    %dma_wait3A_101 = arith.constant 215 : i32
    %dma_wait3A_102 = arith.constant 0 : i32
    %dma_wait3A_103 = tpu.memref_slice %arg5[%dma_wait3A_101, %dma_wait3A_102] : memref<216x96xi32, #tpu.memory_space<vmem>> -> memref<1x96xi32, #tpu.memory_space<vmem>>
    %dma_wait3A_104 = tpu.memref_squeeze %dma_wait3A_103 : memref<1x96xi32, #tpu.memory_space<vmem>> -> memref<96xi32, #tpu.memory_space<vmem>>
    %dma_wait3A_105 = arith.constant 0 : i32
    %dma_wait3A_106 = tpu.memref_slice %arg8[%dma_wait3A_105] : memref<10016xf32, #tpu.memory_space<vmem_shared>> -> memref<10016xf32, #tpu.memory_space<vmem_shared>>
    tpu.wait_indirect_dma semaphore(%arg16 : memref<!tpu.dma_semaphore, #tpu.memory_space<semaphore_mem>>) src(%arg6 : memref<96xf32, #tpu.memory_space<vmem>>) dst(%dma_wait3A_106 : memref<10016xf32, #tpu.memory_space<vmem_shared>>)
    %barrier3A_107 = arith.constant 0 : index
    tpu.barrier barrier_id(%barrier3A_107)
    %mul3A = arith.constant 5000 : i32
    %mul3A_108 = arith.muli %arg0, %mul3A : i32
    %mul3A_109 = arith.constant 320 : i32
    %mul3A_110 = arith.muli %arg1, %mul3A_109 : i32
    %add3A = arith.addi %mul3A_108, %mul3A_110 : i32
    %lt3A = arith.constant 15 : i32
    %lt3A_111 = arith.cmpi slt, %arg1, %lt3A : i32
    %convert_element_type3A_112 = arith.extui %lt3A_111 : i1 to i32
    %cond3A_113 = arith.constant 0 : i32
    %cond3A_114 = arith.cmpi ne, %convert_element_type3A_112, %cond3A_113 : i32
    scf.if %cond3A_114 {
      "tpu.region"() ({
        %run_scoped3A_126 = tpu.sem_alloc : memref<!tpu.dma_semaphore, #tpu.memory_space<semaphore_mem>>
        %dma_start3A_127 = arith.constant 0 : i32
        %dma_start3A_128 = tpu.memref_slice %arg7[%dma_start3A_127] : memref<320xf32, #tpu.memory_space<vmem>> -> memref<320xf32, #tpu.memory_space<vmem>>
        %dma_start3A_129 = tpu.memref_slice %arg8[%add3A] : memref<10016xf32, #tpu.memory_space<vmem_shared>> -> memref<320xf32, #tpu.memory_space<vmem_shared>>
        %dma_start3A_130 = arith.constant 0 : i32
        %dma_start3A_131 = tpu.memref_slice %arg7[%dma_start3A_130] : memref<320xf32, #tpu.memory_space<vmem>> -> memref<320xf32, #tpu.memory_space<vmem>>
        %dma_start3A_132 = tpu.memref_slice %arg8[%add3A] : memref<10016xf32, #tpu.memory_space<vmem_shared>> -> memref<320xf32, #tpu.memory_space<vmem_shared>>
        tpu.enqueue_dma source(%dma_start3A_132 : memref<320xf32, #tpu.memory_space<vmem_shared>>) target(%dma_start3A_131 : memref<320xf32, #tpu.memory_space<vmem>>) target_semaphore(%run_scoped3A_126 : memref<!tpu.dma_semaphore, #tpu.memory_space<semaphore_mem>>)
        %dma_wait3A_133 = arith.constant 0 : i32
        %dma_wait3A_134 = tpu.memref_slice %arg7[%dma_wait3A_133] : memref<320xf32, #tpu.memory_space<vmem>> -> memref<320xf32, #tpu.memory_space<vmem>>
        %dma_wait3A_135 = tpu.memref_slice %arg8[%add3A] : memref<10016xf32, #tpu.memory_space<vmem_shared>> -> memref<320xf32, #tpu.memory_space<vmem_shared>>
        %dma_wait3A_136 = arith.constant 0 : i32
        %dma_wait3A_137 = tpu.memref_slice %arg7[%dma_wait3A_136] : memref<320xf32, #tpu.memory_space<vmem>> -> memref<320xf32, #tpu.memory_space<vmem>>
        %dma_wait3A_138 = tpu.memref_slice %arg8[%add3A] : memref<10016xf32, #tpu.memory_space<vmem_shared>> -> memref<320xf32, #tpu.memory_space<vmem_shared>>
        tpu.wait_dma2 semaphore(%run_scoped3A_126 : memref<!tpu.dma_semaphore, #tpu.memory_space<semaphore_mem>>) src(%dma_wait3A_138 : memref<320xf32, #tpu.memory_space<vmem_shared>>) dst(%dma_wait3A_137 : memref<320xf32, #tpu.memory_space<vmem>>)
        tpu.yield
      }) : () -> ()
      %scan3A_120 = arith.constant 0 : i32
      %scan3A_121 = arith.constant 0 : i32
      %scan3A_122 = arith.constant 20 : i32
      %scan3A_123 = arith.addi %scan3A_121, %scan3A_122 : i32
      %scan3A_124 = arith.constant 1 : i32
      scf.for %scan3A_126 = %scan3A_121 to %scan3A_123 step %scan3A_124  : i32 {
        %mul3A_127 = arith.constant 16 : i32
        %mul3A_128 = arith.muli %scan3A_126, %mul3A_127 : i32
        %get3A = arith.index_cast %mul3A_128 : i32 to index
        %get3A_129 = tpu.vector_load %arg7[%get3A] {strides = array<i32>} : memref<320xf32, #tpu.memory_space<vmem>>, vector<16xf32>,
        %bitcast3A = vector.bitcast %get3A_129 : vector<16xf32> to vector<16xi32>
        %shift_right_logical3A = arith.constant 1 : i32
        %shift_right_logical3A_130 = vector.broadcast %shift_right_logical3A : i32 to vector<16xi32>
        %shift_right_logical3A_131 = arith.shrui %bitcast3A, %shift_right_logical3A_130 : vector<16xi32>
        %sub3A = arith.constant 1597463007 : i32
        %sub3A_132 = vector.broadcast %sub3A : i32 to vector<16xi32>
        %sub3A_133 = arith.subi %sub3A_132, %shift_right_logical3A_131 : vector<16xi32>
        %bitcast3A_134 = vector.bitcast %sub3A_133 : vector<16xi32> to vector<16xf32>
        %mul3A_135 = arith.constant 5.000000e-01 : f32
        %mul3A_136 = vector.broadcast %mul3A_135 : f32 to vector<16xf32>
        %mul3A_137 = arith.mulf %mul3A_136, %get3A_129 : vector<16xf32>
        %mul3A_138 = arith.mulf %mul3A_137, %bitcast3A_134 : vector<16xf32>
        %mul3A_139 = arith.mulf %mul3A_138, %bitcast3A_134 : vector<16xf32>
        %sub3A_140 = arith.constant 1.500000e+00 : f32
        %sub3A_141 = vector.broadcast %sub3A_140 : f32 to vector<16xf32>
        %sub3A_142 = arith.subf %sub3A_141, %mul3A_139 : vector<16xf32>
        %mul3A_143 = arith.mulf %bitcast3A_134, %sub3A_142 : vector<16xf32>
        %mul3A_144 = arith.constant 5.000000e-01 : f32
        %mul3A_145 = vector.broadcast %mul3A_144 : f32 to vector<16xf32>
        %mul3A_146 = arith.mulf %mul3A_145, %get3A_129 : vector<16xf32>
        %mul3A_147 = arith.mulf %mul3A_146, %mul3A_143 : vector<16xf32>
        %mul3A_148 = arith.mulf %mul3A_147, %mul3A_143 : vector<16xf32>
        %sub3A_149 = arith.constant 1.500000e+00 : f32
        %sub3A_150 = vector.broadcast %sub3A_149 : f32 to vector<16xf32>
        %sub3A_151 = arith.subf %sub3A_150, %mul3A_148 : vector<16xf32>
        %mul3A_152 = arith.mulf %mul3A_143, %sub3A_151 : vector<16xf32>
        %mul3A_153 = arith.constant 5.000000e-01 : f32
        %mul3A_154 = vector.broadcast %mul3A_153 : f32 to vector<16xf32>
        %mul3A_155 = arith.mulf %mul3A_154, %get3A_129 : vector<16xf32>
        %mul3A_156 = arith.mulf %mul3A_155, %mul3A_152 : vector<16xf32>
        %mul3A_157 = arith.mulf %mul3A_156, %mul3A_152 : vector<16xf32>
        %sub3A_158 = arith.constant 1.500000e+00 : f32
        %sub3A_159 = vector.broadcast %sub3A_158 : f32 to vector<16xf32>
        %sub3A_160 = arith.subf %sub3A_159, %mul3A_157 : vector<16xf32>
        %mul3A_161 = arith.mulf %mul3A_152, %sub3A_160 : vector<16xf32>
        %mul3A_162 = arith.constant 16 : i32
        %mul3A_163 = arith.muli %scan3A_126, %mul3A_162 : i32
        %swap3A = arith.index_cast %mul3A_163 : i32 to index
        %swap3A_164 = tpu.vector_load %arg7[%swap3A] {strides = array<i32>} : memref<320xf32, #tpu.memory_space<vmem>>, vector<16xf32>,
        tpu.vector_store %arg7[%swap3A], %mul3A_161 {strides = array<i32>} : memref<320xf32, #tpu.memory_space<vmem>>, vector<16xf32>,
      }
      %scan3A_125 = arith.constant 20 : i32
      "tpu.region"() ({
        %run_scoped3A_126 = tpu.sem_alloc : memref<!tpu.dma_semaphore, #tpu.memory_space<semaphore_mem>>
        %dma_start3A_127 = arith.constant 0 : i32
        %dma_start3A_128 = tpu.memref_slice %arg7[%dma_start3A_127] : memref<320xf32, #tpu.memory_space<vmem>> -> memref<320xf32, #tpu.memory_space<vmem>>
        %dma_start3A_129 = tpu.memref_slice %arg4[%add3A] : memref<10000xf32, #tpu.memory_space<hbm>> -> memref<320xf32, #tpu.memory_space<hbm>>
        %dma_start3A_130 = tpu.memref_slice %arg4[%add3A] : memref<10000xf32, #tpu.memory_space<hbm>> -> memref<320xf32, #tpu.memory_space<hbm>>
        %dma_start3A_131 = arith.constant 0 : i32
        %dma_start3A_132 = tpu.memref_slice %arg7[%dma_start3A_131] : memref<320xf32, #tpu.memory_space<vmem>> -> memref<320xf32, #tpu.memory_space<vmem>>
        tpu.enqueue_dma source(%dma_start3A_132 : memref<320xf32, #tpu.memory_space<vmem>>) target(%dma_start3A_130 : memref<320xf32, #tpu.memory_space<hbm>>) target_semaphore(%run_scoped3A_126 : memref<!tpu.dma_semaphore, #tpu.memory_space<semaphore_mem>>)
        %dma_wait3A_133 = arith.constant 0 : i32
        %dma_wait3A_134 = tpu.memref_slice %arg7[%dma_wait3A_133] : memref<320xf32, #tpu.memory_space<vmem>> -> memref<320xf32, #tpu.memory_space<vmem>>
        %dma_wait3A_135 = tpu.memref_slice %arg4[%add3A] : memref<10000xf32, #tpu.memory_space<hbm>> -> memref<320xf32, #tpu.memory_space<hbm>>
        %dma_wait3A_136 = tpu.memref_slice %arg4[%add3A] : memref<10000xf32, #tpu.memory_space<hbm>> -> memref<320xf32, #tpu.memory_space<hbm>>
        %dma_wait3A_137 = arith.constant 0 : i32
        %dma_wait3A_138 = tpu.memref_slice %arg7[%dma_wait3A_137] : memref<320xf32, #tpu.memory_space<vmem>> -> memref<320xf32, #tpu.memory_space<vmem>>
        tpu.wait_dma2 semaphore(%run_scoped3A_126 : memref<!tpu.dma_semaphore, #tpu.memory_space<semaphore_mem>>) src(%dma_wait3A_138 : memref<320xf32, #tpu.memory_space<vmem>>) dst(%dma_wait3A_136 : memref<320xf32, #tpu.memory_space<hbm>>)
        tpu.yield
      }) : () -> ()
    } else {
    }
    %eq3A_115 = arith.constant 15 : i32
    %eq3A_116 = arith.cmpi eq, %arg1, %eq3A_115 : i32
    %convert_element_type3A_117 = arith.extui %eq3A_116 : i1 to i32
    %cond3A_118 = arith.constant 0 : i32
    %cond3A_119 = arith.cmpi ne, %convert_element_type3A_117, %cond3A_118 : i32
    scf.if %cond3A_119 {
      "tpu.region"() ({
        %run_scoped3A_126 = tpu.sem_alloc : memref<!tpu.dma_semaphore, #tpu.memory_space<semaphore_mem>>
        %dma_start3A_127 = arith.constant 0 : i32
        %dma_start3A_128 = tpu.memref_slice %arg7[%dma_start3A_127] : memref<320xf32, #tpu.memory_space<vmem>> -> memref<200xf32, #tpu.memory_space<vmem>>
        %dma_start3A_129 = tpu.memref_slice %arg8[%add3A] : memref<10016xf32, #tpu.memory_space<vmem_shared>> -> memref<200xf32, #tpu.memory_space<vmem_shared>>
        %dma_start3A_130 = arith.constant 0 : i32
        %dma_start3A_131 = tpu.memref_slice %arg7[%dma_start3A_130] : memref<320xf32, #tpu.memory_space<vmem>> -> memref<200xf32, #tpu.memory_space<vmem>>
        %dma_start3A_132 = tpu.memref_slice %arg8[%add3A] : memref<10016xf32, #tpu.memory_space<vmem_shared>> -> memref<200xf32, #tpu.memory_space<vmem_shared>>
        tpu.enqueue_dma source(%dma_start3A_132 : memref<200xf32, #tpu.memory_space<vmem_shared>>) target(%dma_start3A_131 : memref<200xf32, #tpu.memory_space<vmem>>) target_semaphore(%run_scoped3A_126 : memref<!tpu.dma_semaphore, #tpu.memory_space<semaphore_mem>>)
        %dma_wait3A_133 = arith.constant 0 : i32
        %dma_wait3A_134 = tpu.memref_slice %arg7[%dma_wait3A_133] : memref<320xf32, #tpu.memory_space<vmem>> -> memref<200xf32, #tpu.memory_space<vmem>>
        %dma_wait3A_135 = tpu.memref_slice %arg8[%add3A] : memref<10016xf32, #tpu.memory_space<vmem_shared>> -> memref<200xf32, #tpu.memory_space<vmem_shared>>
        %dma_wait3A_136 = arith.constant 0 : i32
        %dma_wait3A_137 = tpu.memref_slice %arg7[%dma_wait3A_136] : memref<320xf32, #tpu.memory_space<vmem>> -> memref<200xf32, #tpu.memory_space<vmem>>
        %dma_wait3A_138 = tpu.memref_slice %arg8[%add3A] : memref<10016xf32, #tpu.memory_space<vmem_shared>> -> memref<200xf32, #tpu.memory_space<vmem_shared>>
        tpu.wait_dma2 semaphore(%run_scoped3A_126 : memref<!tpu.dma_semaphore, #tpu.memory_space<semaphore_mem>>) src(%dma_wait3A_138 : memref<200xf32, #tpu.memory_space<vmem_shared>>) dst(%dma_wait3A_137 : memref<200xf32, #tpu.memory_space<vmem>>)
        tpu.yield
      }) : () -> ()
      %scan3A_120 = arith.constant 0 : i32
      %scan3A_121 = arith.constant 0 : i32
      %scan3A_122 = arith.constant 13 : i32
      %scan3A_123 = arith.addi %scan3A_121, %scan3A_122 : i32
      %scan3A_124 = arith.constant 1 : i32
      scf.for %scan3A_126 = %scan3A_121 to %scan3A_123 step %scan3A_124  : i32 {
        %mul3A_127 = arith.constant 16 : i32
        %mul3A_128 = arith.muli %scan3A_126, %mul3A_127 : i32
        %get3A = arith.index_cast %mul3A_128 : i32 to index
        %get3A_129 = tpu.vector_load %arg7[%get3A] {strides = array<i32>} : memref<320xf32, #tpu.memory_space<vmem>>, vector<16xf32>,
        %bitcast3A = vector.bitcast %get3A_129 : vector<16xf32> to vector<16xi32>
        %shift_right_logical3A = arith.constant 1 : i32
        %shift_right_logical3A_130 = vector.broadcast %shift_right_logical3A : i32 to vector<16xi32>
        %shift_right_logical3A_131 = arith.shrui %bitcast3A, %shift_right_logical3A_130 : vector<16xi32>
        %sub3A = arith.constant 1597463007 : i32
        %sub3A_132 = vector.broadcast %sub3A : i32 to vector<16xi32>
        %sub3A_133 = arith.subi %sub3A_132, %shift_right_logical3A_131 : vector<16xi32>
        %bitcast3A_134 = vector.bitcast %sub3A_133 : vector<16xi32> to vector<16xf32>
        %mul3A_135 = arith.constant 5.000000e-01 : f32
        %mul3A_136 = vector.broadcast %mul3A_135 : f32 to vector<16xf32>
        %mul3A_137 = arith.mulf %mul3A_136, %get3A_129 : vector<16xf32>
        %mul3A_138 = arith.mulf %mul3A_137, %bitcast3A_134 : vector<16xf32>
        %mul3A_139 = arith.mulf %mul3A_138, %bitcast3A_134 : vector<16xf32>
        %sub3A_140 = arith.constant 1.500000e+00 : f32
        %sub3A_141 = vector.broadcast %sub3A_140 : f32 to vector<16xf32>
        %sub3A_142 = arith.subf %sub3A_141, %mul3A_139 : vector<16xf32>
        %mul3A_143 = arith.mulf %bitcast3A_134, %sub3A_142 : vector<16xf32>
        %mul3A_144 = arith.constant 5.000000e-01 : f32
        %mul3A_145 = vector.broadcast %mul3A_144 : f32 to vector<16xf32>
        %mul3A_146 = arith.mulf %mul3A_145, %get3A_129 : vector<16xf32>
        %mul3A_147 = arith.mulf %mul3A_146, %mul3A_143 : vector<16xf32>
        %mul3A_148 = arith.mulf %mul3A_147, %mul3A_143 : vector<16xf32>
        %sub3A_149 = arith.constant 1.500000e+00 : f32
        %sub3A_150 = vector.broadcast %sub3A_149 : f32 to vector<16xf32>
        %sub3A_151 = arith.subf %sub3A_150, %mul3A_148 : vector<16xf32>
        %mul3A_152 = arith.mulf %mul3A_143, %sub3A_151 : vector<16xf32>
        %mul3A_153 = arith.constant 5.000000e-01 : f32
        %mul3A_154 = vector.broadcast %mul3A_153 : f32 to vector<16xf32>
        %mul3A_155 = arith.mulf %mul3A_154, %get3A_129 : vector<16xf32>
        %mul3A_156 = arith.mulf %mul3A_155, %mul3A_152 : vector<16xf32>
        %mul3A_157 = arith.mulf %mul3A_156, %mul3A_152 : vector<16xf32>
        %sub3A_158 = arith.constant 1.500000e+00 : f32
        %sub3A_159 = vector.broadcast %sub3A_158 : f32 to vector<16xf32>
        %sub3A_160 = arith.subf %sub3A_159, %mul3A_157 : vector<16xf32>
        %mul3A_161 = arith.mulf %mul3A_152, %sub3A_160 : vector<16xf32>
        %mul3A_162 = arith.constant 16 : i32
        %mul3A_163 = arith.muli %scan3A_126, %mul3A_162 : i32
        %swap3A = arith.index_cast %mul3A_163 : i32 to index
        %swap3A_164 = tpu.vector_load %arg7[%swap3A] {strides = array<i32>} : memref<320xf32, #tpu.memory_space<vmem>>, vector<16xf32>,
        tpu.vector_store %arg7[%swap3A], %mul3A_161 {strides = array<i32>} : memref<320xf32, #tpu.memory_space<vmem>>, vector<16xf32>,
      }
      %scan3A_125 = arith.constant 13 : i32
      "tpu.region"() ({
        %run_scoped3A_126 = tpu.sem_alloc : memref<!tpu.dma_semaphore, #tpu.memory_space<semaphore_mem>>
        %dma_start3A_127 = arith.constant 0 : i32
        %dma_start3A_128 = tpu.memref_slice %arg7[%dma_start3A_127] : memref<320xf32, #tpu.memory_space<vmem>> -> memref<200xf32, #tpu.memory_space<vmem>>
        %dma_start3A_129 = tpu.memref_slice %arg4[%add3A] : memref<10000xf32, #tpu.memory_space<hbm>> -> memref<200xf32, #tpu.memory_space<hbm>>
        %dma_start3A_130 = tpu.memref_slice %arg4[%add3A] : memref<10000xf32, #tpu.memory_space<hbm>> -> memref<200xf32, #tpu.memory_space<hbm>>
        %dma_start3A_131 = arith.constant 0 : i32
        %dma_start3A_132 = tpu.memref_slice %arg7[%dma_start3A_131] : memref<320xf32, #tpu.memory_space<vmem>> -> memref<200xf32, #tpu.memory_space<vmem>>
        tpu.enqueue_dma source(%dma_start3A_132 : memref<200xf32, #tpu.memory_space<vmem>>) target(%dma_start3A_130 : memref<200xf32, #tpu.memory_space<hbm>>) target_semaphore(%run_scoped3A_126 : memref<!tpu.dma_semaphore, #tpu.memory_space<semaphore_mem>>)
        %dma_wait3A_133 = arith.constant 0 : i32
        %dma_wait3A_134 = tpu.memref_slice %arg7[%dma_wait3A_133] : memref<320xf32, #tpu.memory_space<vmem>> -> memref<200xf32, #tpu.memory_space<vmem>>
        %dma_wait3A_135 = tpu.memref_slice %arg4[%add3A] : memref<10000xf32, #tpu.memory_space<hbm>> -> memref<200xf32, #tpu.memory_space<hbm>>
        %dma_wait3A_136 = tpu.memref_slice %arg4[%add3A] : memref<10000xf32, #tpu.memory_space<hbm>> -> memref<200xf32, #tpu.memory_space<hbm>>
        %dma_wait3A_137 = arith.constant 0 : i32
        %dma_wait3A_138 = tpu.memref_slice %arg7[%dma_wait3A_137] : memref<320xf32, #tpu.memory_space<vmem>> -> memref<200xf32, #tpu.memory_space<vmem>>
        tpu.wait_dma2 semaphore(%run_scoped3A_126 : memref<!tpu.dma_semaphore, #tpu.memory_space<semaphore_mem>>) src(%dma_wait3A_138 : memref<200xf32, #tpu.memory_space<vmem>>) dst(%dma_wait3A_136 : memref<200xf32, #tpu.memory_space<hbm>>)
        tpu.yield
      }) : () -> ()
    } else {
    }
    return
  }
}

#map = affine_map<(d0, d1) -> (0, 0)>
#map1 = affine_map<(d0, d1) -> (0, 0, 0, 0)>
module attributes {stable_mosaic.version = 14 : i64} {
  func.func @_sc_scatter(%arg0: i32, %arg1: i32, %arg2: memref<20000x64xf32, #tpu.memory_space<hbm>>, %arg3: memref<2x16x216x96xi32, #tpu.memory_space<hbm>>, %arg4: memref<10016x64xf32, #tpu.memory_space<hbm>>, %arg5: memref<10000x128xf32, #tpu.memory_space<hbm>>, %arg6: memref<216x96xi32, #tpu.memory_space<vmem>>, %arg7: memref<216x96xi32, #tpu.memory_space<vmem>>, %arg8: memref<8x96x64xf32, #tpu.memory_space<vmem>>, %arg9: memref<10016x64xf32, #tpu.memory_space<vmem_shared>>, %arg10: memref<!tpu.dma_semaphore, #tpu.memory_space<semaphore_mem>>, %arg11: memref<!tpu.dma_semaphore, #tpu.memory_space<semaphore_mem>>, %arg12: memref<!tpu.dma_semaphore, #tpu.memory_space<semaphore_mem>>, %arg13: memref<!tpu.dma_semaphore, #tpu.memory_space<semaphore_mem>>, %arg14: memref<!tpu.dma_semaphore, #tpu.memory_space<semaphore_mem>>, %arg15: memref<!tpu.dma_semaphore, #tpu.memory_space<semaphore_mem>>, %arg16: memref<!tpu.dma_semaphore, #tpu.memory_space<semaphore_mem>>, %arg17: memref<!tpu.dma_semaphore, #tpu.memory_space<semaphore_mem>>, %arg18: memref<!tpu.dma_semaphore, #tpu.memory_space<semaphore_mem>>, %arg19: memref<!tpu.dma_semaphore, #tpu.memory_space<semaphore_mem>>, %arg20: memref<!tpu.dma_semaphore, #tpu.memory_space<semaphore_mem>>, %arg21: memref<!tpu.dma_semaphore, #tpu.memory_space<semaphore_mem>>, %arg22: memref<!tpu.dma_semaphore, #tpu.memory_space<semaphore_mem>>, %arg23: memref<!tpu.dma_semaphore, #tpu.memory_space<semaphore_mem>>, %arg24: memref<!tpu.dma_semaphore, #tpu.memory_space<semaphore_mem>>, %arg25: memref<!tpu.dma_semaphore, #tpu.memory_space<semaphore_mem>>) attributes {dimension_semantics = [#tpu.dimension_semantics<core_parallel>, #tpu.dimension_semantics<subcore_parallel>], iteration_bounds = array<i64: 2, 16>, scalar_prefetch = 0 : i64, scratch_operands = 20 : i64, tpu.core_type = #tpu.core_type<sc_vector_subcore>, window_params = [{transform_indices = #map}, {transform_indices = #map1}, {transform_indices = #map}, {transform_indices = #map}]} {
    %run_scoped3A = arith.constant 0 : i32
    "tpu.region"() ({
      %run_scoped3A_117 = tpu.sem_alloc : memref<!tpu.dma_semaphore, #tpu.memory_space<semaphore_mem>>
      %dma_start3A_118 = arith.constant 0 : i32
      %dma_start3A_119 = arith.constant 0 : i32
      %dma_start3A_120 = tpu.memref_slice %arg3[%run_scoped3A, %arg1, %dma_start3A_118, %dma_start3A_119] : memref<2x16x216x96xi32, #tpu.memory_space<hbm>> -> memref<1x1x216x96xi32, #tpu.memory_space<hbm>>
      %dma_start3A_121 = tpu.memref_squeeze %dma_start3A_120 : memref<1x1x216x96xi32, #tpu.memory_space<hbm>> -> memref<216x96xi32, #tpu.memory_space<hbm>>
      %dma_start3A_122 = arith.constant 0 : i32
      %dma_start3A_123 = arith.constant 0 : i32
      %dma_start3A_124 = tpu.memref_slice %arg3[%run_scoped3A, %arg1, %dma_start3A_122, %dma_start3A_123] : memref<2x16x216x96xi32, #tpu.memory_space<hbm>> -> memref<1x1x216x96xi32, #tpu.memory_space<hbm>>
      %dma_start3A_125 = tpu.memref_squeeze %dma_start3A_124 : memref<1x1x216x96xi32, #tpu.memory_space<hbm>> -> memref<216x96xi32, #tpu.memory_space<hbm>>
      tpu.enqueue_dma source(%dma_start3A_125 : memref<216x96xi32, #tpu.memory_space<hbm>>) target(%arg6 : memref<216x96xi32, #tpu.memory_space<vmem>>) target_semaphore(%run_scoped3A_117 : memref<!tpu.dma_semaphore, #tpu.memory_space<semaphore_mem>>)
      %dma_wait3A_126 = arith.constant 0 : i32
      %dma_wait3A_127 = arith.constant 0 : i32
      %dma_wait3A_128 = tpu.memref_slice %arg3[%run_scoped3A, %arg1, %dma_wait3A_126, %dma_wait3A_127] : memref<2x16x216x96xi32, #tpu.memory_space<hbm>> -> memref<1x1x216x96xi32, #tpu.memory_space<hbm>>
      %dma_wait3A_129 = tpu.memref_squeeze %dma_wait3A_128 : memref<1x1x216x96xi32, #tpu.memory_space<hbm>> -> memref<216x96xi32, #tpu.memory_space<hbm>>
      %dma_wait3A_130 = arith.constant 0 : i32
      %dma_wait3A_131 = arith.constant 0 : i32
      %dma_wait3A_132 = tpu.memref_slice %arg3[%run_scoped3A, %arg1, %dma_wait3A_130, %dma_wait3A_131] : memref<2x16x216x96xi32, #tpu.memory_space<hbm>> -> memref<1x1x216x96xi32, #tpu.memory_space<hbm>>
      %dma_wait3A_133 = tpu.memref_squeeze %dma_wait3A_132 : memref<1x1x216x96xi32, #tpu.memory_space<hbm>> -> memref<216x96xi32, #tpu.memory_space<hbm>>
      tpu.wait_dma2 semaphore(%run_scoped3A_117 : memref<!tpu.dma_semaphore, #tpu.memory_space<semaphore_mem>>) src(%dma_wait3A_133 : memref<216x96xi32, #tpu.memory_space<hbm>>) dst(%arg6 : memref<216x96xi32, #tpu.memory_space<vmem>>)
      tpu.yield
    }) : () -> ()
    %run_scoped3A_0 = arith.constant 1 : i32
    "tpu.region"() ({
      %run_scoped3A_117 = tpu.sem_alloc : memref<!tpu.dma_semaphore, #tpu.memory_space<semaphore_mem>>
      %dma_start3A_118 = arith.constant 0 : i32
      %dma_start3A_119 = arith.constant 0 : i32
      %dma_start3A_120 = tpu.memref_slice %arg3[%run_scoped3A_0, %arg1, %dma_start3A_118, %dma_start3A_119] : memref<2x16x216x96xi32, #tpu.memory_space<hbm>> -> memref<1x1x216x96xi32, #tpu.memory_space<hbm>>
      %dma_start3A_121 = tpu.memref_squeeze %dma_start3A_120 : memref<1x1x216x96xi32, #tpu.memory_space<hbm>> -> memref<216x96xi32, #tpu.memory_space<hbm>>
      %dma_start3A_122 = arith.constant 0 : i32
      %dma_start3A_123 = arith.constant 0 : i32
      %dma_start3A_124 = tpu.memref_slice %arg3[%run_scoped3A_0, %arg1, %dma_start3A_122, %dma_start3A_123] : memref<2x16x216x96xi32, #tpu.memory_space<hbm>> -> memref<1x1x216x96xi32, #tpu.memory_space<hbm>>
      %dma_start3A_125 = tpu.memref_squeeze %dma_start3A_124 : memref<1x1x216x96xi32, #tpu.memory_space<hbm>> -> memref<216x96xi32, #tpu.memory_space<hbm>>
      tpu.enqueue_dma source(%dma_start3A_125 : memref<216x96xi32, #tpu.memory_space<hbm>>) target(%arg7 : memref<216x96xi32, #tpu.memory_space<vmem>>) target_semaphore(%run_scoped3A_117 : memref<!tpu.dma_semaphore, #tpu.memory_space<semaphore_mem>>)
      %dma_wait3A_126 = arith.constant 0 : i32
      %dma_wait3A_127 = arith.constant 0 : i32
      %dma_wait3A_128 = tpu.memref_slice %arg3[%run_scoped3A_0, %arg1, %dma_wait3A_126, %dma_wait3A_127] : memref<2x16x216x96xi32, #tpu.memory_space<hbm>> -> memref<1x1x216x96xi32, #tpu.memory_space<hbm>>
      %dma_wait3A_129 = tpu.memref_squeeze %dma_wait3A_128 : memref<1x1x216x96xi32, #tpu.memory_space<hbm>> -> memref<216x96xi32, #tpu.memory_space<hbm>>
      %dma_wait3A_130 = arith.constant 0 : i32
      %dma_wait3A_131 = arith.constant 0 : i32
      %dma_wait3A_132 = tpu.memref_slice %arg3[%run_scoped3A_0, %arg1, %dma_wait3A_130, %dma_wait3A_131] : memref<2x16x216x96xi32, #tpu.memory_space<hbm>> -> memref<1x1x216x96xi32, #tpu.memory_space<hbm>>
      %dma_wait3A_133 = tpu.memref_squeeze %dma_wait3A_132 : memref<1x1x216x96xi32, #tpu.memory_space<hbm>> -> memref<216x96xi32, #tpu.memory_space<hbm>>
      tpu.wait_dma2 semaphore(%run_scoped3A_117 : memref<!tpu.dma_semaphore, #tpu.memory_space<semaphore_mem>>) src(%dma_wait3A_133 : memref<216x96xi32, #tpu.memory_space<hbm>>) dst(%arg7 : memref<216x96xi32, #tpu.memory_space<vmem>>)
      tpu.yield
    }) : () -> ()
    %scan3A = arith.constant 0 : i32
    %scan3A_1 = arith.constant 0 : i32
    %scan3A_2 = arith.constant 216 : i32
    %scan3A_3 = arith.addi %scan3A_1, %scan3A_2 : i32
    %scan3A_4 = arith.constant 1 : i32
    scf.for %scan3A_117 = %scan3A_1 to %scan3A_3 step %scan3A_4  : i32 {
      %scan3A_118 = arith.constant 0 : i32
      %scan3A_119 = arith.constant 6 : i32
      %scan3A_120 = arith.addi %scan3A_118, %scan3A_119 : i32
      %scan3A_121 = arith.constant 1 : i32
      scf.for %scan3A_123 = %scan3A_118 to %scan3A_120 step %scan3A_121  : i32 {
        %mul3A_124 = arith.constant 16 : i32
        %mul3A_125 = arith.muli %scan3A_123, %mul3A_124 : i32
        %get3A = arith.index_cast %scan3A_117 : i32 to index
        %get3A_126 = arith.index_cast %mul3A_125 : i32 to index
        %get3A_127 = tpu.vector_load %arg6[%get3A, %get3A_126] {strides = array<i32>} : memref<216x96xi32, #tpu.memory_space<vmem>>, vector<1x16xi32>,
        %get3A_128 = vector.shape_cast %get3A_127 : vector<1x16xi32> to vector<16xi32>
        %mul3A_129 = arith.constant 2 : i32
        %mul3A_130 = vector.broadcast %mul3A_129 : i32 to vector<16xi32>
        %mul3A_131 = arith.muli %get3A_128, %mul3A_130 : vector<16xi32>
        %add3A = vector.broadcast %arg0 : i32 to vector<16xi32>
        %add3A_132 = arith.addi %mul3A_131, %add3A : vector<16xi32>
        %mul3A_133 = arith.constant 16 : i32
        %mul3A_134 = arith.muli %scan3A_123, %mul3A_133 : i32
        %swap3A = arith.index_cast %scan3A_117 : i32 to index
        %swap3A_135 = arith.index_cast %mul3A_134 : i32 to index
        %swap3A_136 = tpu.vector_load %arg6[%swap3A, %swap3A_135] {strides = array<i32>} : memref<216x96xi32, #tpu.memory_space<vmem>>, vector<1x16xi32>,
        %swap3A_137 = vector.shape_cast %swap3A_136 : vector<1x16xi32> to vector<16xi32>
        %swap3A_138 = vector.shape_cast %add3A_132 : vector<16xi32> to vector<1x16xi32>
        tpu.vector_store %arg6[%swap3A, %swap3A_135], %swap3A_138 {strides = array<i32>} : memref<216x96xi32, #tpu.memory_space<vmem>>, vector<1x16xi32>,
      }
      %scan3A_122 = arith.constant 6 : i32
    }
    %scan3A_5 = arith.constant 216 : i32
    %mul3A = arith.constant 624 : i32
    %mul3A_6 = arith.muli %arg1, %mul3A : i32
    "tpu.region"() ({
      %run_scoped3A_117 = tpu.sem_alloc : memref<!tpu.dma_semaphore, #tpu.memory_space<semaphore_mem>>
      %dma_start3A_118 = arith.constant 0 : i32
      %dma_start3A_119 = tpu.memref_slice %arg9[%mul3A_6, %dma_start3A_118] : memref<10016x64xf32, #tpu.memory_space<vmem_shared>> -> memref<624x64xf32, #tpu.memory_space<vmem_shared>>
      %dma_start3A_120 = arith.constant 0 : i32
      %dma_start3A_121 = tpu.memref_slice %arg4[%mul3A_6, %dma_start3A_120] : memref<10016x64xf32, #tpu.memory_space<hbm>> -> memref<624x64xf32, #tpu.memory_space<hbm>>
      tpu.enqueue_dma source(%dma_start3A_121 : memref<624x64xf32, #tpu.memory_space<hbm>>) target(%dma_start3A_119 : memref<624x64xf32, #tpu.memory_space<vmem_shared>>) target_semaphore(%run_scoped3A_117 : memref<!tpu.dma_semaphore, #tpu.memory_space<semaphore_mem>>)
      %dma_wait3A_122 = arith.constant 0 : i32
      %dma_wait3A_123 = tpu.memref_slice %arg9[%mul3A_6, %dma_wait3A_122] : memref<10016x64xf32, #tpu.memory_space<vmem_shared>> -> memref<624x64xf32, #tpu.memory_space<vmem_shared>>
      %dma_wait3A_124 = arith.constant 0 : i32
      %dma_wait3A_125 = tpu.memref_slice %arg4[%mul3A_6, %dma_wait3A_124] : memref<10016x64xf32, #tpu.memory_space<hbm>> -> memref<624x64xf32, #tpu.memory_space<hbm>>
      tpu.wait_dma2 semaphore(%run_scoped3A_117 : memref<!tpu.dma_semaphore, #tpu.memory_space<semaphore_mem>>) src(%dma_wait3A_125 : memref<624x64xf32, #tpu.memory_space<hbm>>) dst(%dma_wait3A_123 : memref<624x64xf32, #tpu.memory_space<vmem_shared>>)
      tpu.yield
    }) : () -> ()
    %eq3A = arith.constant 0 : i32
    %eq3A_7 = arith.cmpi eq, %arg1, %eq3A : i32
    %convert_element_type3A = arith.extui %eq3A_7 : i1 to i32
    %cond3A = arith.constant 0 : i32
    %cond3A_8 = arith.cmpi ne, %convert_element_type3A, %cond3A : i32
    scf.if %cond3A_8 {
      "tpu.region"() ({
        %run_scoped3A_117 = tpu.sem_alloc : memref<!tpu.dma_semaphore, #tpu.memory_space<semaphore_mem>>
        %dma_start3A_118 = arith.constant 9984 : i32
        %dma_start3A_119 = arith.constant 0 : i32
        %dma_start3A_120 = tpu.memref_slice %arg9[%dma_start3A_118, %dma_start3A_119] : memref<10016x64xf32, #tpu.memory_space<vmem_shared>> -> memref<32x64xf32, #tpu.memory_space<vmem_shared>>
        %dma_start3A_121 = arith.constant 9984 : i32
        %dma_start3A_122 = arith.constant 0 : i32
        %dma_start3A_123 = tpu.memref_slice %arg4[%dma_start3A_121, %dma_start3A_122] : memref<10016x64xf32, #tpu.memory_space<hbm>> -> memref<32x64xf32, #tpu.memory_space<hbm>>
        tpu.enqueue_dma source(%dma_start3A_123 : memref<32x64xf32, #tpu.memory_space<hbm>>) target(%dma_start3A_120 : memref<32x64xf32, #tpu.memory_space<vmem_shared>>) target_semaphore(%run_scoped3A_117 : memref<!tpu.dma_semaphore, #tpu.memory_space<semaphore_mem>>)
        %dma_wait3A_124 = arith.constant 9984 : i32
        %dma_wait3A_125 = arith.constant 0 : i32
        %dma_wait3A_126 = tpu.memref_slice %arg9[%dma_wait3A_124, %dma_wait3A_125] : memref<10016x64xf32, #tpu.memory_space<vmem_shared>> -> memref<32x64xf32, #tpu.memory_space<vmem_shared>>
        %dma_wait3A_127 = arith.constant 9984 : i32
        %dma_wait3A_128 = arith.constant 0 : i32
        %dma_wait3A_129 = tpu.memref_slice %arg4[%dma_wait3A_127, %dma_wait3A_128] : memref<10016x64xf32, #tpu.memory_space<hbm>> -> memref<32x64xf32, #tpu.memory_space<hbm>>
        tpu.wait_dma2 semaphore(%run_scoped3A_117 : memref<!tpu.dma_semaphore, #tpu.memory_space<semaphore_mem>>) src(%dma_wait3A_129 : memref<32x64xf32, #tpu.memory_space<hbm>>) dst(%dma_wait3A_126 : memref<32x64xf32, #tpu.memory_space<vmem_shared>>)
        tpu.yield
      }) : () -> ()
    } else {
    }
    %barrier3A = arith.constant 0 : index
    tpu.barrier barrier_id(%barrier3A)
    %dma_start3A = arith.constant 0 : i32
    %dma_start3A_9 = arith.constant 0 : i32
    %dma_start3A_10 = arith.constant 0 : i32
    %dma_start3A_11 = arith.constant 0 : i32
    %dma_start3A_12 = tpu.memref_slice %arg8[%dma_start3A_9, %dma_start3A_10, %dma_start3A_11] : memref<8x96x64xf32, #tpu.memory_space<vmem>> -> memref<1x96x64xf32, #tpu.memory_space<vmem>>
    %dma_start3A_13 = tpu.memref_squeeze %dma_start3A_12 : memref<1x96x64xf32, #tpu.memory_space<vmem>> -> memref<96x64xf32, #tpu.memory_space<vmem>>
    %dma_start3A_14 = arith.constant 0 : i32
    %dma_start3A_15 = tpu.memref_slice %arg6[%dma_start3A, %dma_start3A_14] : memref<216x96xi32, #tpu.memory_space<vmem>> -> memref<1x96xi32, #tpu.memory_space<vmem>>
    %dma_start3A_16 = tpu.memref_squeeze %dma_start3A_15 : memref<1x96xi32, #tpu.memory_space<vmem>> -> memref<96xi32, #tpu.memory_space<vmem>>
    %dma_start3A_17 = arith.constant 0 : i32
    %dma_start3A_18 = arith.constant 0 : i32
    %dma_start3A_19 = tpu.memref_slice %arg2[%dma_start3A_17, %dma_start3A_18] : memref<20000x64xf32, #tpu.memory_space<hbm>> -> memref<20000x64xf32, #tpu.memory_space<hbm>>
    tpu.enqueue_indirect_dma source(%dma_start3A_19 : memref<20000x64xf32, #tpu.memory_space<hbm>>) target(%dma_start3A_13 : memref<96x64xf32, #tpu.memory_space<vmem>>) offsets(%dma_start3A_16 : memref<96xi32, #tpu.memory_space<vmem>>) semaphore(%arg10 : memref<!tpu.dma_semaphore, #tpu.memory_space<semaphore_mem>>)
    %dma_start3A_20 = arith.constant 1 : i32
    %dma_start3A_21 = arith.constant 1 : i32
    %dma_start3A_22 = arith.constant 0 : i32
    %dma_start3A_23 = arith.constant 0 : i32
    %dma_start3A_24 = tpu.memref_slice %arg8[%dma_start3A_21, %dma_start3A_22, %dma_start3A_23] : memref<8x96x64xf32, #tpu.memory_space<vmem>> -> memref<1x96x64xf32, #tpu.memory_space<vmem>>
    %dma_start3A_25 = tpu.memref_squeeze %dma_start3A_24 : memref<1x96x64xf32, #tpu.memory_space<vmem>> -> memref<96x64xf32, #tpu.memory_space<vmem>>
    %dma_start3A_26 = arith.constant 0 : i32
    %dma_start3A_27 = tpu.memref_slice %arg6[%dma_start3A_20, %dma_start3A_26] : memref<216x96xi32, #tpu.memory_space<vmem>> -> memref<1x96xi32, #tpu.memory_space<vmem>>
    %dma_start3A_28 = tpu.memref_squeeze %dma_start3A_27 : memref<1x96xi32, #tpu.memory_space<vmem>> -> memref<96xi32, #tpu.memory_space<vmem>>
    %dma_start3A_29 = arith.constant 0 : i32
    %dma_start3A_30 = arith.constant 0 : i32
    %dma_start3A_31 = tpu.memref_slice %arg2[%dma_start3A_29, %dma_start3A_30] : memref<20000x64xf32, #tpu.memory_space<hbm>> -> memref<20000x64xf32, #tpu.memory_space<hbm>>
    tpu.enqueue_indirect_dma source(%dma_start3A_31 : memref<20000x64xf32, #tpu.memory_space<hbm>>) target(%dma_start3A_25 : memref<96x64xf32, #tpu.memory_space<vmem>>) offsets(%dma_start3A_28 : memref<96xi32, #tpu.memory_space<vmem>>) semaphore(%arg11 : memref<!tpu.dma_semaphore, #tpu.memory_space<semaphore_mem>>)
    %dma_start3A_32 = arith.constant 2 : i32
    %dma_start3A_33 = arith.constant 2 : i32
    %dma_start3A_34 = arith.constant 0 : i32
    %dma_start3A_35 = arith.constant 0 : i32
    %dma_start3A_36 = tpu.memref_slice %arg8[%dma_start3A_33, %dma_start3A_34, %dma_start3A_35] : memref<8x96x64xf32, #tpu.memory_space<vmem>> -> memref<1x96x64xf32, #tpu.memory_space<vmem>>
    %dma_start3A_37 = tpu.memref_squeeze %dma_start3A_36 : memref<1x96x64xf32, #tpu.memory_space<vmem>> -> memref<96x64xf32, #tpu.memory_space<vmem>>
    %dma_start3A_38 = arith.constant 0 : i32
    %dma_start3A_39 = tpu.memref_slice %arg6[%dma_start3A_32, %dma_start3A_38] : memref<216x96xi32, #tpu.memory_space<vmem>> -> memref<1x96xi32, #tpu.memory_space<vmem>>
    %dma_start3A_40 = tpu.memref_squeeze %dma_start3A_39 : memref<1x96xi32, #tpu.memory_space<vmem>> -> memref<96xi32, #tpu.memory_space<vmem>>
    %dma_start3A_41 = arith.constant 0 : i32
    %dma_start3A_42 = arith.constant 0 : i32
    %dma_start3A_43 = tpu.memref_slice %arg2[%dma_start3A_41, %dma_start3A_42] : memref<20000x64xf32, #tpu.memory_space<hbm>> -> memref<20000x64xf32, #tpu.memory_space<hbm>>
    tpu.enqueue_indirect_dma source(%dma_start3A_43 : memref<20000x64xf32, #tpu.memory_space<hbm>>) target(%dma_start3A_37 : memref<96x64xf32, #tpu.memory_space<vmem>>) offsets(%dma_start3A_40 : memref<96xi32, #tpu.memory_space<vmem>>) semaphore(%arg12 : memref<!tpu.dma_semaphore, #tpu.memory_space<semaphore_mem>>)
    %dma_start3A_44 = arith.constant 3 : i32
    %dma_start3A_45 = arith.constant 3 : i32
    %dma_start3A_46 = arith.constant 0 : i32
    %dma_start3A_47 = arith.constant 0 : i32
    %dma_start3A_48 = tpu.memref_slice %arg8[%dma_start3A_45, %dma_start3A_46, %dma_start3A_47] : memref<8x96x64xf32, #tpu.memory_space<vmem>> -> memref<1x96x64xf32, #tpu.memory_space<vmem>>
    %dma_start3A_49 = tpu.memref_squeeze %dma_start3A_48 : memref<1x96x64xf32, #tpu.memory_space<vmem>> -> memref<96x64xf32, #tpu.memory_space<vmem>>
    %dma_start3A_50 = arith.constant 0 : i32
    %dma_start3A_51 = tpu.memref_slice %arg6[%dma_start3A_44, %dma_start3A_50] : memref<216x96xi32, #tpu.memory_space<vmem>> -> memref<1x96xi32, #tpu.memory_space<vmem>>
    %dma_start3A_52 = tpu.memref_squeeze %dma_start3A_51 : memref<1x96xi32, #tpu.memory_space<vmem>> -> memref<96xi32, #tpu.memory_space<vmem>>
    %dma_start3A_53 = arith.constant 0 : i32
    %dma_start3A_54 = arith.constant 0 : i32
    %dma_start3A_55 = tpu.memref_slice %arg2[%dma_start3A_53, %dma_start3A_54] : memref<20000x64xf32, #tpu.memory_space<hbm>> -> memref<20000x64xf32, #tpu.memory_space<hbm>>
    tpu.enqueue_indirect_dma source(%dma_start3A_55 : memref<20000x64xf32, #tpu.memory_space<hbm>>) target(%dma_start3A_49 : memref<96x64xf32, #tpu.memory_space<vmem>>) offsets(%dma_start3A_52 : memref<96xi32, #tpu.memory_space<vmem>>) semaphore(%arg13 : memref<!tpu.dma_semaphore, #tpu.memory_space<semaphore_mem>>)
    %scan3A_56 = arith.constant 0 : i32
    %scan3A_57 = arith.constant 0 : i32
    %scan3A_58 = arith.constant 27 : i32
    %scan3A_59 = arith.addi %scan3A_57, %scan3A_58 : i32
    %scan3A_60 = arith.constant 1 : i32
    scf.for %scan3A_117 = %scan3A_57 to %scan3A_59 step %scan3A_60  : i32 {
      %mul3A_118 = arith.constant 8 : i32
      %mul3A_119 = arith.muli %mul3A_118, %scan3A_117 : i32
      %add3A = arith.constant 0 : i32
      %add3A_120 = arith.addi %mul3A_119, %add3A : i32
      %dma_wait3A_121 = arith.constant 0 : i32
      %dma_wait3A_122 = arith.constant 0 : i32
      %dma_wait3A_123 = arith.constant 0 : i32
      %dma_wait3A_124 = tpu.memref_slice %arg8[%dma_wait3A_121, %dma_wait3A_122, %dma_wait3A_123] : memref<8x96x64xf32, #tpu.memory_space<vmem>> -> memref<1x96x64xf32, #tpu.memory_space<vmem>>
      %dma_wait3A_125 = tpu.memref_squeeze %dma_wait3A_124 : memref<1x96x64xf32, #tpu.memory_space<vmem>> -> memref<96x64xf32, #tpu.memory_space<vmem>>
      %dma_wait3A_126 = arith.constant 0 : i32
      %dma_wait3A_127 = tpu.memref_slice %arg6[%add3A_120, %dma_wait3A_126] : memref<216x96xi32, #tpu.memory_space<vmem>> -> memref<1x96xi32, #tpu.memory_space<vmem>>
      %dma_wait3A_128 = tpu.memref_squeeze %dma_wait3A_127 : memref<1x96xi32, #tpu.memory_space<vmem>> -> memref<96xi32, #tpu.memory_space<vmem>>
      %dma_wait3A_129 = arith.constant 0 : i32
      %dma_wait3A_130 = arith.constant 0 : i32
      %dma_wait3A_131 = tpu.memref_slice %arg2[%dma_wait3A_129, %dma_wait3A_130] : memref<20000x64xf32, #tpu.memory_space<hbm>> -> memref<20000x64xf32, #tpu.memory_space<hbm>>
      tpu.wait_indirect_dma semaphore(%arg10 : memref<!tpu.dma_semaphore, #tpu.memory_space<semaphore_mem>>) src(%dma_wait3A_131 : memref<20000x64xf32, #tpu.memory_space<hbm>>) dst(%dma_wait3A_125 : memref<96x64xf32, #tpu.memory_space<vmem>>)
      %dma_start3A_132 = arith.constant 0 : i32
      %dma_start3A_133 = arith.constant 0 : i32
      %dma_start3A_134 = arith.constant 0 : i32
      %dma_start3A_135 = tpu.memref_slice %arg8[%dma_start3A_132, %dma_start3A_133, %dma_start3A_134] : memref<8x96x64xf32, #tpu.memory_space<vmem>> -> memref<1x96x64xf32, #tpu.memory_space<vmem>>
      %dma_start3A_136 = tpu.memref_squeeze %dma_start3A_135 : memref<1x96x64xf32, #tpu.memory_space<vmem>> -> memref<96x64xf32, #tpu.memory_space<vmem>>
      %dma_start3A_137 = arith.constant 0 : i32
      %dma_start3A_138 = tpu.memref_slice %arg7[%add3A_120, %dma_start3A_137] : memref<216x96xi32, #tpu.memory_space<vmem>> -> memref<1x96xi32, #tpu.memory_space<vmem>>
      %dma_start3A_139 = tpu.memref_squeeze %dma_start3A_138 : memref<1x96xi32, #tpu.memory_space<vmem>> -> memref<96xi32, #tpu.memory_space<vmem>>
      %dma_start3A_140 = arith.constant 0 : i32
      %dma_start3A_141 = arith.constant 0 : i32
      %dma_start3A_142 = tpu.memref_slice %arg9[%dma_start3A_140, %dma_start3A_141] : memref<10016x64xf32, #tpu.memory_space<vmem_shared>> -> memref<10016x64xf32, #tpu.memory_space<vmem_shared>>
      tpu.enqueue_indirect_dma source(%dma_start3A_136 : memref<96x64xf32, #tpu.memory_space<vmem>>) target(%dma_start3A_142 : memref<10016x64xf32, #tpu.memory_space<vmem_shared>>) offsets(%dma_start3A_139 : memref<96xi32, #tpu.memory_space<vmem>>) semaphore(%arg18 : memref<!tpu.dma_semaphore, #tpu.memory_space<semaphore_mem>>) {add = true}
      %ge3A = arith.constant 4 : i32
      %ge3A_143 = arith.cmpi sge, %add3A_120, %ge3A : i32
      %convert_element_type3A_144 = arith.extui %ge3A_143 : i1 to i32
      %cond3A_145 = arith.constant 0 : i32
      %cond3A_146 = arith.cmpi ne, %convert_element_type3A_144, %cond3A_145 : i32
      scf.if %cond3A_146 {
        %sub3A = arith.constant 4 : i32
        %sub3A_419 = arith.subi %add3A_120, %sub3A : i32
        %dma_wait3A_420 = arith.constant 4 : i32
        %dma_wait3A_421 = arith.constant 0 : i32
        %dma_wait3A_422 = arith.constant 0 : i32
        %dma_wait3A_423 = tpu.memref_slice %arg8[%dma_wait3A_420, %dma_wait3A_421, %dma_wait3A_422] : memref<8x96x64xf32, #tpu.memory_space<vmem>> -> memref<1x96x64xf32, #tpu.memory_space<vmem>>
        %dma_wait3A_424 = tpu.memref_squeeze %dma_wait3A_423 : memref<1x96x64xf32, #tpu.memory_space<vmem>> -> memref<96x64xf32, #tpu.memory_space<vmem>>
        %dma_wait3A_425 = arith.constant 0 : i32
        %dma_wait3A_426 = tpu.memref_slice %arg7[%sub3A_419, %dma_wait3A_425] : memref<216x96xi32, #tpu.memory_space<vmem>> -> memref<1x96xi32, #tpu.memory_space<vmem>>
        %dma_wait3A_427 = tpu.memref_squeeze %dma_wait3A_426 : memref<1x96xi32, #tpu.memory_space<vmem>> -> memref<96xi32, #tpu.memory_space<vmem>>
        %dma_wait3A_428 = arith.constant 0 : i32
        %dma_wait3A_429 = arith.constant 0 : i32
        %dma_wait3A_430 = tpu.memref_slice %arg9[%dma_wait3A_428, %dma_wait3A_429] : memref<10016x64xf32, #tpu.memory_space<vmem_shared>> -> memref<10016x64xf32, #tpu.memory_space<vmem_shared>>
        tpu.wait_indirect_dma semaphore(%arg22 : memref<!tpu.dma_semaphore, #tpu.memory_space<semaphore_mem>>) src(%dma_wait3A_424 : memref<96x64xf32, #tpu.memory_space<vmem>>) dst(%dma_wait3A_430 : memref<10016x64xf32, #tpu.memory_space<vmem_shared>>)
      } else {
      }
      %add3A_147 = arith.constant 4 : i32
      %add3A_148 = arith.addi %add3A_120, %add3A_147 : i32
      %lt3A = arith.constant 216 : i32
      %lt3A_149 = arith.cmpi slt, %add3A_148, %lt3A : i32
      %convert_element_type3A_150 = arith.extui %lt3A_149 : i1 to i32
      %cond3A_151 = arith.constant 0 : i32
      %cond3A_152 = arith.cmpi ne, %convert_element_type3A_150, %cond3A_151 : i32
      scf.if %cond3A_152 {
        %add3A_419 = arith.constant 4 : i32
        %add3A_420 = arith.addi %add3A_120, %add3A_419 : i32
        %dma_start3A_421 = arith.constant 4 : i32
        %dma_start3A_422 = arith.constant 0 : i32
        %dma_start3A_423 = arith.constant 0 : i32
        %dma_start3A_424 = tpu.memref_slice %arg8[%dma_start3A_421, %dma_start3A_422, %dma_start3A_423] : memref<8x96x64xf32, #tpu.memory_space<vmem>> -> memref<1x96x64xf32, #tpu.memory_space<vmem>>
        %dma_start3A_425 = tpu.memref_squeeze %dma_start3A_424 : memref<1x96x64xf32, #tpu.memory_space<vmem>> -> memref<96x64xf32, #tpu.memory_space<vmem>>
        %dma_start3A_426 = arith.constant 0 : i32
        %dma_start3A_427 = tpu.memref_slice %arg6[%add3A_420, %dma_start3A_426] : memref<216x96xi32, #tpu.memory_space<vmem>> -> memref<1x96xi32, #tpu.memory_space<vmem>>
        %dma_start3A_428 = tpu.memref_squeeze %dma_start3A_427 : memref<1x96xi32, #tpu.memory_space<vmem>> -> memref<96xi32, #tpu.memory_space<vmem>>
        %dma_start3A_429 = arith.constant 0 : i32
        %dma_start3A_430 = arith.constant 0 : i32
        %dma_start3A_431 = tpu.memref_slice %arg2[%dma_start3A_429, %dma_start3A_430] : memref<20000x64xf32, #tpu.memory_space<hbm>> -> memref<20000x64xf32, #tpu.memory_space<hbm>>
        tpu.enqueue_indirect_dma source(%dma_start3A_431 : memref<20000x64xf32, #tpu.memory_space<hbm>>) target(%dma_start3A_425 : memref<96x64xf32, #tpu.memory_space<vmem>>) offsets(%dma_start3A_428 : memref<96xi32, #tpu.memory_space<vmem>>) semaphore(%arg14 : memref<!tpu.dma_semaphore, #tpu.memory_space<semaphore_mem>>)
      } else {
      }
      %mul3A_153 = arith.constant 8 : i32
      %mul3A_154 = arith.muli %mul3A_153, %scan3A_117 : i32
      %add3A_155 = arith.constant 1 : i32
      %add3A_156 = arith.addi %mul3A_154, %add3A_155 : i32
      %dma_wait3A_157 = arith.constant 1 : i32
      %dma_wait3A_158 = arith.constant 0 : i32
      %dma_wait3A_159 = arith.constant 0 : i32
      %dma_wait3A_160 = tpu.memref_slice %arg8[%dma_wait3A_157, %dma_wait3A_158, %dma_wait3A_159] : memref<8x96x64xf32, #tpu.memory_space<vmem>> -> memref<1x96x64xf32, #tpu.memory_space<vmem>>
      %dma_wait3A_161 = tpu.memref_squeeze %dma_wait3A_160 : memref<1x96x64xf32, #tpu.memory_space<vmem>> -> memref<96x64xf32, #tpu.memory_space<vmem>>
      %dma_wait3A_162 = arith.constant 0 : i32
      %dma_wait3A_163 = tpu.memref_slice %arg6[%add3A_156, %dma_wait3A_162] : memref<216x96xi32, #tpu.memory_space<vmem>> -> memref<1x96xi32, #tpu.memory_space<vmem>>
      %dma_wait3A_164 = tpu.memref_squeeze %dma_wait3A_163 : memref<1x96xi32, #tpu.memory_space<vmem>> -> memref<96xi32, #tpu.memory_space<vmem>>
      %dma_wait3A_165 = arith.constant 0 : i32
      %dma_wait3A_166 = arith.constant 0 : i32
      %dma_wait3A_167 = tpu.memref_slice %arg2[%dma_wait3A_165, %dma_wait3A_166] : memref<20000x64xf32, #tpu.memory_space<hbm>> -> memref<20000x64xf32, #tpu.memory_space<hbm>>
      tpu.wait_indirect_dma semaphore(%arg11 : memref<!tpu.dma_semaphore, #tpu.memory_space<semaphore_mem>>) src(%dma_wait3A_167 : memref<20000x64xf32, #tpu.memory_space<hbm>>) dst(%dma_wait3A_161 : memref<96x64xf32, #tpu.memory_space<vmem>>)
      %dma_start3A_168 = arith.constant 1 : i32
      %dma_start3A_169 = arith.constant 0 : i32
      %dma_start3A_170 = arith.constant 0 : i32
      %dma_start3A_171 = tpu.memref_slice %arg8[%dma_start3A_168, %dma_start3A_169, %dma_start3A_170] : memref<8x96x64xf32, #tpu.memory_space<vmem>> -> memref<1x96x64xf32, #tpu.memory_space<vmem>>
      %dma_start3A_172 = tpu.memref_squeeze %dma_start3A_171 : memref<1x96x64xf32, #tpu.memory_space<vmem>> -> memref<96x64xf32, #tpu.memory_space<vmem>>
      %dma_start3A_173 = arith.constant 0 : i32
      %dma_start3A_174 = tpu.memref_slice %arg7[%add3A_156, %dma_start3A_173] : memref<216x96xi32, #tpu.memory_space<vmem>> -> memref<1x96xi32, #tpu.memory_space<vmem>>
      %dma_start3A_175 = tpu.memref_squeeze %dma_start3A_174 : memref<1x96xi32, #tpu.memory_space<vmem>> -> memref<96xi32, #tpu.memory_space<vmem>>
      %dma_start3A_176 = arith.constant 0 : i32
      %dma_start3A_177 = arith.constant 0 : i32
      %dma_start3A_178 = tpu.memref_slice %arg9[%dma_start3A_176, %dma_start3A_177] : memref<10016x64xf32, #tpu.memory_space<vmem_shared>> -> memref<10016x64xf32, #tpu.memory_space<vmem_shared>>
      tpu.enqueue_indirect_dma source(%dma_start3A_172 : memref<96x64xf32, #tpu.memory_space<vmem>>) target(%dma_start3A_178 : memref<10016x64xf32, #tpu.memory_space<vmem_shared>>) offsets(%dma_start3A_175 : memref<96xi32, #tpu.memory_space<vmem>>) semaphore(%arg19 : memref<!tpu.dma_semaphore, #tpu.memory_space<semaphore_mem>>) {add = true}
      %ge3A_179 = arith.constant 4 : i32
      %ge3A_180 = arith.cmpi sge, %add3A_156, %ge3A_179 : i32
      %convert_element_type3A_181 = arith.extui %ge3A_180 : i1 to i32
      %cond3A_182 = arith.constant 0 : i32
      %cond3A_183 = arith.cmpi ne, %convert_element_type3A_181, %cond3A_182 : i32
      scf.if %cond3A_183 {
        %sub3A = arith.constant 4 : i32
        %sub3A_419 = arith.subi %add3A_156, %sub3A : i32
        %dma_wait3A_420 = arith.constant 5 : i32
        %dma_wait3A_421 = arith.constant 0 : i32
        %dma_wait3A_422 = arith.constant 0 : i32
        %dma_wait3A_423 = tpu.memref_slice %arg8[%dma_wait3A_420, %dma_wait3A_421, %dma_wait3A_422] : memref<8x96x64xf32, #tpu.memory_space<vmem>> -> memref<1x96x64xf32, #tpu.memory_space<vmem>>
        %dma_wait3A_424 = tpu.memref_squeeze %dma_wait3A_423 : memref<1x96x64xf32, #tpu.memory_space<vmem>> -> memref<96x64xf32, #tpu.memory_space<vmem>>
        %dma_wait3A_425 = arith.constant 0 : i32
        %dma_wait3A_426 = tpu.memref_slice %arg7[%sub3A_419, %dma_wait3A_425] : memref<216x96xi32, #tpu.memory_space<vmem>> -> memref<1x96xi32, #tpu.memory_space<vmem>>
        %dma_wait3A_427 = tpu.memref_squeeze %dma_wait3A_426 : memref<1x96xi32, #tpu.memory_space<vmem>> -> memref<96xi32, #tpu.memory_space<vmem>>
        %dma_wait3A_428 = arith.constant 0 : i32
        %dma_wait3A_429 = arith.constant 0 : i32
        %dma_wait3A_430 = tpu.memref_slice %arg9[%dma_wait3A_428, %dma_wait3A_429] : memref<10016x64xf32, #tpu.memory_space<vmem_shared>> -> memref<10016x64xf32, #tpu.memory_space<vmem_shared>>
        tpu.wait_indirect_dma semaphore(%arg23 : memref<!tpu.dma_semaphore, #tpu.memory_space<semaphore_mem>>) src(%dma_wait3A_424 : memref<96x64xf32, #tpu.memory_space<vmem>>) dst(%dma_wait3A_430 : memref<10016x64xf32, #tpu.memory_space<vmem_shared>>)
      } else {
      }
      %add3A_184 = arith.constant 4 : i32
      %add3A_185 = arith.addi %add3A_156, %add3A_184 : i32
      %lt3A_186 = arith.constant 216 : i32
      %lt3A_187 = arith.cmpi slt, %add3A_185, %lt3A_186 : i32
      %convert_element_type3A_188 = arith.extui %lt3A_187 : i1 to i32
      %cond3A_189 = arith.constant 0 : i32
      %cond3A_190 = arith.cmpi ne, %convert_element_type3A_188, %cond3A_189 : i32
      scf.if %cond3A_190 {
        %add3A_419 = arith.constant 4 : i32
        %add3A_420 = arith.addi %add3A_156, %add3A_419 : i32
        %dma_start3A_421 = arith.constant 5 : i32
        %dma_start3A_422 = arith.constant 0 : i32
        %dma_start3A_423 = arith.constant 0 : i32
        %dma_start3A_424 = tpu.memref_slice %arg8[%dma_start3A_421, %dma_start3A_422, %dma_start3A_423] : memref<8x96x64xf32, #tpu.memory_space<vmem>> -> memref<1x96x64xf32, #tpu.memory_space<vmem>>
        %dma_start3A_425 = tpu.memref_squeeze %dma_start3A_424 : memref<1x96x64xf32, #tpu.memory_space<vmem>> -> memref<96x64xf32, #tpu.memory_space<vmem>>
        %dma_start3A_426 = arith.constant 0 : i32
        %dma_start3A_427 = tpu.memref_slice %arg6[%add3A_420, %dma_start3A_426] : memref<216x96xi32, #tpu.memory_space<vmem>> -> memref<1x96xi32, #tpu.memory_space<vmem>>
        %dma_start3A_428 = tpu.memref_squeeze %dma_start3A_427 : memref<1x96xi32, #tpu.memory_space<vmem>> -> memref<96xi32, #tpu.memory_space<vmem>>
        %dma_start3A_429 = arith.constant 0 : i32
        %dma_start3A_430 = arith.constant 0 : i32
        %dma_start3A_431 = tpu.memref_slice %arg2[%dma_start3A_429, %dma_start3A_430] : memref<20000x64xf32, #tpu.memory_space<hbm>> -> memref<20000x64xf32, #tpu.memory_space<hbm>>
        tpu.enqueue_indirect_dma source(%dma_start3A_431 : memref<20000x64xf32, #tpu.memory_space<hbm>>) target(%dma_start3A_425 : memref<96x64xf32, #tpu.memory_space<vmem>>) offsets(%dma_start3A_428 : memref<96xi32, #tpu.memory_space<vmem>>) semaphore(%arg15 : memref<!tpu.dma_semaphore, #tpu.memory_space<semaphore_mem>>)
      } else {
      }
      %mul3A_191 = arith.constant 8 : i32
      %mul3A_192 = arith.muli %mul3A_191, %scan3A_117 : i32
      %add3A_193 = arith.constant 2 : i32
      %add3A_194 = arith.addi %mul3A_192, %add3A_193 : i32
      %dma_wait3A_195 = arith.constant 2 : i32
      %dma_wait3A_196 = arith.constant 0 : i32
      %dma_wait3A_197 = arith.constant 0 : i32
      %dma_wait3A_198 = tpu.memref_slice %arg8[%dma_wait3A_195, %dma_wait3A_196, %dma_wait3A_197] : memref<8x96x64xf32, #tpu.memory_space<vmem>> -> memref<1x96x64xf32, #tpu.memory_space<vmem>>
      %dma_wait3A_199 = tpu.memref_squeeze %dma_wait3A_198 : memref<1x96x64xf32, #tpu.memory_space<vmem>> -> memref<96x64xf32, #tpu.memory_space<vmem>>
      %dma_wait3A_200 = arith.constant 0 : i32
      %dma_wait3A_201 = tpu.memref_slice %arg6[%add3A_194, %dma_wait3A_200] : memref<216x96xi32, #tpu.memory_space<vmem>> -> memref<1x96xi32, #tpu.memory_space<vmem>>
      %dma_wait3A_202 = tpu.memref_squeeze %dma_wait3A_201 : memref<1x96xi32, #tpu.memory_space<vmem>> -> memref<96xi32, #tpu.memory_space<vmem>>
      %dma_wait3A_203 = arith.constant 0 : i32
      %dma_wait3A_204 = arith.constant 0 : i32
      %dma_wait3A_205 = tpu.memref_slice %arg2[%dma_wait3A_203, %dma_wait3A_204] : memref<20000x64xf32, #tpu.memory_space<hbm>> -> memref<20000x64xf32, #tpu.memory_space<hbm>>
      tpu.wait_indirect_dma semaphore(%arg12 : memref<!tpu.dma_semaphore, #tpu.memory_space<semaphore_mem>>) src(%dma_wait3A_205 : memref<20000x64xf32, #tpu.memory_space<hbm>>) dst(%dma_wait3A_199 : memref<96x64xf32, #tpu.memory_space<vmem>>)
      %dma_start3A_206 = arith.constant 2 : i32
      %dma_start3A_207 = arith.constant 0 : i32
      %dma_start3A_208 = arith.constant 0 : i32
      %dma_start3A_209 = tpu.memref_slice %arg8[%dma_start3A_206, %dma_start3A_207, %dma_start3A_208] : memref<8x96x64xf32, #tpu.memory_space<vmem>> -> memref<1x96x64xf32, #tpu.memory_space<vmem>>
      %dma_start3A_210 = tpu.memref_squeeze %dma_start3A_209 : memref<1x96x64xf32, #tpu.memory_space<vmem>> -> memref<96x64xf32, #tpu.memory_space<vmem>>
      %dma_start3A_211 = arith.constant 0 : i32
      %dma_start3A_212 = tpu.memref_slice %arg7[%add3A_194, %dma_start3A_211] : memref<216x96xi32, #tpu.memory_space<vmem>> -> memref<1x96xi32, #tpu.memory_space<vmem>>
      %dma_start3A_213 = tpu.memref_squeeze %dma_start3A_212 : memref<1x96xi32, #tpu.memory_space<vmem>> -> memref<96xi32, #tpu.memory_space<vmem>>
      %dma_start3A_214 = arith.constant 0 : i32
      %dma_start3A_215 = arith.constant 0 : i32
      %dma_start3A_216 = tpu.memref_slice %arg9[%dma_start3A_214, %dma_start3A_215] : memref<10016x64xf32, #tpu.memory_space<vmem_shared>> -> memref<10016x64xf32, #tpu.memory_space<vmem_shared>>
      tpu.enqueue_indirect_dma source(%dma_start3A_210 : memref<96x64xf32, #tpu.memory_space<vmem>>) target(%dma_start3A_216 : memref<10016x64xf32, #tpu.memory_space<vmem_shared>>) offsets(%dma_start3A_213 : memref<96xi32, #tpu.memory_space<vmem>>) semaphore(%arg20 : memref<!tpu.dma_semaphore, #tpu.memory_space<semaphore_mem>>) {add = true}
      %ge3A_217 = arith.constant 4 : i32
      %ge3A_218 = arith.cmpi sge, %add3A_194, %ge3A_217 : i32
      %convert_element_type3A_219 = arith.extui %ge3A_218 : i1 to i32
      %cond3A_220 = arith.constant 0 : i32
      %cond3A_221 = arith.cmpi ne, %convert_element_type3A_219, %cond3A_220 : i32
      scf.if %cond3A_221 {
        %sub3A = arith.constant 4 : i32
        %sub3A_419 = arith.subi %add3A_194, %sub3A : i32
        %dma_wait3A_420 = arith.constant 6 : i32
        %dma_wait3A_421 = arith.constant 0 : i32
        %dma_wait3A_422 = arith.constant 0 : i32
        %dma_wait3A_423 = tpu.memref_slice %arg8[%dma_wait3A_420, %dma_wait3A_421, %dma_wait3A_422] : memref<8x96x64xf32, #tpu.memory_space<vmem>> -> memref<1x96x64xf32, #tpu.memory_space<vmem>>
        %dma_wait3A_424 = tpu.memref_squeeze %dma_wait3A_423 : memref<1x96x64xf32, #tpu.memory_space<vmem>> -> memref<96x64xf32, #tpu.memory_space<vmem>>
        %dma_wait3A_425 = arith.constant 0 : i32
        %dma_wait3A_426 = tpu.memref_slice %arg7[%sub3A_419, %dma_wait3A_425] : memref<216x96xi32, #tpu.memory_space<vmem>> -> memref<1x96xi32, #tpu.memory_space<vmem>>
        %dma_wait3A_427 = tpu.memref_squeeze %dma_wait3A_426 : memref<1x96xi32, #tpu.memory_space<vmem>> -> memref<96xi32, #tpu.memory_space<vmem>>
        %dma_wait3A_428 = arith.constant 0 : i32
        %dma_wait3A_429 = arith.constant 0 : i32
        %dma_wait3A_430 = tpu.memref_slice %arg9[%dma_wait3A_428, %dma_wait3A_429] : memref<10016x64xf32, #tpu.memory_space<vmem_shared>> -> memref<10016x64xf32, #tpu.memory_space<vmem_shared>>
        tpu.wait_indirect_dma semaphore(%arg24 : memref<!tpu.dma_semaphore, #tpu.memory_space<semaphore_mem>>) src(%dma_wait3A_424 : memref<96x64xf32, #tpu.memory_space<vmem>>) dst(%dma_wait3A_430 : memref<10016x64xf32, #tpu.memory_space<vmem_shared>>)
      } else {
      }
      %add3A_222 = arith.constant 4 : i32
      %add3A_223 = arith.addi %add3A_194, %add3A_222 : i32
      %lt3A_224 = arith.constant 216 : i32
      %lt3A_225 = arith.cmpi slt, %add3A_223, %lt3A_224 : i32
      %convert_element_type3A_226 = arith.extui %lt3A_225 : i1 to i32
      %cond3A_227 = arith.constant 0 : i32
      %cond3A_228 = arith.cmpi ne, %convert_element_type3A_226, %cond3A_227 : i32
      scf.if %cond3A_228 {
        %add3A_419 = arith.constant 4 : i32
        %add3A_420 = arith.addi %add3A_194, %add3A_419 : i32
        %dma_start3A_421 = arith.constant 6 : i32
        %dma_start3A_422 = arith.constant 0 : i32
        %dma_start3A_423 = arith.constant 0 : i32
        %dma_start3A_424 = tpu.memref_slice %arg8[%dma_start3A_421, %dma_start3A_422, %dma_start3A_423] : memref<8x96x64xf32, #tpu.memory_space<vmem>> -> memref<1x96x64xf32, #tpu.memory_space<vmem>>
        %dma_start3A_425 = tpu.memref_squeeze %dma_start3A_424 : memref<1x96x64xf32, #tpu.memory_space<vmem>> -> memref<96x64xf32, #tpu.memory_space<vmem>>
        %dma_start3A_426 = arith.constant 0 : i32
        %dma_start3A_427 = tpu.memref_slice %arg6[%add3A_420, %dma_start3A_426] : memref<216x96xi32, #tpu.memory_space<vmem>> -> memref<1x96xi32, #tpu.memory_space<vmem>>
        %dma_start3A_428 = tpu.memref_squeeze %dma_start3A_427 : memref<1x96xi32, #tpu.memory_space<vmem>> -> memref<96xi32, #tpu.memory_space<vmem>>
        %dma_start3A_429 = arith.constant 0 : i32
        %dma_start3A_430 = arith.constant 0 : i32
        %dma_start3A_431 = tpu.memref_slice %arg2[%dma_start3A_429, %dma_start3A_430] : memref<20000x64xf32, #tpu.memory_space<hbm>> -> memref<20000x64xf32, #tpu.memory_space<hbm>>
        tpu.enqueue_indirect_dma source(%dma_start3A_431 : memref<20000x64xf32, #tpu.memory_space<hbm>>) target(%dma_start3A_425 : memref<96x64xf32, #tpu.memory_space<vmem>>) offsets(%dma_start3A_428 : memref<96xi32, #tpu.memory_space<vmem>>) semaphore(%arg16 : memref<!tpu.dma_semaphore, #tpu.memory_space<semaphore_mem>>)
      } else {
      }
      %mul3A_229 = arith.constant 8 : i32
      %mul3A_230 = arith.muli %mul3A_229, %scan3A_117 : i32
      %add3A_231 = arith.constant 3 : i32
      %add3A_232 = arith.addi %mul3A_230, %add3A_231 : i32
      %dma_wait3A_233 = arith.constant 3 : i32
      %dma_wait3A_234 = arith.constant 0 : i32
      %dma_wait3A_235 = arith.constant 0 : i32
      %dma_wait3A_236 = tpu.memref_slice %arg8[%dma_wait3A_233, %dma_wait3A_234, %dma_wait3A_235] : memref<8x96x64xf32, #tpu.memory_space<vmem>> -> memref<1x96x64xf32, #tpu.memory_space<vmem>>
      %dma_wait3A_237 = tpu.memref_squeeze %dma_wait3A_236 : memref<1x96x64xf32, #tpu.memory_space<vmem>> -> memref<96x64xf32, #tpu.memory_space<vmem>>
      %dma_wait3A_238 = arith.constant 0 : i32
      %dma_wait3A_239 = tpu.memref_slice %arg6[%add3A_232, %dma_wait3A_238] : memref<216x96xi32, #tpu.memory_space<vmem>> -> memref<1x96xi32, #tpu.memory_space<vmem>>
      %dma_wait3A_240 = tpu.memref_squeeze %dma_wait3A_239 : memref<1x96xi32, #tpu.memory_space<vmem>> -> memref<96xi32, #tpu.memory_space<vmem>>
      %dma_wait3A_241 = arith.constant 0 : i32
      %dma_wait3A_242 = arith.constant 0 : i32
      %dma_wait3A_243 = tpu.memref_slice %arg2[%dma_wait3A_241, %dma_wait3A_242] : memref<20000x64xf32, #tpu.memory_space<hbm>> -> memref<20000x64xf32, #tpu.memory_space<hbm>>
      tpu.wait_indirect_dma semaphore(%arg13 : memref<!tpu.dma_semaphore, #tpu.memory_space<semaphore_mem>>) src(%dma_wait3A_243 : memref<20000x64xf32, #tpu.memory_space<hbm>>) dst(%dma_wait3A_237 : memref<96x64xf32, #tpu.memory_space<vmem>>)
      %dma_start3A_244 = arith.constant 3 : i32
      %dma_start3A_245 = arith.constant 0 : i32
      %dma_start3A_246 = arith.constant 0 : i32
      %dma_start3A_247 = tpu.memref_slice %arg8[%dma_start3A_244, %dma_start3A_245, %dma_start3A_246] : memref<8x96x64xf32, #tpu.memory_space<vmem>> -> memref<1x96x64xf32, #tpu.memory_space<vmem>>
      %dma_start3A_248 = tpu.memref_squeeze %dma_start3A_247 : memref<1x96x64xf32, #tpu.memory_space<vmem>> -> memref<96x64xf32, #tpu.memory_space<vmem>>
      %dma_start3A_249 = arith.constant 0 : i32
      %dma_start3A_250 = tpu.memref_slice %arg7[%add3A_232, %dma_start3A_249] : memref<216x96xi32, #tpu.memory_space<vmem>> -> memref<1x96xi32, #tpu.memory_space<vmem>>
      %dma_start3A_251 = tpu.memref_squeeze %dma_start3A_250 : memref<1x96xi32, #tpu.memory_space<vmem>> -> memref<96xi32, #tpu.memory_space<vmem>>
      %dma_start3A_252 = arith.constant 0 : i32
      %dma_start3A_253 = arith.constant 0 : i32
      %dma_start3A_254 = tpu.memref_slice %arg9[%dma_start3A_252, %dma_start3A_253] : memref<10016x64xf32, #tpu.memory_space<vmem_shared>> -> memref<10016x64xf32, #tpu.memory_space<vmem_shared>>
      tpu.enqueue_indirect_dma source(%dma_start3A_248 : memref<96x64xf32, #tpu.memory_space<vmem>>) target(%dma_start3A_254 : memref<10016x64xf32, #tpu.memory_space<vmem_shared>>) offsets(%dma_start3A_251 : memref<96xi32, #tpu.memory_space<vmem>>) semaphore(%arg21 : memref<!tpu.dma_semaphore, #tpu.memory_space<semaphore_mem>>) {add = true}
      %ge3A_255 = arith.constant 4 : i32
      %ge3A_256 = arith.cmpi sge, %add3A_232, %ge3A_255 : i32
      %convert_element_type3A_257 = arith.extui %ge3A_256 : i1 to i32
      %cond3A_258 = arith.constant 0 : i32
      %cond3A_259 = arith.cmpi ne, %convert_element_type3A_257, %cond3A_258 : i32
      scf.if %cond3A_259 {
        %sub3A = arith.constant 4 : i32
        %sub3A_419 = arith.subi %add3A_232, %sub3A : i32
        %dma_wait3A_420 = arith.constant 7 : i32
        %dma_wait3A_421 = arith.constant 0 : i32
        %dma_wait3A_422 = arith.constant 0 : i32
        %dma_wait3A_423 = tpu.memref_slice %arg8[%dma_wait3A_420, %dma_wait3A_421, %dma_wait3A_422] : memref<8x96x64xf32, #tpu.memory_space<vmem>> -> memref<1x96x64xf32, #tpu.memory_space<vmem>>
        %dma_wait3A_424 = tpu.memref_squeeze %dma_wait3A_423 : memref<1x96x64xf32, #tpu.memory_space<vmem>> -> memref<96x64xf32, #tpu.memory_space<vmem>>
        %dma_wait3A_425 = arith.constant 0 : i32
        %dma_wait3A_426 = tpu.memref_slice %arg7[%sub3A_419, %dma_wait3A_425] : memref<216x96xi32, #tpu.memory_space<vmem>> -> memref<1x96xi32, #tpu.memory_space<vmem>>
        %dma_wait3A_427 = tpu.memref_squeeze %dma_wait3A_426 : memref<1x96xi32, #tpu.memory_space<vmem>> -> memref<96xi32, #tpu.memory_space<vmem>>
        %dma_wait3A_428 = arith.constant 0 : i32
        %dma_wait3A_429 = arith.constant 0 : i32
        %dma_wait3A_430 = tpu.memref_slice %arg9[%dma_wait3A_428, %dma_wait3A_429] : memref<10016x64xf32, #tpu.memory_space<vmem_shared>> -> memref<10016x64xf32, #tpu.memory_space<vmem_shared>>
        tpu.wait_indirect_dma semaphore(%arg25 : memref<!tpu.dma_semaphore, #tpu.memory_space<semaphore_mem>>) src(%dma_wait3A_424 : memref<96x64xf32, #tpu.memory_space<vmem>>) dst(%dma_wait3A_430 : memref<10016x64xf32, #tpu.memory_space<vmem_shared>>)
      } else {
      }
      %add3A_260 = arith.constant 4 : i32
      %add3A_261 = arith.addi %add3A_232, %add3A_260 : i32
      %lt3A_262 = arith.constant 216 : i32
      %lt3A_263 = arith.cmpi slt, %add3A_261, %lt3A_262 : i32
      %convert_element_type3A_264 = arith.extui %lt3A_263 : i1 to i32
      %cond3A_265 = arith.constant 0 : i32
      %cond3A_266 = arith.cmpi ne, %convert_element_type3A_264, %cond3A_265 : i32
      scf.if %cond3A_266 {
        %add3A_419 = arith.constant 4 : i32
        %add3A_420 = arith.addi %add3A_232, %add3A_419 : i32
        %dma_start3A_421 = arith.constant 7 : i32
        %dma_start3A_422 = arith.constant 0 : i32
        %dma_start3A_423 = arith.constant 0 : i32
        %dma_start3A_424 = tpu.memref_slice %arg8[%dma_start3A_421, %dma_start3A_422, %dma_start3A_423] : memref<8x96x64xf32, #tpu.memory_space<vmem>> -> memref<1x96x64xf32, #tpu.memory_space<vmem>>
        %dma_start3A_425 = tpu.memref_squeeze %dma_start3A_424 : memref<1x96x64xf32, #tpu.memory_space<vmem>> -> memref<96x64xf32, #tpu.memory_space<vmem>>
        %dma_start3A_426 = arith.constant 0 : i32
        %dma_start3A_427 = tpu.memref_slice %arg6[%add3A_420, %dma_start3A_426] : memref<216x96xi32, #tpu.memory_space<vmem>> -> memref<1x96xi32, #tpu.memory_space<vmem>>
        %dma_start3A_428 = tpu.memref_squeeze %dma_start3A_427 : memref<1x96xi32, #tpu.memory_space<vmem>> -> memref<96xi32, #tpu.memory_space<vmem>>
        %dma_start3A_429 = arith.constant 0 : i32
        %dma_start3A_430 = arith.constant 0 : i32
        %dma_start3A_431 = tpu.memref_slice %arg2[%dma_start3A_429, %dma_start3A_430] : memref<20000x64xf32, #tpu.memory_space<hbm>> -> memref<20000x64xf32, #tpu.memory_space<hbm>>
        tpu.enqueue_indirect_dma source(%dma_start3A_431 : memref<20000x64xf32, #tpu.memory_space<hbm>>) target(%dma_start3A_425 : memref<96x64xf32, #tpu.memory_space<vmem>>) offsets(%dma_start3A_428 : memref<96xi32, #tpu.memory_space<vmem>>) semaphore(%arg17 : memref<!tpu.dma_semaphore, #tpu.memory_space<semaphore_mem>>)
      } else {
      }
      %mul3A_267 = arith.constant 8 : i32
      %mul3A_268 = arith.muli %mul3A_267, %scan3A_117 : i32
      %add3A_269 = arith.constant 4 : i32
      %add3A_270 = arith.addi %mul3A_268, %add3A_269 : i32
      %dma_wait3A_271 = arith.constant 4 : i32
      %dma_wait3A_272 = arith.constant 0 : i32
      %dma_wait3A_273 = arith.constant 0 : i32
      %dma_wait3A_274 = tpu.memref_slice %arg8[%dma_wait3A_271, %dma_wait3A_272, %dma_wait3A_273] : memref<8x96x64xf32, #tpu.memory_space<vmem>> -> memref<1x96x64xf32, #tpu.memory_space<vmem>>
      %dma_wait3A_275 = tpu.memref_squeeze %dma_wait3A_274 : memref<1x96x64xf32, #tpu.memory_space<vmem>> -> memref<96x64xf32, #tpu.memory_space<vmem>>
      %dma_wait3A_276 = arith.constant 0 : i32
      %dma_wait3A_277 = tpu.memref_slice %arg6[%add3A_270, %dma_wait3A_276] : memref<216x96xi32, #tpu.memory_space<vmem>> -> memref<1x96xi32, #tpu.memory_space<vmem>>
      %dma_wait3A_278 = tpu.memref_squeeze %dma_wait3A_277 : memref<1x96xi32, #tpu.memory_space<vmem>> -> memref<96xi32, #tpu.memory_space<vmem>>
      %dma_wait3A_279 = arith.constant 0 : i32
      %dma_wait3A_280 = arith.constant 0 : i32
      %dma_wait3A_281 = tpu.memref_slice %arg2[%dma_wait3A_279, %dma_wait3A_280] : memref<20000x64xf32, #tpu.memory_space<hbm>> -> memref<20000x64xf32, #tpu.memory_space<hbm>>
      tpu.wait_indirect_dma semaphore(%arg14 : memref<!tpu.dma_semaphore, #tpu.memory_space<semaphore_mem>>) src(%dma_wait3A_281 : memref<20000x64xf32, #tpu.memory_space<hbm>>) dst(%dma_wait3A_275 : memref<96x64xf32, #tpu.memory_space<vmem>>)
      %dma_start3A_282 = arith.constant 4 : i32
      %dma_start3A_283 = arith.constant 0 : i32
      %dma_start3A_284 = arith.constant 0 : i32
      %dma_start3A_285 = tpu.memref_slice %arg8[%dma_start3A_282, %dma_start3A_283, %dma_start3A_284] : memref<8x96x64xf32, #tpu.memory_space<vmem>> -> memref<1x96x64xf32, #tpu.memory_space<vmem>>
      %dma_start3A_286 = tpu.memref_squeeze %dma_start3A_285 : memref<1x96x64xf32, #tpu.memory_space<vmem>> -> memref<96x64xf32, #tpu.memory_space<vmem>>
      %dma_start3A_287 = arith.constant 0 : i32
      %dma_start3A_288 = tpu.memref_slice %arg7[%add3A_270, %dma_start3A_287] : memref<216x96xi32, #tpu.memory_space<vmem>> -> memref<1x96xi32, #tpu.memory_space<vmem>>
      %dma_start3A_289 = tpu.memref_squeeze %dma_start3A_288 : memref<1x96xi32, #tpu.memory_space<vmem>> -> memref<96xi32, #tpu.memory_space<vmem>>
      %dma_start3A_290 = arith.constant 0 : i32
      %dma_start3A_291 = arith.constant 0 : i32
      %dma_start3A_292 = tpu.memref_slice %arg9[%dma_start3A_290, %dma_start3A_291] : memref<10016x64xf32, #tpu.memory_space<vmem_shared>> -> memref<10016x64xf32, #tpu.memory_space<vmem_shared>>
      tpu.enqueue_indirect_dma source(%dma_start3A_286 : memref<96x64xf32, #tpu.memory_space<vmem>>) target(%dma_start3A_292 : memref<10016x64xf32, #tpu.memory_space<vmem_shared>>) offsets(%dma_start3A_289 : memref<96xi32, #tpu.memory_space<vmem>>) semaphore(%arg22 : memref<!tpu.dma_semaphore, #tpu.memory_space<semaphore_mem>>) {add = true}
      %ge3A_293 = arith.constant 4 : i32
      %ge3A_294 = arith.cmpi sge, %add3A_270, %ge3A_293 : i32
      %convert_element_type3A_295 = arith.extui %ge3A_294 : i1 to i32
      %cond3A_296 = arith.constant 0 : i32
      %cond3A_297 = arith.cmpi ne, %convert_element_type3A_295, %cond3A_296 : i32
      scf.if %cond3A_297 {
        %sub3A = arith.constant 4 : i32
        %sub3A_419 = arith.subi %add3A_270, %sub3A : i32
        %dma_wait3A_420 = arith.constant 0 : i32
        %dma_wait3A_421 = arith.constant 0 : i32
        %dma_wait3A_422 = arith.constant 0 : i32
        %dma_wait3A_423 = tpu.memref_slice %arg8[%dma_wait3A_420, %dma_wait3A_421, %dma_wait3A_422] : memref<8x96x64xf32, #tpu.memory_space<vmem>> -> memref<1x96x64xf32, #tpu.memory_space<vmem>>
        %dma_wait3A_424 = tpu.memref_squeeze %dma_wait3A_423 : memref<1x96x64xf32, #tpu.memory_space<vmem>> -> memref<96x64xf32, #tpu.memory_space<vmem>>
        %dma_wait3A_425 = arith.constant 0 : i32
        %dma_wait3A_426 = tpu.memref_slice %arg7[%sub3A_419, %dma_wait3A_425] : memref<216x96xi32, #tpu.memory_space<vmem>> -> memref<1x96xi32, #tpu.memory_space<vmem>>
        %dma_wait3A_427 = tpu.memref_squeeze %dma_wait3A_426 : memref<1x96xi32, #tpu.memory_space<vmem>> -> memref<96xi32, #tpu.memory_space<vmem>>
        %dma_wait3A_428 = arith.constant 0 : i32
        %dma_wait3A_429 = arith.constant 0 : i32
        %dma_wait3A_430 = tpu.memref_slice %arg9[%dma_wait3A_428, %dma_wait3A_429] : memref<10016x64xf32, #tpu.memory_space<vmem_shared>> -> memref<10016x64xf32, #tpu.memory_space<vmem_shared>>
        tpu.wait_indirect_dma semaphore(%arg18 : memref<!tpu.dma_semaphore, #tpu.memory_space<semaphore_mem>>) src(%dma_wait3A_424 : memref<96x64xf32, #tpu.memory_space<vmem>>) dst(%dma_wait3A_430 : memref<10016x64xf32, #tpu.memory_space<vmem_shared>>)
      } else {
      }
      %add3A_298 = arith.constant 4 : i32
      %add3A_299 = arith.addi %add3A_270, %add3A_298 : i32
      %lt3A_300 = arith.constant 216 : i32
      %lt3A_301 = arith.cmpi slt, %add3A_299, %lt3A_300 : i32
      %convert_element_type3A_302 = arith.extui %lt3A_301 : i1 to i32
      %cond3A_303 = arith.constant 0 : i32
      %cond3A_304 = arith.cmpi ne, %convert_element_type3A_302, %cond3A_303 : i32
      scf.if %cond3A_304 {
        %add3A_419 = arith.constant 4 : i32
        %add3A_420 = arith.addi %add3A_270, %add3A_419 : i32
        %dma_start3A_421 = arith.constant 0 : i32
        %dma_start3A_422 = arith.constant 0 : i32
        %dma_start3A_423 = arith.constant 0 : i32
        %dma_start3A_424 = tpu.memref_slice %arg8[%dma_start3A_421, %dma_start3A_422, %dma_start3A_423] : memref<8x96x64xf32, #tpu.memory_space<vmem>> -> memref<1x96x64xf32, #tpu.memory_space<vmem>>
        %dma_start3A_425 = tpu.memref_squeeze %dma_start3A_424 : memref<1x96x64xf32, #tpu.memory_space<vmem>> -> memref<96x64xf32, #tpu.memory_space<vmem>>
        %dma_start3A_426 = arith.constant 0 : i32
        %dma_start3A_427 = tpu.memref_slice %arg6[%add3A_420, %dma_start3A_426] : memref<216x96xi32, #tpu.memory_space<vmem>> -> memref<1x96xi32, #tpu.memory_space<vmem>>
        %dma_start3A_428 = tpu.memref_squeeze %dma_start3A_427 : memref<1x96xi32, #tpu.memory_space<vmem>> -> memref<96xi32, #tpu.memory_space<vmem>>
        %dma_start3A_429 = arith.constant 0 : i32
        %dma_start3A_430 = arith.constant 0 : i32
        %dma_start3A_431 = tpu.memref_slice %arg2[%dma_start3A_429, %dma_start3A_430] : memref<20000x64xf32, #tpu.memory_space<hbm>> -> memref<20000x64xf32, #tpu.memory_space<hbm>>
        tpu.enqueue_indirect_dma source(%dma_start3A_431 : memref<20000x64xf32, #tpu.memory_space<hbm>>) target(%dma_start3A_425 : memref<96x64xf32, #tpu.memory_space<vmem>>) offsets(%dma_start3A_428 : memref<96xi32, #tpu.memory_space<vmem>>) semaphore(%arg10 : memref<!tpu.dma_semaphore, #tpu.memory_space<semaphore_mem>>)
      } else {
      }
      %mul3A_305 = arith.constant 8 : i32
      %mul3A_306 = arith.muli %mul3A_305, %scan3A_117 : i32
      %add3A_307 = arith.constant 5 : i32
      %add3A_308 = arith.addi %mul3A_306, %add3A_307 : i32
      %dma_wait3A_309 = arith.constant 5 : i32
      %dma_wait3A_310 = arith.constant 0 : i32
      %dma_wait3A_311 = arith.constant 0 : i32
      %dma_wait3A_312 = tpu.memref_slice %arg8[%dma_wait3A_309, %dma_wait3A_310, %dma_wait3A_311] : memref<8x96x64xf32, #tpu.memory_space<vmem>> -> memref<1x96x64xf32, #tpu.memory_space<vmem>>
      %dma_wait3A_313 = tpu.memref_squeeze %dma_wait3A_312 : memref<1x96x64xf32, #tpu.memory_space<vmem>> -> memref<96x64xf32, #tpu.memory_space<vmem>>
      %dma_wait3A_314 = arith.constant 0 : i32
      %dma_wait3A_315 = tpu.memref_slice %arg6[%add3A_308, %dma_wait3A_314] : memref<216x96xi32, #tpu.memory_space<vmem>> -> memref<1x96xi32, #tpu.memory_space<vmem>>
      %dma_wait3A_316 = tpu.memref_squeeze %dma_wait3A_315 : memref<1x96xi32, #tpu.memory_space<vmem>> -> memref<96xi32, #tpu.memory_space<vmem>>
      %dma_wait3A_317 = arith.constant 0 : i32
      %dma_wait3A_318 = arith.constant 0 : i32
      %dma_wait3A_319 = tpu.memref_slice %arg2[%dma_wait3A_317, %dma_wait3A_318] : memref<20000x64xf32, #tpu.memory_space<hbm>> -> memref<20000x64xf32, #tpu.memory_space<hbm>>
      tpu.wait_indirect_dma semaphore(%arg15 : memref<!tpu.dma_semaphore, #tpu.memory_space<semaphore_mem>>) src(%dma_wait3A_319 : memref<20000x64xf32, #tpu.memory_space<hbm>>) dst(%dma_wait3A_313 : memref<96x64xf32, #tpu.memory_space<vmem>>)
      %dma_start3A_320 = arith.constant 5 : i32
      %dma_start3A_321 = arith.constant 0 : i32
      %dma_start3A_322 = arith.constant 0 : i32
      %dma_start3A_323 = tpu.memref_slice %arg8[%dma_start3A_320, %dma_start3A_321, %dma_start3A_322] : memref<8x96x64xf32, #tpu.memory_space<vmem>> -> memref<1x96x64xf32, #tpu.memory_space<vmem>>
      %dma_start3A_324 = tpu.memref_squeeze %dma_start3A_323 : memref<1x96x64xf32, #tpu.memory_space<vmem>> -> memref<96x64xf32, #tpu.memory_space<vmem>>
      %dma_start3A_325 = arith.constant 0 : i32
      %dma_start3A_326 = tpu.memref_slice %arg7[%add3A_308, %dma_start3A_325] : memref<216x96xi32, #tpu.memory_space<vmem>> -> memref<1x96xi32, #tpu.memory_space<vmem>>
      %dma_start3A_327 = tpu.memref_squeeze %dma_start3A_326 : memref<1x96xi32, #tpu.memory_space<vmem>> -> memref<96xi32, #tpu.memory_space<vmem>>
      %dma_start3A_328 = arith.constant 0 : i32
      %dma_start3A_329 = arith.constant 0 : i32
      %dma_start3A_330 = tpu.memref_slice %arg9[%dma_start3A_328, %dma_start3A_329] : memref<10016x64xf32, #tpu.memory_space<vmem_shared>> -> memref<10016x64xf32, #tpu.memory_space<vmem_shared>>
      tpu.enqueue_indirect_dma source(%dma_start3A_324 : memref<96x64xf32, #tpu.memory_space<vmem>>) target(%dma_start3A_330 : memref<10016x64xf32, #tpu.memory_space<vmem_shared>>) offsets(%dma_start3A_327 : memref<96xi32, #tpu.memory_space<vmem>>) semaphore(%arg23 : memref<!tpu.dma_semaphore, #tpu.memory_space<semaphore_mem>>) {add = true}
      %ge3A_331 = arith.constant 4 : i32
      %ge3A_332 = arith.cmpi sge, %add3A_308, %ge3A_331 : i32
      %convert_element_type3A_333 = arith.extui %ge3A_332 : i1 to i32
      %cond3A_334 = arith.constant 0 : i32
      %cond3A_335 = arith.cmpi ne, %convert_element_type3A_333, %cond3A_334 : i32
      scf.if %cond3A_335 {
        %sub3A = arith.constant 4 : i32
        %sub3A_419 = arith.subi %add3A_308, %sub3A : i32
        %dma_wait3A_420 = arith.constant 1 : i32
        %dma_wait3A_421 = arith.constant 0 : i32
        %dma_wait3A_422 = arith.constant 0 : i32
        %dma_wait3A_423 = tpu.memref_slice %arg8[%dma_wait3A_420, %dma_wait3A_421, %dma_wait3A_422] : memref<8x96x64xf32, #tpu.memory_space<vmem>> -> memref<1x96x64xf32, #tpu.memory_space<vmem>>
        %dma_wait3A_424 = tpu.memref_squeeze %dma_wait3A_423 : memref<1x96x64xf32, #tpu.memory_space<vmem>> -> memref<96x64xf32, #tpu.memory_space<vmem>>
        %dma_wait3A_425 = arith.constant 0 : i32
        %dma_wait3A_426 = tpu.memref_slice %arg7[%sub3A_419, %dma_wait3A_425] : memref<216x96xi32, #tpu.memory_space<vmem>> -> memref<1x96xi32, #tpu.memory_space<vmem>>
        %dma_wait3A_427 = tpu.memref_squeeze %dma_wait3A_426 : memref<1x96xi32, #tpu.memory_space<vmem>> -> memref<96xi32, #tpu.memory_space<vmem>>
        %dma_wait3A_428 = arith.constant 0 : i32
        %dma_wait3A_429 = arith.constant 0 : i32
        %dma_wait3A_430 = tpu.memref_slice %arg9[%dma_wait3A_428, %dma_wait3A_429] : memref<10016x64xf32, #tpu.memory_space<vmem_shared>> -> memref<10016x64xf32, #tpu.memory_space<vmem_shared>>
        tpu.wait_indirect_dma semaphore(%arg19 : memref<!tpu.dma_semaphore, #tpu.memory_space<semaphore_mem>>) src(%dma_wait3A_424 : memref<96x64xf32, #tpu.memory_space<vmem>>) dst(%dma_wait3A_430 : memref<10016x64xf32, #tpu.memory_space<vmem_shared>>)
      } else {
      }
      %add3A_336 = arith.constant 4 : i32
      %add3A_337 = arith.addi %add3A_308, %add3A_336 : i32
      %lt3A_338 = arith.constant 216 : i32
      %lt3A_339 = arith.cmpi slt, %add3A_337, %lt3A_338 : i32
      %convert_element_type3A_340 = arith.extui %lt3A_339 : i1 to i32
      %cond3A_341 = arith.constant 0 : i32
      %cond3A_342 = arith.cmpi ne, %convert_element_type3A_340, %cond3A_341 : i32
      scf.if %cond3A_342 {
        %add3A_419 = arith.constant 4 : i32
        %add3A_420 = arith.addi %add3A_308, %add3A_419 : i32
        %dma_start3A_421 = arith.constant 1 : i32
        %dma_start3A_422 = arith.constant 0 : i32
        %dma_start3A_423 = arith.constant 0 : i32
        %dma_start3A_424 = tpu.memref_slice %arg8[%dma_start3A_421, %dma_start3A_422, %dma_start3A_423] : memref<8x96x64xf32, #tpu.memory_space<vmem>> -> memref<1x96x64xf32, #tpu.memory_space<vmem>>
        %dma_start3A_425 = tpu.memref_squeeze %dma_start3A_424 : memref<1x96x64xf32, #tpu.memory_space<vmem>> -> memref<96x64xf32, #tpu.memory_space<vmem>>
        %dma_start3A_426 = arith.constant 0 : i32
        %dma_start3A_427 = tpu.memref_slice %arg6[%add3A_420, %dma_start3A_426] : memref<216x96xi32, #tpu.memory_space<vmem>> -> memref<1x96xi32, #tpu.memory_space<vmem>>
        %dma_start3A_428 = tpu.memref_squeeze %dma_start3A_427 : memref<1x96xi32, #tpu.memory_space<vmem>> -> memref<96xi32, #tpu.memory_space<vmem>>
        %dma_start3A_429 = arith.constant 0 : i32
        %dma_start3A_430 = arith.constant 0 : i32
        %dma_start3A_431 = tpu.memref_slice %arg2[%dma_start3A_429, %dma_start3A_430] : memref<20000x64xf32, #tpu.memory_space<hbm>> -> memref<20000x64xf32, #tpu.memory_space<hbm>>
        tpu.enqueue_indirect_dma source(%dma_start3A_431 : memref<20000x64xf32, #tpu.memory_space<hbm>>) target(%dma_start3A_425 : memref<96x64xf32, #tpu.memory_space<vmem>>) offsets(%dma_start3A_428 : memref<96xi32, #tpu.memory_space<vmem>>) semaphore(%arg11 : memref<!tpu.dma_semaphore, #tpu.memory_space<semaphore_mem>>)
      } else {
      }
      %mul3A_343 = arith.constant 8 : i32
      %mul3A_344 = arith.muli %mul3A_343, %scan3A_117 : i32
      %add3A_345 = arith.constant 6 : i32
      %add3A_346 = arith.addi %mul3A_344, %add3A_345 : i32
      %dma_wait3A_347 = arith.constant 6 : i32
      %dma_wait3A_348 = arith.constant 0 : i32
      %dma_wait3A_349 = arith.constant 0 : i32
      %dma_wait3A_350 = tpu.memref_slice %arg8[%dma_wait3A_347, %dma_wait3A_348, %dma_wait3A_349] : memref<8x96x64xf32, #tpu.memory_space<vmem>> -> memref<1x96x64xf32, #tpu.memory_space<vmem>>
      %dma_wait3A_351 = tpu.memref_squeeze %dma_wait3A_350 : memref<1x96x64xf32, #tpu.memory_space<vmem>> -> memref<96x64xf32, #tpu.memory_space<vmem>>
      %dma_wait3A_352 = arith.constant 0 : i32
      %dma_wait3A_353 = tpu.memref_slice %arg6[%add3A_346, %dma_wait3A_352] : memref<216x96xi32, #tpu.memory_space<vmem>> -> memref<1x96xi32, #tpu.memory_space<vmem>>
      %dma_wait3A_354 = tpu.memref_squeeze %dma_wait3A_353 : memref<1x96xi32, #tpu.memory_space<vmem>> -> memref<96xi32, #tpu.memory_space<vmem>>
      %dma_wait3A_355 = arith.constant 0 : i32
      %dma_wait3A_356 = arith.constant 0 : i32
      %dma_wait3A_357 = tpu.memref_slice %arg2[%dma_wait3A_355, %dma_wait3A_356] : memref<20000x64xf32, #tpu.memory_space<hbm>> -> memref<20000x64xf32, #tpu.memory_space<hbm>>
      tpu.wait_indirect_dma semaphore(%arg16 : memref<!tpu.dma_semaphore, #tpu.memory_space<semaphore_mem>>) src(%dma_wait3A_357 : memref<20000x64xf32, #tpu.memory_space<hbm>>) dst(%dma_wait3A_351 : memref<96x64xf32, #tpu.memory_space<vmem>>)
      %dma_start3A_358 = arith.constant 6 : i32
      %dma_start3A_359 = arith.constant 0 : i32
      %dma_start3A_360 = arith.constant 0 : i32
      %dma_start3A_361 = tpu.memref_slice %arg8[%dma_start3A_358, %dma_start3A_359, %dma_start3A_360] : memref<8x96x64xf32, #tpu.memory_space<vmem>> -> memref<1x96x64xf32, #tpu.memory_space<vmem>>
      %dma_start3A_362 = tpu.memref_squeeze %dma_start3A_361 : memref<1x96x64xf32, #tpu.memory_space<vmem>> -> memref<96x64xf32, #tpu.memory_space<vmem>>
      %dma_start3A_363 = arith.constant 0 : i32
      %dma_start3A_364 = tpu.memref_slice %arg7[%add3A_346, %dma_start3A_363] : memref<216x96xi32, #tpu.memory_space<vmem>> -> memref<1x96xi32, #tpu.memory_space<vmem>>
      %dma_start3A_365 = tpu.memref_squeeze %dma_start3A_364 : memref<1x96xi32, #tpu.memory_space<vmem>> -> memref<96xi32, #tpu.memory_space<vmem>>
      %dma_start3A_366 = arith.constant 0 : i32
      %dma_start3A_367 = arith.constant 0 : i32
      %dma_start3A_368 = tpu.memref_slice %arg9[%dma_start3A_366, %dma_start3A_367] : memref<10016x64xf32, #tpu.memory_space<vmem_shared>> -> memref<10016x64xf32, #tpu.memory_space<vmem_shared>>
      tpu.enqueue_indirect_dma source(%dma_start3A_362 : memref<96x64xf32, #tpu.memory_space<vmem>>) target(%dma_start3A_368 : memref<10016x64xf32, #tpu.memory_space<vmem_shared>>) offsets(%dma_start3A_365 : memref<96xi32, #tpu.memory_space<vmem>>) semaphore(%arg24 : memref<!tpu.dma_semaphore, #tpu.memory_space<semaphore_mem>>) {add = true}
      %ge3A_369 = arith.constant 4 : i32
      %ge3A_370 = arith.cmpi sge, %add3A_346, %ge3A_369 : i32
      %convert_element_type3A_371 = arith.extui %ge3A_370 : i1 to i32
      %cond3A_372 = arith.constant 0 : i32
      %cond3A_373 = arith.cmpi ne, %convert_element_type3A_371, %cond3A_372 : i32
      scf.if %cond3A_373 {
        %sub3A = arith.constant 4 : i32
        %sub3A_419 = arith.subi %add3A_346, %sub3A : i32
        %dma_wait3A_420 = arith.constant 2 : i32
        %dma_wait3A_421 = arith.constant 0 : i32
        %dma_wait3A_422 = arith.constant 0 : i32
        %dma_wait3A_423 = tpu.memref_slice %arg8[%dma_wait3A_420, %dma_wait3A_421, %dma_wait3A_422] : memref<8x96x64xf32, #tpu.memory_space<vmem>> -> memref<1x96x64xf32, #tpu.memory_space<vmem>>
        %dma_wait3A_424 = tpu.memref_squeeze %dma_wait3A_423 : memref<1x96x64xf32, #tpu.memory_space<vmem>> -> memref<96x64xf32, #tpu.memory_space<vmem>>
        %dma_wait3A_425 = arith.constant 0 : i32
        %dma_wait3A_426 = tpu.memref_slice %arg7[%sub3A_419, %dma_wait3A_425] : memref<216x96xi32, #tpu.memory_space<vmem>> -> memref<1x96xi32, #tpu.memory_space<vmem>>
        %dma_wait3A_427 = tpu.memref_squeeze %dma_wait3A_426 : memref<1x96xi32, #tpu.memory_space<vmem>> -> memref<96xi32, #tpu.memory_space<vmem>>
        %dma_wait3A_428 = arith.constant 0 : i32
        %dma_wait3A_429 = arith.constant 0 : i32
        %dma_wait3A_430 = tpu.memref_slice %arg9[%dma_wait3A_428, %dma_wait3A_429] : memref<10016x64xf32, #tpu.memory_space<vmem_shared>> -> memref<10016x64xf32, #tpu.memory_space<vmem_shared>>
        tpu.wait_indirect_dma semaphore(%arg20 : memref<!tpu.dma_semaphore, #tpu.memory_space<semaphore_mem>>) src(%dma_wait3A_424 : memref<96x64xf32, #tpu.memory_space<vmem>>) dst(%dma_wait3A_430 : memref<10016x64xf32, #tpu.memory_space<vmem_shared>>)
      } else {
      }
      %add3A_374 = arith.constant 4 : i32
      %add3A_375 = arith.addi %add3A_346, %add3A_374 : i32
      %lt3A_376 = arith.constant 216 : i32
      %lt3A_377 = arith.cmpi slt, %add3A_375, %lt3A_376 : i32
      %convert_element_type3A_378 = arith.extui %lt3A_377 : i1 to i32
      %cond3A_379 = arith.constant 0 : i32
      %cond3A_380 = arith.cmpi ne, %convert_element_type3A_378, %cond3A_379 : i32
      scf.if %cond3A_380 {
        %add3A_419 = arith.constant 4 : i32
        %add3A_420 = arith.addi %add3A_346, %add3A_419 : i32
        %dma_start3A_421 = arith.constant 2 : i32
        %dma_start3A_422 = arith.constant 0 : i32
        %dma_start3A_423 = arith.constant 0 : i32
        %dma_start3A_424 = tpu.memref_slice %arg8[%dma_start3A_421, %dma_start3A_422, %dma_start3A_423] : memref<8x96x64xf32, #tpu.memory_space<vmem>> -> memref<1x96x64xf32, #tpu.memory_space<vmem>>
        %dma_start3A_425 = tpu.memref_squeeze %dma_start3A_424 : memref<1x96x64xf32, #tpu.memory_space<vmem>> -> memref<96x64xf32, #tpu.memory_space<vmem>>
        %dma_start3A_426 = arith.constant 0 : i32
        %dma_start3A_427 = tpu.memref_slice %arg6[%add3A_420, %dma_start3A_426] : memref<216x96xi32, #tpu.memory_space<vmem>> -> memref<1x96xi32, #tpu.memory_space<vmem>>
        %dma_start3A_428 = tpu.memref_squeeze %dma_start3A_427 : memref<1x96xi32, #tpu.memory_space<vmem>> -> memref<96xi32, #tpu.memory_space<vmem>>
        %dma_start3A_429 = arith.constant 0 : i32
        %dma_start3A_430 = arith.constant 0 : i32
        %dma_start3A_431 = tpu.memref_slice %arg2[%dma_start3A_429, %dma_start3A_430] : memref<20000x64xf32, #tpu.memory_space<hbm>> -> memref<20000x64xf32, #tpu.memory_space<hbm>>
        tpu.enqueue_indirect_dma source(%dma_start3A_431 : memref<20000x64xf32, #tpu.memory_space<hbm>>) target(%dma_start3A_425 : memref<96x64xf32, #tpu.memory_space<vmem>>) offsets(%dma_start3A_428 : memref<96xi32, #tpu.memory_space<vmem>>) semaphore(%arg12 : memref<!tpu.dma_semaphore, #tpu.memory_space<semaphore_mem>>)
      } else {
      }
      %mul3A_381 = arith.constant 8 : i32
      %mul3A_382 = arith.muli %mul3A_381, %scan3A_117 : i32
      %add3A_383 = arith.constant 7 : i32
      %add3A_384 = arith.addi %mul3A_382, %add3A_383 : i32
      %dma_wait3A_385 = arith.constant 7 : i32
      %dma_wait3A_386 = arith.constant 0 : i32
      %dma_wait3A_387 = arith.constant 0 : i32
      %dma_wait3A_388 = tpu.memref_slice %arg8[%dma_wait3A_385, %dma_wait3A_386, %dma_wait3A_387] : memref<8x96x64xf32, #tpu.memory_space<vmem>> -> memref<1x96x64xf32, #tpu.memory_space<vmem>>
      %dma_wait3A_389 = tpu.memref_squeeze %dma_wait3A_388 : memref<1x96x64xf32, #tpu.memory_space<vmem>> -> memref<96x64xf32, #tpu.memory_space<vmem>>
      %dma_wait3A_390 = arith.constant 0 : i32
      %dma_wait3A_391 = tpu.memref_slice %arg6[%add3A_384, %dma_wait3A_390] : memref<216x96xi32, #tpu.memory_space<vmem>> -> memref<1x96xi32, #tpu.memory_space<vmem>>
      %dma_wait3A_392 = tpu.memref_squeeze %dma_wait3A_391 : memref<1x96xi32, #tpu.memory_space<vmem>> -> memref<96xi32, #tpu.memory_space<vmem>>
      %dma_wait3A_393 = arith.constant 0 : i32
      %dma_wait3A_394 = arith.constant 0 : i32
      %dma_wait3A_395 = tpu.memref_slice %arg2[%dma_wait3A_393, %dma_wait3A_394] : memref<20000x64xf32, #tpu.memory_space<hbm>> -> memref<20000x64xf32, #tpu.memory_space<hbm>>
      tpu.wait_indirect_dma semaphore(%arg17 : memref<!tpu.dma_semaphore, #tpu.memory_space<semaphore_mem>>) src(%dma_wait3A_395 : memref<20000x64xf32, #tpu.memory_space<hbm>>) dst(%dma_wait3A_389 : memref<96x64xf32, #tpu.memory_space<vmem>>)
      %dma_start3A_396 = arith.constant 7 : i32
      %dma_start3A_397 = arith.constant 0 : i32
      %dma_start3A_398 = arith.constant 0 : i32
      %dma_start3A_399 = tpu.memref_slice %arg8[%dma_start3A_396, %dma_start3A_397, %dma_start3A_398] : memref<8x96x64xf32, #tpu.memory_space<vmem>> -> memref<1x96x64xf32, #tpu.memory_space<vmem>>
      %dma_start3A_400 = tpu.memref_squeeze %dma_start3A_399 : memref<1x96x64xf32, #tpu.memory_space<vmem>> -> memref<96x64xf32, #tpu.memory_space<vmem>>
      %dma_start3A_401 = arith.constant 0 : i32
      %dma_start3A_402 = tpu.memref_slice %arg7[%add3A_384, %dma_start3A_401] : memref<216x96xi32, #tpu.memory_space<vmem>> -> memref<1x96xi32, #tpu.memory_space<vmem>>
      %dma_start3A_403 = tpu.memref_squeeze %dma_start3A_402 : memref<1x96xi32, #tpu.memory_space<vmem>> -> memref<96xi32, #tpu.memory_space<vmem>>
      %dma_start3A_404 = arith.constant 0 : i32
      %dma_start3A_405 = arith.constant 0 : i32
      %dma_start3A_406 = tpu.memref_slice %arg9[%dma_start3A_404, %dma_start3A_405] : memref<10016x64xf32, #tpu.memory_space<vmem_shared>> -> memref<10016x64xf32, #tpu.memory_space<vmem_shared>>
      tpu.enqueue_indirect_dma source(%dma_start3A_400 : memref<96x64xf32, #tpu.memory_space<vmem>>) target(%dma_start3A_406 : memref<10016x64xf32, #tpu.memory_space<vmem_shared>>) offsets(%dma_start3A_403 : memref<96xi32, #tpu.memory_space<vmem>>) semaphore(%arg25 : memref<!tpu.dma_semaphore, #tpu.memory_space<semaphore_mem>>) {add = true}
      %ge3A_407 = arith.constant 4 : i32
      %ge3A_408 = arith.cmpi sge, %add3A_384, %ge3A_407 : i32
      %convert_element_type3A_409 = arith.extui %ge3A_408 : i1 to i32
      %cond3A_410 = arith.constant 0 : i32
      %cond3A_411 = arith.cmpi ne, %convert_element_type3A_409, %cond3A_410 : i32
      scf.if %cond3A_411 {
        %sub3A = arith.constant 4 : i32
        %sub3A_419 = arith.subi %add3A_384, %sub3A : i32
        %dma_wait3A_420 = arith.constant 3 : i32
        %dma_wait3A_421 = arith.constant 0 : i32
        %dma_wait3A_422 = arith.constant 0 : i32
        %dma_wait3A_423 = tpu.memref_slice %arg8[%dma_wait3A_420, %dma_wait3A_421, %dma_wait3A_422] : memref<8x96x64xf32, #tpu.memory_space<vmem>> -> memref<1x96x64xf32, #tpu.memory_space<vmem>>
        %dma_wait3A_424 = tpu.memref_squeeze %dma_wait3A_423 : memref<1x96x64xf32, #tpu.memory_space<vmem>> -> memref<96x64xf32, #tpu.memory_space<vmem>>
        %dma_wait3A_425 = arith.constant 0 : i32
        %dma_wait3A_426 = tpu.memref_slice %arg7[%sub3A_419, %dma_wait3A_425] : memref<216x96xi32, #tpu.memory_space<vmem>> -> memref<1x96xi32, #tpu.memory_space<vmem>>
        %dma_wait3A_427 = tpu.memref_squeeze %dma_wait3A_426 : memref<1x96xi32, #tpu.memory_space<vmem>> -> memref<96xi32, #tpu.memory_space<vmem>>
        %dma_wait3A_428 = arith.constant 0 : i32
        %dma_wait3A_429 = arith.constant 0 : i32
        %dma_wait3A_430 = tpu.memref_slice %arg9[%dma_wait3A_428, %dma_wait3A_429] : memref<10016x64xf32, #tpu.memory_space<vmem_shared>> -> memref<10016x64xf32, #tpu.memory_space<vmem_shared>>
        tpu.wait_indirect_dma semaphore(%arg21 : memref<!tpu.dma_semaphore, #tpu.memory_space<semaphore_mem>>) src(%dma_wait3A_424 : memref<96x64xf32, #tpu.memory_space<vmem>>) dst(%dma_wait3A_430 : memref<10016x64xf32, #tpu.memory_space<vmem_shared>>)
      } else {
      }
      %add3A_412 = arith.constant 4 : i32
      %add3A_413 = arith.addi %add3A_384, %add3A_412 : i32
      %lt3A_414 = arith.constant 216 : i32
      %lt3A_415 = arith.cmpi slt, %add3A_413, %lt3A_414 : i32
      %convert_element_type3A_416 = arith.extui %lt3A_415 : i1 to i32
      %cond3A_417 = arith.constant 0 : i32
      %cond3A_418 = arith.cmpi ne, %convert_element_type3A_416, %cond3A_417 : i32
      scf.if %cond3A_418 {
        %add3A_419 = arith.constant 4 : i32
        %add3A_420 = arith.addi %add3A_384, %add3A_419 : i32
        %dma_start3A_421 = arith.constant 3 : i32
        %dma_start3A_422 = arith.constant 0 : i32
        %dma_start3A_423 = arith.constant 0 : i32
        %dma_start3A_424 = tpu.memref_slice %arg8[%dma_start3A_421, %dma_start3A_422, %dma_start3A_423] : memref<8x96x64xf32, #tpu.memory_space<vmem>> -> memref<1x96x64xf32, #tpu.memory_space<vmem>>
        %dma_start3A_425 = tpu.memref_squeeze %dma_start3A_424 : memref<1x96x64xf32, #tpu.memory_space<vmem>> -> memref<96x64xf32, #tpu.memory_space<vmem>>
        %dma_start3A_426 = arith.constant 0 : i32
        %dma_start3A_427 = tpu.memref_slice %arg6[%add3A_420, %dma_start3A_426] : memref<216x96xi32, #tpu.memory_space<vmem>> -> memref<1x96xi32, #tpu.memory_space<vmem>>
        %dma_start3A_428 = tpu.memref_squeeze %dma_start3A_427 : memref<1x96xi32, #tpu.memory_space<vmem>> -> memref<96xi32, #tpu.memory_space<vmem>>
        %dma_start3A_429 = arith.constant 0 : i32
        %dma_start3A_430 = arith.constant 0 : i32
        %dma_start3A_431 = tpu.memref_slice %arg2[%dma_start3A_429, %dma_start3A_430] : memref<20000x64xf32, #tpu.memory_space<hbm>> -> memref<20000x64xf32, #tpu.memory_space<hbm>>
        tpu.enqueue_indirect_dma source(%dma_start3A_431 : memref<20000x64xf32, #tpu.memory_space<hbm>>) target(%dma_start3A_425 : memref<96x64xf32, #tpu.memory_space<vmem>>) offsets(%dma_start3A_428 : memref<96xi32, #tpu.memory_space<vmem>>) semaphore(%arg13 : memref<!tpu.dma_semaphore, #tpu.memory_space<semaphore_mem>>)
      } else {
      }
    }
    %scan3A_61 = arith.constant 27 : i32
    %dma_wait3A = arith.constant 4 : i32
    %dma_wait3A_62 = arith.constant 212 : i32
    %dma_wait3A_63 = arith.constant 0 : i32
    %dma_wait3A_64 = arith.constant 0 : i32
    %dma_wait3A_65 = tpu.memref_slice %arg8[%dma_wait3A, %dma_wait3A_63, %dma_wait3A_64] : memref<8x96x64xf32, #tpu.memory_space<vmem>> -> memref<1x96x64xf32, #tpu.memory_space<vmem>>
    %dma_wait3A_66 = tpu.memref_squeeze %dma_wait3A_65 : memref<1x96x64xf32, #tpu.memory_space<vmem>> -> memref<96x64xf32, #tpu.memory_space<vmem>>
    %dma_wait3A_67 = arith.constant 0 : i32
    %dma_wait3A_68 = tpu.memref_slice %arg7[%dma_wait3A_62, %dma_wait3A_67] : memref<216x96xi32, #tpu.memory_space<vmem>> -> memref<1x96xi32, #tpu.memory_space<vmem>>
    %dma_wait3A_69 = tpu.memref_squeeze %dma_wait3A_68 : memref<1x96xi32, #tpu.memory_space<vmem>> -> memref<96xi32, #tpu.memory_space<vmem>>
    %dma_wait3A_70 = arith.constant 0 : i32
    %dma_wait3A_71 = arith.constant 0 : i32
    %dma_wait3A_72 = tpu.memref_slice %arg9[%dma_wait3A_70, %dma_wait3A_71] : memref<10016x64xf32, #tpu.memory_space<vmem_shared>> -> memref<10016x64xf32, #tpu.memory_space<vmem_shared>>
    tpu.wait_indirect_dma semaphore(%arg22 : memref<!tpu.dma_semaphore, #tpu.memory_space<semaphore_mem>>) src(%dma_wait3A_66 : memref<96x64xf32, #tpu.memory_space<vmem>>) dst(%dma_wait3A_72 : memref<10016x64xf32, #tpu.memory_space<vmem_shared>>)
    %dma_wait3A_73 = arith.constant 5 : i32
    %dma_wait3A_74 = arith.constant 213 : i32
    %dma_wait3A_75 = arith.constant 0 : i32
    %dma_wait3A_76 = arith.constant 0 : i32
    %dma_wait3A_77 = tpu.memref_slice %arg8[%dma_wait3A_73, %dma_wait3A_75, %dma_wait3A_76] : memref<8x96x64xf32, #tpu.memory_space<vmem>> -> memref<1x96x64xf32, #tpu.memory_space<vmem>>
    %dma_wait3A_78 = tpu.memref_squeeze %dma_wait3A_77 : memref<1x96x64xf32, #tpu.memory_space<vmem>> -> memref<96x64xf32, #tpu.memory_space<vmem>>
    %dma_wait3A_79 = arith.constant 0 : i32
    %dma_wait3A_80 = tpu.memref_slice %arg7[%dma_wait3A_74, %dma_wait3A_79] : memref<216x96xi32, #tpu.memory_space<vmem>> -> memref<1x96xi32, #tpu.memory_space<vmem>>
    %dma_wait3A_81 = tpu.memref_squeeze %dma_wait3A_80 : memref<1x96xi32, #tpu.memory_space<vmem>> -> memref<96xi32, #tpu.memory_space<vmem>>
    %dma_wait3A_82 = arith.constant 0 : i32
    %dma_wait3A_83 = arith.constant 0 : i32
    %dma_wait3A_84 = tpu.memref_slice %arg9[%dma_wait3A_82, %dma_wait3A_83] : memref<10016x64xf32, #tpu.memory_space<vmem_shared>> -> memref<10016x64xf32, #tpu.memory_space<vmem_shared>>
    tpu.wait_indirect_dma semaphore(%arg23 : memref<!tpu.dma_semaphore, #tpu.memory_space<semaphore_mem>>) src(%dma_wait3A_78 : memref<96x64xf32, #tpu.memory_space<vmem>>) dst(%dma_wait3A_84 : memref<10016x64xf32, #tpu.memory_space<vmem_shared>>)
    %dma_wait3A_85 = arith.constant 6 : i32
    %dma_wait3A_86 = arith.constant 214 : i32
    %dma_wait3A_87 = arith.constant 0 : i32
    %dma_wait3A_88 = arith.constant 0 : i32
    %dma_wait3A_89 = tpu.memref_slice %arg8[%dma_wait3A_85, %dma_wait3A_87, %dma_wait3A_88] : memref<8x96x64xf32, #tpu.memory_space<vmem>> -> memref<1x96x64xf32, #tpu.memory_space<vmem>>
    %dma_wait3A_90 = tpu.memref_squeeze %dma_wait3A_89 : memref<1x96x64xf32, #tpu.memory_space<vmem>> -> memref<96x64xf32, #tpu.memory_space<vmem>>
    %dma_wait3A_91 = arith.constant 0 : i32
    %dma_wait3A_92 = tpu.memref_slice %arg7[%dma_wait3A_86, %dma_wait3A_91] : memref<216x96xi32, #tpu.memory_space<vmem>> -> memref<1x96xi32, #tpu.memory_space<vmem>>
    %dma_wait3A_93 = tpu.memref_squeeze %dma_wait3A_92 : memref<1x96xi32, #tpu.memory_space<vmem>> -> memref<96xi32, #tpu.memory_space<vmem>>
    %dma_wait3A_94 = arith.constant 0 : i32
    %dma_wait3A_95 = arith.constant 0 : i32
    %dma_wait3A_96 = tpu.memref_slice %arg9[%dma_wait3A_94, %dma_wait3A_95] : memref<10016x64xf32, #tpu.memory_space<vmem_shared>> -> memref<10016x64xf32, #tpu.memory_space<vmem_shared>>
    tpu.wait_indirect_dma semaphore(%arg24 : memref<!tpu.dma_semaphore, #tpu.memory_space<semaphore_mem>>) src(%dma_wait3A_90 : memref<96x64xf32, #tpu.memory_space<vmem>>) dst(%dma_wait3A_96 : memref<10016x64xf32, #tpu.memory_space<vmem_shared>>)
    %dma_wait3A_97 = arith.constant 7 : i32
    %dma_wait3A_98 = arith.constant 215 : i32
    %dma_wait3A_99 = arith.constant 0 : i32
    %dma_wait3A_100 = arith.constant 0 : i32
    %dma_wait3A_101 = tpu.memref_slice %arg8[%dma_wait3A_97, %dma_wait3A_99, %dma_wait3A_100] : memref<8x96x64xf32, #tpu.memory_space<vmem>> -> memref<1x96x64xf32, #tpu.memory_space<vmem>>
    %dma_wait3A_102 = tpu.memref_squeeze %dma_wait3A_101 : memref<1x96x64xf32, #tpu.memory_space<vmem>> -> memref<96x64xf32, #tpu.memory_space<vmem>>
    %dma_wait3A_103 = arith.constant 0 : i32
    %dma_wait3A_104 = tpu.memref_slice %arg7[%dma_wait3A_98, %dma_wait3A_103] : memref<216x96xi32, #tpu.memory_space<vmem>> -> memref<1x96xi32, #tpu.memory_space<vmem>>
    %dma_wait3A_105 = tpu.memref_squeeze %dma_wait3A_104 : memref<1x96xi32, #tpu.memory_space<vmem>> -> memref<96xi32, #tpu.memory_space<vmem>>
    %dma_wait3A_106 = arith.constant 0 : i32
    %dma_wait3A_107 = arith.constant 0 : i32
    %dma_wait3A_108 = tpu.memref_slice %arg9[%dma_wait3A_106, %dma_wait3A_107] : memref<10016x64xf32, #tpu.memory_space<vmem_shared>> -> memref<10016x64xf32, #tpu.memory_space<vmem_shared>>
    tpu.wait_indirect_dma semaphore(%arg25 : memref<!tpu.dma_semaphore, #tpu.memory_space<semaphore_mem>>) src(%dma_wait3A_102 : memref<96x64xf32, #tpu.memory_space<vmem>>) dst(%dma_wait3A_108 : memref<10016x64xf32, #tpu.memory_space<vmem_shared>>)
    %barrier3A_109 = arith.constant 0 : index
    tpu.barrier barrier_id(%barrier3A_109)
    %mul3A_110 = arith.constant 64 : i32
    %mul3A_111 = arith.muli %arg0, %mul3A_110 : i32
    "tpu.region"() ({
      %run_scoped3A_117 = tpu.sem_alloc : memref<!tpu.dma_semaphore, #tpu.memory_space<semaphore_mem>>
      %dma_start3A_118 = tpu.memref_slice %arg5[%mul3A_6, %mul3A_111] : memref<10000x128xf32, #tpu.memory_space<hbm>> -> memref<624x64xf32, #tpu.memory_space<hbm>>
      %dma_start3A_119 = arith.constant 0 : i32
      %dma_start3A_120 = tpu.memref_slice %arg9[%mul3A_6, %dma_start3A_119] : memref<10016x64xf32, #tpu.memory_space<vmem_shared>> -> memref<624x64xf32, #tpu.memory_space<vmem_shared>>
      tpu.enqueue_dma source(%dma_start3A_120 : memref<624x64xf32, #tpu.memory_space<vmem_shared>>) target(%dma_start3A_118 : memref<624x64xf32, #tpu.memory_space<hbm>>) target_semaphore(%run_scoped3A_117 : memref<!tpu.dma_semaphore, #tpu.memory_space<semaphore_mem>>)
      %dma_wait3A_121 = tpu.memref_slice %arg5[%mul3A_6, %mul3A_111] : memref<10000x128xf32, #tpu.memory_space<hbm>> -> memref<624x64xf32, #tpu.memory_space<hbm>>
      %dma_wait3A_122 = arith.constant 0 : i32
      %dma_wait3A_123 = tpu.memref_slice %arg9[%mul3A_6, %dma_wait3A_122] : memref<10016x64xf32, #tpu.memory_space<vmem_shared>> -> memref<624x64xf32, #tpu.memory_space<vmem_shared>>
      tpu.wait_dma2 semaphore(%run_scoped3A_117 : memref<!tpu.dma_semaphore, #tpu.memory_space<semaphore_mem>>) src(%dma_wait3A_123 : memref<624x64xf32, #tpu.memory_space<vmem_shared>>) dst(%dma_wait3A_121 : memref<624x64xf32, #tpu.memory_space<hbm>>)
      tpu.yield
    }) : () -> ()
    %eq3A_112 = arith.constant 0 : i32
    %eq3A_113 = arith.cmpi eq, %arg1, %eq3A_112 : i32
    %convert_element_type3A_114 = arith.extui %eq3A_113 : i1 to i32
    %cond3A_115 = arith.constant 0 : i32
    %cond3A_116 = arith.cmpi ne, %convert_element_type3A_114, %cond3A_115 : i32
    scf.if %cond3A_116 {
      %mul3A_117 = arith.constant 64 : i32
      %mul3A_118 = arith.muli %arg0, %mul3A_117 : i32
      "tpu.region"() ({
        %run_scoped3A_119 = tpu.sem_alloc : memref<!tpu.dma_semaphore, #tpu.memory_space<semaphore_mem>>
        %dma_start3A_120 = arith.constant 9984 : i32
        %dma_start3A_121 = tpu.memref_slice %arg5[%dma_start3A_120, %mul3A_118] : memref<10000x128xf32, #tpu.memory_space<hbm>> -> memref<16x64xf32, #tpu.memory_space<hbm>>
        %dma_start3A_122 = arith.constant 9984 : i32
        %dma_start3A_123 = arith.constant 0 : i32
        %dma_start3A_124 = tpu.memref_slice %arg9[%dma_start3A_122, %dma_start3A_123] : memref<10016x64xf32, #tpu.memory_space<vmem_shared>> -> memref<16x64xf32, #tpu.memory_space<vmem_shared>>
        tpu.enqueue_dma source(%dma_start3A_124 : memref<16x64xf32, #tpu.memory_space<vmem_shared>>) target(%dma_start3A_121 : memref<16x64xf32, #tpu.memory_space<hbm>>) target_semaphore(%run_scoped3A_119 : memref<!tpu.dma_semaphore, #tpu.memory_space<semaphore_mem>>)
        %dma_wait3A_125 = arith.constant 9984 : i32
        %dma_wait3A_126 = tpu.memref_slice %arg5[%dma_wait3A_125, %mul3A_118] : memref<10000x128xf32, #tpu.memory_space<hbm>> -> memref<16x64xf32, #tpu.memory_space<hbm>>
        %dma_wait3A_127 = arith.constant 9984 : i32
        %dma_wait3A_128 = arith.constant 0 : i32
        %dma_wait3A_129 = tpu.memref_slice %arg9[%dma_wait3A_127, %dma_wait3A_128] : memref<10016x64xf32, #tpu.memory_space<vmem_shared>> -> memref<16x64xf32, #tpu.memory_space<vmem_shared>>
        tpu.wait_dma2 semaphore(%run_scoped3A_119 : memref<!tpu.dma_semaphore, #tpu.memory_space<semaphore_mem>>) src(%dma_wait3A_129 : memref<16x64xf32, #tpu.memory_space<vmem_shared>>) dst(%dma_wait3A_126 : memref<16x64xf32, #tpu.memory_space<hbm>>)
        tpu.yield
      }) : () -> ()
    } else {
    }
    return
  }
}

module attributes {stable_mosaic.version = 14 : i64} {
  func.func @_mm_body(%arg0: i32, %arg1: memref<2000x128xf32, #tpu.memory_space<vmem>>, %arg2: memref<128x128xf32, #tpu.memory_space<vmem>>, %arg3: memref<2000x128xf32, #tpu.memory_space<vmem>>) attributes {dimension_semantics = [#tpu.dimension_semantics<arbitrary>], iteration_bounds = array<i64: 5>, scalar_prefetch = 0 : i64, scratch_operands = 0 : i64, tpu.core_type = #tpu.core_type<tc>, window_params = [{transform_indices = @transform_0, window_bounds = array<i64: 2000, 128>}, {pipeline_mode = #tpu.pipeline_mode<synchronous>, transform_indices = @transform_1, window_bounds = array<i64: 128, 128>}, {transform_indices = @transform_2, window_bounds = array<i64: 2000, 128>}]} {
    %get3A = arith.constant 0 : index
    %get3A_0 = arith.constant 0 : index
    %get3A_1 = vector.load %arg1[%get3A, %get3A_0] : memref<2000x128xf32, #tpu.memory_space<vmem>>, vector<2000x128xf32>
    %get3A_2 = arith.constant 0 : index
    %get3A_3 = arith.constant 0 : index
    %get3A_4 = vector.load %arg2[%get3A_2, %get3A_3] : memref<128x128xf32, #tpu.memory_space<vmem>>, vector<128x128xf32>
    %dot_general3A = arith.constant dense<0.000000e+00> : vector<2000x128xf32>
    %dot_general3A_5 = tpu.matmul %get3A_1, %get3A_4, %dot_general3A {dimension_numbers = #tpu.dot_dimension_numbers<[1], [0], [0], [1], [0, 0, 1, 1], [], []>, precision = #tpu.contract_precision<fp32>, transpose_lhs_hint = false} : vector<2000x128xf32>, vector<128x128xf32>, vector<2000x128xf32> -> vector<2000x128xf32>
    %swap3A = arith.constant 0 : index
    %swap3A_6 = arith.constant 0 : index
    %swap3A_7 = vector.load %arg3[%swap3A, %swap3A_6] : memref<2000x128xf32, #tpu.memory_space<vmem>>, vector<2000x128xf32>
    tpu.vector_store %arg3[%swap3A, %swap3A_6], %dot_general3A_5 {strides = array<i32>} : memref<2000x128xf32, #tpu.memory_space<vmem>>, vector<2000x128xf32>,
    return
  }
  func.func @transform_0(%arg0: i32) -> (i32, i32) {
    %c0_i32 = arith.constant 0 : i32
    %c0_i32_0 = arith.constant 0 : i32
    return %arg0, %c0_i32 : i32, i32
  }
  func.func @transform_1(%arg0: i32) -> (i32, i32) {
    %c0_i32 = arith.constant 0 : i32
    %c0_i32_0 = arith.constant 0 : i32
    %c0_i32_1 = arith.constant 0 : i32
    return %c0_i32, %c0_i32_0 : i32, i32
  }
  func.func @transform_2(%arg0: i32) -> (i32, i32) {
    %c0_i32 = arith.constant 0 : i32
    %c0_i32_0 = arith.constant 0 : i32
    return %arg0, %c0_i32 : i32, i32
  }
}

module attributes {stable_mosaic.version = 14 : i64} {
  func.func @_scale_body(%arg0: i32, %arg1: memref<2000x128xf32, #tpu.memory_space<vmem>>, %arg2: memref<2000x128xf32, #tpu.memory_space<vmem>>, %arg3: memref<2000x128xf32, #tpu.memory_space<vmem>>) attributes {dimension_semantics = [#tpu.dimension_semantics<arbitrary>], iteration_bounds = array<i64: 5>, scalar_prefetch = 0 : i64, scratch_operands = 0 : i64, tpu.core_type = #tpu.core_type<tc>, window_params = [{transform_indices = @transform_0, window_bounds = array<i64: 2000, 128>}, {transform_indices = @transform_1, window_bounds = array<i64: 2000, 128>}, {transform_indices = @transform_2, window_bounds = array<i64: 2000, 128>}]} {
    %get3A = arith.constant 0 : index
    %get3A_0 = arith.constant 0 : index
    %get3A_1 = vector.load %arg1[%get3A, %get3A_0] : memref<2000x128xf32, #tpu.memory_space<vmem>>, vector<2000x128xf32>
    %get3A_2 = arith.constant 0 : index
    %get3A_3 = arith.constant 0 : index
    %get3A_4 = vector.load %arg2[%get3A_2, %get3A_3] : memref<2000x128xf32, #tpu.memory_space<vmem>>, vector<2000x128xf32>
    %mul3A = arith.mulf %get3A_1, %get3A_4 : vector<2000x128xf32>
    %swap3A = arith.constant 0 : index
    %swap3A_5 = arith.constant 0 : index
    %swap3A_6 = vector.load %arg3[%swap3A, %swap3A_5] : memref<2000x128xf32, #tpu.memory_space<vmem>>, vector<2000x128xf32>
    tpu.vector_store %arg3[%swap3A, %swap3A_5], %mul3A {strides = array<i32>} : memref<2000x128xf32, #tpu.memory_space<vmem>>, vector<2000x128xf32>,
    return
  }
  func.func @transform_0(%arg0: i32) -> (i32, i32) {
    %c0_i32 = arith.constant 0 : i32
    %c0_i32_0 = arith.constant 0 : i32
    return %arg0, %c0_i32 : i32, i32
  }
  func.func @transform_1(%arg0: i32) -> (i32, i32) {
    %c0_i32 = arith.constant 0 : i32
    %c0_i32_0 = arith.constant 0 : i32
    return %arg0, %c0_i32 : i32, i32
  }
  func.func @transform_2(%arg0: i32) -> (i32, i32) {
    %c0_i32 = arith.constant 0 : i32
    %c0_i32_0 = arith.constant 0 : i32
    return %arg0, %c0_i32 : i32, i32
  }
}

module attributes {stable_mosaic.version = 14 : i64} {
  func.func @_ep_body(%arg0: i32, %arg1: memref<2000x128xf32, #tpu.memory_space<vmem>>, %arg2: memref<2000x128xf32, #tpu.memory_space<vmem>>, %arg3: memref<1x128xf32, #tpu.memory_space<vmem>>, %arg4: memref<2000x128xf32, #tpu.memory_space<vmem>>) attributes {dimension_semantics = [#tpu.dimension_semantics<arbitrary>], iteration_bounds = array<i64: 5>, scalar_prefetch = 0 : i64, scratch_operands = 0 : i64, tpu.core_type = #tpu.core_type<tc>, window_params = [{transform_indices = @transform_0, window_bounds = array<i64: 2000, 128>}, {transform_indices = @transform_1, window_bounds = array<i64: 2000, 128>}, {pipeline_mode = #tpu.pipeline_mode<synchronous>, transform_indices = @transform_2, window_bounds = array<i64: 1, 128>}, {transform_indices = @transform_3, window_bounds = array<i64: 2000, 128>}]} {
    %get3A = arith.constant 0 : index
    %get3A_0 = arith.constant 0 : index
    %get3A_1 = vector.load %arg1[%get3A, %get3A_0] : memref<2000x128xf32, #tpu.memory_space<vmem>>, vector<2000x128xf32>
    %get3A_2 = arith.constant 0 : index
    %get3A_3 = arith.constant 0 : index
    %get3A_4 = vector.load %arg2[%get3A_2, %get3A_3] : memref<2000x128xf32, #tpu.memory_space<vmem>>, vector<2000x128xf32>
    %mul3A = arith.mulf %get3A_1, %get3A_4 : vector<2000x128xf32>
    %get3A_5 = arith.constant 0 : index
    %get3A_6 = arith.constant 0 : index
    %get3A_7 = vector.load %arg3[%get3A_5, %get3A_6] : memref<1x128xf32, #tpu.memory_space<vmem>>, vector<1x128xf32>
    %add3A = vector.broadcast %get3A_7 : vector<1x128xf32> to vector<2000x128xf32>
    %add3A_8 = arith.addf %mul3A, %add3A : vector<2000x128xf32>
    %mul3A_9 = arith.constant 5.000000e-01 : f32
    %mul3A_10 = vector.broadcast %mul3A_9 : f32 to vector<2000x128xf32>
    %mul3A_11 = arith.mulf %add3A_8, %mul3A_10 : vector<2000x128xf32>
    %mul3A_12 = arith.constant 0.707106769 : f32
    %mul3A_13 = vector.broadcast %mul3A_12 : f32 to vector<2000x128xf32>
    %mul3A_14 = arith.mulf %add3A_8, %mul3A_13 : vector<2000x128xf32>
    %erf3A = math.erf %mul3A_14 : vector<2000x128xf32>
    %add3A_15 = arith.constant 1.000000e+00 : f32
    %add3A_16 = vector.broadcast %add3A_15 : f32 to vector<2000x128xf32>
    %add3A_17 = arith.addf %add3A_16, %erf3A : vector<2000x128xf32>
    %mul3A_18 = arith.mulf %mul3A_11, %add3A_17 : vector<2000x128xf32>
    %swap3A = arith.constant 0 : index
    %swap3A_19 = arith.constant 0 : index
    %swap3A_20 = vector.load %arg4[%swap3A, %swap3A_19] : memref<2000x128xf32, #tpu.memory_space<vmem>>, vector<2000x128xf32>
    tpu.vector_store %arg4[%swap3A, %swap3A_19], %mul3A_18 {strides = array<i32>} : memref<2000x128xf32, #tpu.memory_space<vmem>>, vector<2000x128xf32>,
    return
  }
  func.func @transform_0(%arg0: i32) -> (i32, i32) {
    %c0_i32 = arith.constant 0 : i32
    %c0_i32_0 = arith.constant 0 : i32
    return %arg0, %c0_i32 : i32, i32
  }
  func.func @transform_1(%arg0: i32) -> (i32, i32) {
    %c0_i32 = arith.constant 0 : i32
    %c0_i32_0 = arith.constant 0 : i32
    return %arg0, %c0_i32 : i32, i32
  }
  func.func @transform_2(%arg0: i32) -> (i32, i32) {
    %c0_i32 = arith.constant 0 : i32
    %c0_i32_0 = arith.constant 0 : i32
    %c0_i32_1 = arith.constant 0 : i32
    return %c0_i32, %c0_i32_0 : i32, i32
  }
  func.func @transform_3(%arg0: i32) -> (i32, i32) {
    %c0_i32 = arith.constant 0 : i32
    %c0_i32_0 = arith.constant 0 : i32
    return %arg0, %c0_i32 : i32, i32
  }
}

</mosaic_0001>

<sc_bundles>
// kernel: kernel.10.cloned.1.call-start
scs
__scs_entry_jumppad:
0x0: {  	(pc) =	sbr.rel $0x88, $3  }
0x1: {  	(tag) =	ssettag $0x0;
	lr =	simm.s32 $0x1  }
0x2: {  	[smem:$0x3F9D] =	sst lr;
	_ =	strace $0xD0000000  }
0x3: {  	_ = 	snop  }
0x4: {  	_ = 	snop  }
0x5: {  	_ = 	snop  }
0x6: {  	_ = 	snop  }
0x7: {  	_ = 	snop  }
__scs_overlays_trampoline_lowered:
0x8: {  	[smem:$0x3FAC] =	sst s0  }
0x9: {  	[smem:$0x3FAD] =	sst s1  }
0xa: {  	[smem:$0x3FAE] =	sst s2  }
0xb: {  	[smem:$0x3FAF] =	sst s3  }
0xc: {  	[smem:$0x3FB0] =	sst s4  }
0xd: {  	[smem:$0x3FB1] =	sst s5  }
0xe: {  	[smem:$0x3FB2] =	sst s6  }
0xf: {  	[smem:$0x3FB3] =	sst s7  }
0x10: {  	[smem:$0x3FB4] =	sst s8  }
0x11: {  	[smem:$0x3FB5] =	sst s9;
	s0 =	simm.s32 @!p0 $0x0  }
0x12: {  	s1 =	sld [smem:$0x3F9B];
	s0 =	simm.s32 @p0 $0x1  }
0x13: {  	[smem:$0x3FB6] =	sst s0;
	s0 =	simm.s32 @!p1 $0x0  }
0x14: {  	s2 =	sld [smem:$0x3F9A];
	s0 =	simm.s32 @p1 $0x1  }
0x15: {  	[smem:$0x3FB7] =	sst s0;
	s0 =	simm.s32 @!p2 $0x0  }
0x16: {  	s3 =	sld [smem:$0x3FDB];
	s0 =	simm.s32 @p2 $0x1  }
0x17: {  	s4 =	simm.s32 $0x1BF5;
	[smem:$0x3FB9] =	sst s0  }
0x18: {  	s0 =	sld [smem:$0x3F9C];
	_ =	swait.ge [sflag:s4], $0x0  }
0x19: {  	s7 =	sld [smem:$0x3F9D]  }
0x1a: {  	s8 =	sadd.s32 $0xFFFFE003, lr  }
0x1b: {  	s9 =	sadd.s32 $0xFFFFFEF7, lr;
	s5 =	simm.s32 $0xFFFFFFFF;
	p2 =	slt.u32 s8, $0xFFFFF086  }
0x1c: {  	p1 =	slt.u32 s9, $0xF7A;
	s5 =	simm.s32 @!p2 $0x0  }
0x1d: {  	s5 =	simm.s32 @p1 $0x1;
	p0 =	seq.s32 s7, s2  }
0x1e: {  	s7 =	smul.u32 @!p0 $0xF7A, s2;
	p2 =	seq.s32 @!p0 s5, $0x0  }
0x1f: {  	s9 =	smul.u32 $0xF7A, s1;
	s8 =	simm.s32 @!p0 $0x1BF5;
	p2 =	por !p2, p0  }
0x20: {  	[sflag:s8] =	ssyncset.s32 @!p0 $0xFFFFF086;
	s6 =	sadd.s32 @!p0 s3, s7;
	s7 =	simm.s32 @!p0 $0x108  }
0x21: {  	s3 =	sadd.s32 s3, s9;
	s6 =	sadd.s32 @!p0 $0x88, s6;
	s7 =	simm.s32 @p2 $0x1082  }
0x22: {  	[simem:s7], [sflag:s8] =	dma.local @!p0 [hbm:s6], $0xF7A  }
0x23: {  	s9 =	sor.u32 $0xD0000000, s2;
	s6 =	simm.s32 $0x108;
	_ =	swait.ge @!p0 [sflag:s8], $0x0  }
0x24: {  	s3 =	sadd.s32 $0x88, s3;
	s6 =	simm.s32 @!p1 $0x1082;
	[sflag:s4] =	ssyncset.s32 $0xFFFFF086  }
0x25: {  	[simem:s6], [sflag:s4] =	dma.local [hbm:s3], $0xF7A  }
0x26: {  	[smem:$0x3F9D] =	sst s1;
	(tag) =	ssettag s2;
	_ =	strace s9  }
0x27: {  	s1 =	sld [smem:$0x3FAD]  }
0x28: {  	s2 =	sld [smem:$0x3FAE]  }
0x29: {  	s4 =	sld [smem:$0x3FB0]  }
0x2a: {  	p0 =	seq.s32 s5, $0x0;
	s5 =	sld [smem:$0x3FB1]  }
0x2b: {  	s6 =	sld [smem:$0x3FB2]  }
0x2c: {  	s7 =	sld [smem:$0x3FB3]  }
0x2d: {  	s3 =	simm.s32 $0x108;
	s8 =	sld [smem:$0x3FB4]  }
0x2e: {  	s3 =	simm.s32 @!p0 $0x1082;
	s9 =	sld [smem:$0x3FB5]  }
0x2f: {  	lr =	sadd.s32 s0, s3;
	s0 =	sld [smem:$0x3FAC]  }
0x30: {  	s3 =	sld [smem:$0x3FAF]  }
0x31: {  	[smem:$0x3FB8] =	sst s10  }
0x32: {  	s10 =	sld [smem:$0x3FB6];
	_ =	sdelay $0x3  }
0x33: {  	p0 =	seq.s32 s10, $0x1;
	s10 =	sld [smem:$0x3FB8];
	_ =	sdelay $0x3  }
0x34: {  	[smem:$0x3FB8] =	sst s10  }
0x35: {  	s10 =	sld [smem:$0x3FB7];
	_ =	sdelay $0x3  }
0x36: {  	p1 =	seq.s32 s10, $0x1;
	s10 =	sld [smem:$0x3FB8];
	_ =	sdelay $0x3  }
0x37: {  	[smem:$0x3FB8] =	sst s10  }
0x38: {  	s10 =	sld [smem:$0x3FB9]  }
0x39: {  	_ = 	snop;
	(pc) =	sbr.ind lr, $3  }
0x3a: {  	_ = 	snop  }
0x3b: {  	_ = 	snop  }
0x3c: {  	p2 =	seq.s32 s10, $0x1;
	s10 =	sld [smem:$0x3FB8]  }
0x3d: {  	_ =	shalt  }
0x3e: {  	_ =	shalt  }
0x3f: {  	_ =	shalt  }
0x40: {  	_ =	shalt  }
0x41: {  	_ =	shalt  }
0x42: {  	_ =	shalt  }
0x43: {  	_ =	shalt  }
0x44: {  	_ =	shalt  }
0x45: {  	_ =	shalt  }
0x46: {  	_ =	shalt  }
0x47: {  	_ =	shalt  }
0x48: {  	_ =	shalt  }
0x49: {  	_ =	shalt  }
0x4a: {  	_ =	shalt  }
0x4b: {  	_ =	shalt  }
0x4c: {  	_ =	shalt  }
0x4d: {  	_ =	shalt  }
0x4e: {  	_ =	shalt  }
0x4f: {  	_ =	shalt  }
0x50: {  	_ =	shalt  }
0x51: {  	_ =	shalt  }
0x52: {  	_ =	shalt  }
0x53: {  	_ =	shalt  }
0x54: {  	_ =	shalt  }
0x55: {  	_ =	shalt  }
0x56: {  	_ =	shalt  }
0x57: {  	_ =	shalt  }
0x58: {  	_ =	shalt  }
0x59: {  	_ =	shalt  }
0x5a: {  	_ =	shalt  }
0x5b: {  	_ =	shalt  }
0x5c: {  	_ =	shalt  }
0x5d: {  	_ =	shalt  }
0x5e: {  	_ =	shalt  }
0x5f: {  	_ =	shalt  }
0x60: {  	_ =	shalt  }
0x61: {  	_ =	shalt  }
0x62: {  	_ =	shalt  }
0x63: {  	_ =	shalt  }
0x64: {  	_ =	shalt  }
0x65: {  	_ =	shalt  }
0x66: {  	_ =	shalt  }
0x67: {  	_ =	shalt  }
0x68: {  	_ =	shalt  }
0x69: {  	_ =	shalt  }
0x6a: {  	_ =	shalt  }
0x6b: {  	_ =	shalt  }
0x6c: {  	_ =	shalt  }
0x6d: {  	_ =	shalt  }
0x6e: {  	_ =	shalt  }
0x6f: {  	_ =	shalt  }
0x70: {  	_ =	shalt  }
0x71: {  	_ =	shalt  }
0x72: {  	_ =	shalt  }
0x73: {  	_ =	shalt  }
0x74: {  	_ =	shalt  }
0x75: {  	_ =	shalt  }
0x76: {  	_ =	shalt  }
0x77: {  	_ =	shalt  }
0x78: {  	_ =	shalt  }
0x79: {  	_ =	shalt  }
0x7a: {  	_ =	shalt  }
0x7b: {  	_ =	shalt  }
0x7c: {  	_ =	shalt  }
0x7d: {  	_ =	shalt  }
0x7e: {  	_ =	shalt  }
0x7f: {  	_ =	shalt  }
0x80: {  	_ =	shalt  }
0x81: {  	_ =	shalt  }
0x82: {  	_ =	shalt  }
0x83: {  	_ =	shalt  }
0x84: {  	_ =	shalt  }
0x85: {  	_ =	shalt  }
0x86: {  	_ =	shalt  }
0x87: {  	_ =	shalt  }
.Lfunc_end0:
.L_simem_size_0:
called_computation.1_lowered:
.L_overlay_start_0:
0x88: {  	s2 =	sld [smem:$0x3FD9]  }
0x89: {  	s3 =	sld [smem:$0x3FFE];
	_ =	sdelay $0x1  }
0x8a: {  	s1 =	srdreg.scid  }
0x8b: {  	s0 =	sand.u32 $0x1, s1  }
0x8c: {  	s17 =	sshll.u32 s0, $0xA;
	s2 =	sadd.s32 s3, s2  }
0x8d: {  	s2 =	sadd.s32 s2, s17  }
0x8e: {  	[smem:$0x3FC4] =	sst s2  }
0x8f: {  	_ = 	snop  }
0x90: {  	s2 =	sld [smem:$0x3FD0];
	(tm) =	ssettm $0x1  }
0x91: {  	s18 =	sld [smem:$0x3FFB];
	_ =	sdelay $0x3  }
0x92: {  	_ =	strace s18  }
0x93: {  	s3 =	sld [smem:$0x3FFC];
	_ =	sdelay $0x3  }
0x94: {  	_ =	strace s3  }
0x95: {  	s3 =	sld [smem:$0x3FFD];
	_ =	sdelay $0x3  }
0x96: {  	_ =	strace s3  }
0x97: {  	_ =	strace $0x8FFFFFFF  }
0x98: {  	s19 =	sld [smem:$0x3FDB];
	_ =	sdelay $0x1  }
0x99: {  	s4 =	simm.s32 $_scs_section_size  }
0x9a: {  	s5 =	simm.s32 $_size__tile_overlayer_lowered;
	s6 =	simm.s32 $_tile_overlayer_lowered  }
0x9b: {  	s22 =	simm.s32 $0x1BFF;
	s21 =	sshll.u32 s6, $0x1;
	s3 =	sadd.s32 s4, s19  }
0x9c: {  	s7 =	simm.s32 $0x0;
	s20 =	sshll.u32 s5, $0x1;
	s5 =	sadd.s32 s21, s3  }
0x9d: {  	[timem:s7], [sflag:s22] =	dma.local [hbm:s5], s20  }
0x9e: {  	_ =	swait.ge [sflag:s22], s20  }
0x9f: {  	s4 =	ssub.s32 $0x0, s20;
	[sflag:s22] =	ssyncset.done $0x0  }
0xa0: {  	[sflag:s22] =	ssyncadd.s32 s4;
	_ =	sdelay $0x1  }
0xa1: {  	s23 =	simm.s32 $0x1B8B  }
0xa2: {  	_ =	swait.ge [sflag:s23], $0x1  }
0xa3: {  	[sflag:s23] =	ssyncset.done $0x0  }
0xa4: {  	s25 =	simm.s32 $0x1B8E;
	s24 =	sld [smem:$0x3FFE];
	[sflag:s23] =	ssyncadd.s32 $0xFFFFFFFF  }
0xa5: {  	s26 =	simm.s32 $execute0_lowered;
	[smem:$0x3FD2] =	sst s25  }
0xa6: {  	s5 =	sshll.u32 s26, $0x1;
	_ =	strace $0x80000049;
	[dreg:$0x1] =	wrdreg $0xFFFFFFFF  }
0xa7: {  	s28 =	simm.s32 $_size_execute0_lowered;
	s3 =	sadd.s32 s3, s5;
	[dreg:$0x0] =	wrdreg $0x0  }
0xa8: {  	s5 =	sshll.u32 s28, $0x1;
	[dreg:$0x2] =	wrdreg s3  }
0xa9: {  	[dreg:$0x3] =	wrdreg s5  }
0xaa: {  	[dreg:$0x4] =	wrdreg $0xC0  }
0xab: {  	_ =	task [dreg:s7], $0x5FFFF  }
0xac: {  	[dreg:$0x1] =	wrdreg $0xFFFFFFFF  }
0xad: {  	[dreg:$0x0] =	wrdreg $0x60  }
0xae: {  	[dreg:$0x2] =	wrdreg s2  }
0xaf: {  	[dreg:$0x3] =	wrdreg s24  }
0xb0: {  	[dreg:$0x4] =	wrdreg $0x162000  }
0xb1: {  	[dreg:$0x5] =	wrdreg $0x9  }
0xb2: {  	_ =	task.clear_ibuf [dreg:s7], $0x6FFFF;
	_ =	strace $0x90000049  }
0xb3: {  	s29 =	simm.s32 $0x9;
	_ =	strace $0x8000004B  }
0xb4: {  	_ =	swait.ge [sflag:s29], $0x1  }
0xb5: {  	[sflag:s29] =	ssyncadd.s32 $0xFFFFFFFF  }
0xb6: {  	_ =	strace $0x9000004B  }
0xb7: {  	_ =	sfence  }
0xb8: {  	s30 =	sld [smem:$0x0];
	_ =	sdelay $0x2  }
0xb9: {  	s31 =	sshll.u32 s1, $0xD;
	s1 =	sshrl.u32 s1, $0x2  }
0xba: {  	s3 =	sand.u32 $0x4000, s31;
	s1 =	sadd.s32 s1, s30  }
0xbb: {  	s0 =	sor.u32 s3, s0;
	s1 =	sshll.u32 s1, $0x11  }
0xbc: {  	s0 =	sor.u32 s1, s0  }
0xbd: {  	s0 =	sadd.s32 $0x8F2B, s0  }
0xbe: {  	[sflag:s0] =	ssyncadd.remote.s32 $0x1  }
0xbf: {  	_ =	sfence.sel $0xFFFF  }
0xc0: {  	[dreg:$0x0] =	wrdreg $0xFFFFFFFF;
	(pc) =	sbr.abs _section_cstart, $3  }
0xc1: {  	[dreg:$0x1] =	wrdreg $0xFFFFFFFF  }
0xc2: {  	_ =	task.clear_ibuf [dreg:s7], $0x2FFFF;
	_ =	strace $0x9FFFFFFF  }
0xc3: {  	(tm) =	ssettm $0x7FFFFFFF  }
tec
execute0_lowered:
.L_overlay_start_1:
0x0: {  	(tag) =	ssettag $0x1  }
0x1: {  	s1 =	rddreg [dreg:$0x0]  }
0x2: {  	s0 =	rddreg [dreg:$0x1]  }
0x3: {  	s2 =	rddreg [dreg:$0x2]  }
0x4: {  	s3 =	stileid.u32;
	s6 =	simm.s32 $0x0;
	s5 =	srdreg.scid  }
0x5: {  	s11 =	simm.s32 $0x11;
	s16 =	simm.s32 $0x60;
	s28 =	simm.s32 $0x3  }
0x6: {  	s29 =	simm.s32 $0x13200;
	s30 =	simm.s32 $0x4;
	s31 =	simm.s32 $0x14A00  }
0x7: {  	s12 =	simm.s32 $0x9;
	s4 =	smul.u32 $0x5100, s3;
	[smem:$0x7FF] =	sst s6  }
0x8: {  	s17 =	smul.u32 $0x9C00, s3;
	s5 =	sand.u32 $0x1, s5;
	s10 =	sadd.s32 $0x29800, s0  }
0x9: {  	s19 =	smul.u32 $0x13800, s3;
	s26 =	sshll.u32 s3, $0x6;
	p0 =	sne.s32 s3, $0x0  }
0xa: {  	s3 =	simm.s32 $0x8;
	_ =	strace $0x8000004A;
	s7 =	ssub.s32 $0x2, s5  }
0xb: {  	s20 =	sshll.u32 s5, $0x6;
	s21 =	sshll.u32 s5, $0x3;
	s13 =	sor.u32 $0x1C11, s26  }
0xc: {  	s26 =	simm.s32 $0x11A00;
	s4 =	sshrl.u32 s4, $0x3;
	s8 =	sshrl.u32 s17, $0x3  }
0xd: {  	s9 =	sshrl.u32 s7, $0x1;
	s6 =	sadd.s32 s17, s2;
	s23 =	sadd.s32 s21, s10  }
0xe: {  	s17 =	simm.s32 $0xA200;
	s21 =	simm.s32 $0xB;
	s4 =	sadd.s32 s4, s0  }
0xf: {  	s8 =	sadd.s32 s8, s0;
	s7 =	ssub.s32 s7, s9;
	s9 =	sadd.s32 $0x9C000, s2  }
0x10: {  	s0 =	sadd.s32 $0x29600, s0;
	s24 =	sadd.s32 $0x27000, s23;
	s14 =	sshrl.u32 s6, $0x3  }
0x11: {  	s23 =	simm.s32 $0x1;
	s18 =	sadd.s32 $0x1A00, s4;
	[dreg:$0x7] =	wrdreg s0  }
0x12: {  	s4 =	sadd.s32 $0xBC00, s4;
	s8 =	sadd.s32 $0x15E00, s8;
	[dreg:$0x9] =	wrdreg s24  }
0x13: {  	s25 =	smax.u32 s7, $0x1;
	s15 =	sshrl.u32 @!p0 s9, $0x3;
	[dreg:$0x4] =	wrdreg s18  }
0x14: {  	s24 =	simm.s32 $0x10200;
	s9 =	simm.s32 $0x0;
	[dreg:$0x5] =	wrdreg s4  }
.Ltmp0:
0x15: {  	[dreg:$0x6] =	wrdreg s8;
	s4 =	sor.u32 s20, s19;
	(pc) =	sbr.rel .LBB2_1-.Ltmp0, $4  }
0x16: {  	[dreg:$0xa] =	wrdreg s25;
	s18 =	simm.s32 $0xBA00;
	s20 =	simm.s32 $0xD200  }
0x17: {  	s25 =	simm.s32 $0x2;
	s19 =	simm.s32 $0x7;
	s22 =	sshrl.u32 s4, $0x3  }
0x18: {  	[dreg:$0xb] =	wrdreg s15;
	s4 =	simm.s32 $0xC;
	s0 =	sadd.s32 s10, s22  }
0x19: {  	v0 =	vmov s5;
	s22 =	simm.s32 $0xEA00;
	[dreg:$0x8] =	wrdreg s0;
	s0 =	simm.s32 $0x5  }
.LBB2_6:
0x1a: {  	_ =	swait.ge [sflag:s3], $0x1800  }
0x1b: {  	[sflag:s3] =	ssyncset.done $0x0  }
0x1c: {  	[sflag:s3] =	ssyncadd.s32 $0xFFFFE800  }
0x1d: {  	[spmem:s2] =	stream.indirect.scatter.add.f32 [tilespmem:s31], [sflag:$0x10], $0x40, s6, s16, $0xb8;
	[tilespmem:$0x1FE80] =	vst v63  }
0x1e: {  	_ =	swait.ge [sflag:s4], $0x1800  }
0x1f: {  	[sflag:s4] =	ssyncset.done $0x0  }
0x20: {  	s5 =	simm.s32 $0xD;
	[sflag:s4] =	ssyncadd.s32 $0xFFFFE800  }
0x21: {  	_ =	swait.ge [sflag:s5], $0x1800  }
0x22: {  	[sflag:s5] =	ssyncset.done $0x0  }
0x23: {  	s14 =	simm.s32 $0xE;
	[sflag:s5] =	ssyncadd.s32 $0xFFFFE800  }
0x24: {  	_ =	swait.ge [sflag:s14], $0x1800  }
0x25: {  	[sflag:s14] =	ssyncset.done $0x0  }
0x26: {  	s15 =	simm.s32 $0xF;
	[sflag:s14] =	ssyncadd.s32 $0xFFFFE800  }
0x27: {  	_ =	swait.ge [sflag:s15], $0x1800  }
0x28: {  	[sflag:s15] =	ssyncset.done $0x0  }
0x29: {  	s5 =	simm.s32 $0x10;
	[sflag:s15] =	ssyncadd.s32 $0xFFFFE800  }
0x2a: {  	_ =	swait.ge [sflag:s5], $0x1800  }
0x2b: {  	[sflag:s5] =	ssyncset.done $0x0  }
0x2c: {  	[sflag:s5] =	ssyncadd.s32 $0xFFFFE800  }
0x2d: {  	[bflag:$0x0] =	sbarrier.arrive $0xFFFF  }
0x2e: {  	s7 =	rddreg [dreg:$0x8]  }
0x2f: {  	[hbm:s7@s5], [sflag:s13] =	dma.strided [spmem:s8@s3], $0x1380, s23, $0x8   }
0x30: {  	s6 =	simm.s32 @!p0 $0x10;
	_ =	swait.ge [sflag:s11], $0x1380  }
0x31: {  	s5 =	simm.s32 @!p0 $0x1;
	[sflag:s11] =	ssyncset.done $0x0;
	s10 =	rddreg [dreg:$0x9]  }
0x32: {  	s7 =	simm.s32 @!p0 $0x8;
	s15 =	rddreg [dreg:$0xb];
	[sflag:s11] =	ssyncadd.s32 $0xFFFFEC80  }
0x33: {  	[hbm:s10@s6], [sflag:s13] =	dma.strided @!p0 [spmem:s15@s7], $0x80, s5, $0x8   }
0x34: {  	s5 =	simm.s32 @!p0 $0x11  }
0x35: {  	_ =	swait.ge @!p0 [sflag:s5], $0x80  }
0x36: {  	s9 =	sadd.s32 $0x1, s9;
	s10 =	rddreg [dreg:$0xa]  }
0x37: {  	p1 =	sne.s32 s9, s10  }
.Ltmp1:
0x38: {  	_ = 	snop;
	(pc) =	sbr.rel @!p1 .LBB2_7-.Ltmp1, $3  }
0x39: {  	_ =	sdelay $0x1  }
0x3a: {  	[sflag:s5] =	ssyncset.done @!p0 $0x0  }
0x3b: {  	s14 =	smov.u32 s8;
	[sflag:s5] =	ssyncadd.s32 @!p0 $0xFFFFFF80  }
.LBB2_1:
0x3c: {  	s5 =	simm.s32 $0x0;
	s6 =	rddreg [dreg:$0x4]  }
0x3d: {  	[tilespmem:s5], [sflag:$0x11] =	stream.linear.gather [hbm4b:s6+s5], $0x5100, $0x38;
	[tilespmem:$0x1FE80] =	vst v63  }
0x3e: {  	_ =	swait.ge [sflag:s11], $0x5100  }
0x3f: {  	[sflag:s11] =	ssyncset.done $0x0  }
0x40: {  	s7 =	simm.s32 $0x5100;
	s10 =	rddreg [dreg:$0x5];
	[sflag:s11] =	ssyncadd.s32 $0xFFFFAF00  }
0x41: {  	[tilespmem:s7], [sflag:$0x11] =	stream.linear.gather [hbm4b:s10+s5], $0x5100, $0x38;
	[tilespmem:$0x1FE80] =	vst v63  }
0x42: {  	_ =	swait.ge [sflag:s11], $0x5100  }
0x43: {  	[sflag:s11] =	ssyncset.done $0x0  }
0x44: {  	s10 =	simm.s32 $0x50;
	[sflag:s11] =	ssyncadd.s32 $0xFFFFAF00  }
0x45: {  	v1 =	vld [tilespmem:s10+$0xFFFFFFB0]  }
0x46: {  	v2 =	vld [tilespmem:s10+$0xFFFFFFC0]  }
0x47: {  	v3 =	vld [tilespmem:s10+$0xFFFFFFD0]  }
0x48: {  	v4 =	vld [tilespmem:s10+$0xFFFFFFE0]  }
0x49: {  	v5 =	vld [tilespmem:s10+$0x0]  }
0x4a: {  	v6 =	vld [tilespmem:s10+$0xFFFFFFF0];
	v1 =	vshll.u32 v1, $0x1  }
0x4b: {  	v2 =	vshll.u32 v2, $0x1;
	v1 =	vor.u32 v0, v1  }
0x4c: {  	s5 =	simm.s32 $0xB0;
	v3 =	vshll.u32 v3, $0x1;
	v2 =	vor.u32 v0, v2;
	[tilespmem:s10+$0xFFFFFFB0] =	vst v1  }
0x4d: {  	v4 =	vshll.u32 v4, $0x1;
	v3 =	vor.u32 v0, v3;
	v1 =	vld [tilespmem:s5+$0xFFFFFFB0];
	[tilespmem:s10+$0xFFFFFFC0] =	vst v2  }
0x4e: {  	v5 =	vshll.u32 v5, $0x1;
	v4 =	vor.u32 v0, v4;
	v2 =	vld [tilespmem:s5+$0xFFFFFFC0];
	[tilespmem:s10+$0xFFFFFFD0] =	vst v3  }
0x4f: {  	v6 =	vshll.u32 v6, $0x1;
	v7 =	vor.u32 v0, v5;
	v3 =	vld [tilespmem:s5+$0xFFFFFFD0];
	[tilespmem:s10+$0xFFFFFFE0] =	vst v4  }
0x50: {  	s6 =	simm.s32 $0x440;
	v5 =	vor.u32 v0, v6;
	v4 =	vld [tilespmem:s5+$0xFFFFFFE0];
	[tilespmem:s10+$0x0] =	vst v7  }
.LBB2_2:
0x51: {  	p1 =	sne.s32 s6, $0x143C0;
	v6 =	vld [tilespmem:s5+$0x0];
	[tilespmem:s10+$0xFFFFFFF0] =	vst v5;
	s10 =	smov.u32 s5  }
0x52: {  	v1 =	vshll.u32 v1, $0x1;
	v5 =	vld [tilespmem:s10+$0xFFFFFFF0]  }
0x53: {  	v1 =	vor.u32 v0, v1;
	v2 =	vshll.u32 v2, $0x1  }
.Ltmp2:
0x54: {  	s5 =	sshra.s32 s6, $0x2;
	[tilespmem:s10+$0xFFFFFFB0] =	vst v1;
	v2 =	vor.u32 v0, v2;
	v3 =	vshll.u32 v3, $0x1;
	(pc) =	sbr.rel @p1 .LBB2_2-.Ltmp2, $4  }
0x55: {  	v1 =	vld [tilespmem:s5+$0xFFFFFFB0];
	[tilespmem:s10+$0xFFFFFFC0] =	vst v2;
	v3 =	vor.u32 v0, v3;
	v4 =	vshll.u32 v4, $0x1  }
0x56: {  	v2 =	vld [tilespmem:s5+$0xFFFFFFC0];
	[tilespmem:s10+$0xFFFFFFD0] =	vst v3;
	v4 =	vor.u32 v0, v4;
	v6 =	vshll.u32 v6, $0x1  }
0x57: {  	v3 =	vld [tilespmem:s5+$0xFFFFFFD0];
	[tilespmem:s10+$0xFFFFFFE0] =	vst v4;
	v5 =	vshll.u32 v5, $0x1;
	v6 =	vor.u32 v0, v6  }
0x58: {  	s6 =	sadd.s32 $0x180, s6;
	v4 =	vld [tilespmem:s5+$0xFFFFFFE0];
	v5 =	vor.u32 v0, v5;
	[tilespmem:s10+$0x0] =	vst v6  }
0x59: {  	v6 =	vld [tilespmem:s5+$0x0];
	[tilespmem:s10+$0xFFFFFFF0] =	vst v5  }
0x5a: {  	v1 =	vshll.u32 v1, $0x1;
	v5 =	vld [tilespmem:s5+$0xFFFFFFF0]  }
0x5b: {  	v1 =	vor.u32 v0, v1;
	v2 =	vshll.u32 v2, $0x1  }
0x5c: {  	[tilespmem:s5+$0xFFFFFFB0] =	vst v1;
	v1 =	vor.u32 v0, v2;
	v2 =	vshll.u32 v3, $0x1  }
0x5d: {  	[tilespmem:s5+$0xFFFFFFC0] =	vst v1;
	v1 =	vor.u32 v0, v2;
	v2 =	vshll.u32 v4, $0x1  }
0x5e: {  	[tilespmem:s5+$0xFFFFFFD0] =	vst v1;
	v1 =	vor.u32 v0, v2;
	v2 =	vshll.u32 v6, $0x1  }
0x5f: {  	[tilespmem:s5+$0xFFFFFFE0] =	vst v1;
	v1 =	vshll.u32 v5, $0x1;
	v2 =	vor.u32 v0, v2  }
0x60: {  	v1 =	vor.u32 v0, v1;
	[tilespmem:s5+$0x0] =	vst v2  }
0x61: {  	s10 =	rddreg [dreg:$0x6];
	[tilespmem:s5+$0xFFFFFFF0] =	vst v1  }
0x62: {  	[spmem:s14], [sflag:s13] =	dma.local [hbm:s10], $0x1380  }
0x63: {  	_ =	swait.ge [sflag:s11], $0x1380  }
0x64: {  	[sflag:s11] =	ssyncset.done $0x0  }
0x65: {  	s5 =	rddreg [dreg:$0x7];
	[sflag:s11] =	ssyncadd.s32 $0xFFFFEC80  }
0x66: {  	[spmem:s15], [sflag:s13] =	dma.local @!p0 [hbm:s5], $0x100  }
0x67: {  	s5 =	simm.s32 @!p0 $0x11  }
0x68: {  	_ =	swait.ge @!p0 [sflag:s5], $0x100  }
0x69: {  	[sflag:s5] =	ssyncset.done @!p0 $0x0  }
0x6a: {  	[sflag:s5] =	ssyncadd.s32 @!p0 $0xFFFFFF00  }
0x6b: {  	s10 =	simm.s32 $0x0;
	[bflag:$0x0] =	sbarrier.arrive $0xFFFF  }
0x6c: {  	[tilespmem:s17], [sflag:$0x1] =	stream.indirect.gather [hbm4b:s1+s16], $0x40, s10, s16, $0xb8;
	[tilespmem:$0x1FE80] =	vst v63  }
0x6d: {  	_ = 	snop  }
0x6e: {  	[tilespmem:s18], [sflag:$0x2] =	stream.indirect.gather [hbm4b:s1+s16], $0x40, s16, s16, $0xb8;
	[tilespmem:$0x1FE80] =	vst v63  }
0x6f: {  	s8 =	smov.u32 s14;
	s14 =	simm.s32 $0xC0  }
0x70: {  	[tilespmem:s20], [sflag:$0x3] =	stream.indirect.gather [hbm4b:s1+s16], $0x40, s14, s16, $0xb8;
	[tilespmem:$0x1FE80] =	vst v63  }
0x71: {  	s15 =	simm.s32 $0x120  }
0x72: {  	[tilespmem:s22], [sflag:$0x4] =	stream.indirect.gather [hbm4b:s1+s16], $0x40, s15, s16, $0xb8;
	[tilespmem:$0x1FE80] =	vst v63  }
.LBB2_4:
0x73: {  	_ =	swait.ge [sflag:s23], $0x1800  }
0x74: {  	s5 =	sshra.s32 s10, $0x2;
	[sflag:s23] =	ssyncset.done $0x0  }
0x75: {  	p1 =	seq.s32 s10, $0x0;
	s6 =	sadd.s32 $0x5100, s5;
	[sflag:s23] =	ssyncadd.s32 $0xFFFFE800  }
0x76: {  	[spmem:s2] =	stream.indirect.scatter.add.f32 [tilespmem:s17], [sflag:$0x9], $0x40, s6, s16, $0xb8;
	[tilespmem:$0x1FE80] =	vst v63  }
0x77: {  	s6 =	simm.s32 @!p1 $0xD  }
0x78: {  	_ =	swait.ge @!p1 [sflag:s6], $0x1800  }
0x79: {  	[sflag:s6] =	ssyncset.done @!p1 $0x0  }
0x7a: {  	s7 =	sadd.s32 $0x180, s5;
	[sflag:s6] =	ssyncadd.s32 @!p1 $0xFFFFE800  }
0x7b: {  	[tilespmem:s24], [sflag:$0x5] =	stream.indirect.gather [hbm4b:s1+s16], $0x40, s7, s16, $0xb8;
	[tilespmem:$0x1FE80] =	vst v63  }
0x7c: {  	_ =	swait.ge [sflag:s25], $0x1800  }
0x7d: {  	[sflag:s25] =	ssyncset.done $0x0  }
0x7e: {  	s14 =	sadd.s32 $0x5160, s5;
	s6 =	simm.s32 @!p1 $0xE;
	[sflag:s25] =	ssyncadd.s32 $0xFFFFE800  }
0x7f: {  	[spmem:s2] =	stream.indirect.scatter.add.f32 [tilespmem:s18], [sflag:$0xA], $0x40, s14, s16, $0xb8;
	[tilespmem:$0x1FE80] =	vst v63  }
0x80: {  	_ =	swait.ge @!p1 [sflag:s6], $0x1800  }
0x81: {  	[sflag:s6] =	ssyncset.done @!p1 $0x0  }
0x82: {  	s15 =	sadd.s32 $0x1E0, s5;
	[sflag:s6] =	ssyncadd.s32 @!p1 $0xFFFFE800  }
0x83: {  	[tilespmem:s26], [sflag:$0x6] =	stream.indirect.gather [hbm4b:s1+s16], $0x40, s15, s16, $0xb8;
	[tilespmem:$0x1FE80] =	vst v63  }
0x84: {  	_ =	swait.ge [sflag:s28], $0x1800  }
0x85: {  	[sflag:s28] =	ssyncset.done $0x0  }
0x86: {  	s7 =	sadd.s32 $0x51C0, s5;
	s6 =	simm.s32 @!p1 $0xF;
	[sflag:s28] =	ssyncadd.s32 $0xFFFFE800  }
0x87: {  	[spmem:s2] =	stream.indirect.scatter.add.f32 [tilespmem:s20], [sflag:$0xB], $0x40, s7, s16, $0xb8;
	[tilespmem:$0x1FE80] =	vst v63  }
0x88: {  	_ =	swait.ge @!p1 [sflag:s6], $0x1800  }
0x89: {  	[sflag:s6] =	ssyncset.done @!p1 $0x0  }
0x8a: {  	s14 =	sadd.s32 $0x240, s5;
	[sflag:s6] =	ssyncadd.s32 @!p1 $0xFFFFE800  }
0x8b: {  	[tilespmem:s29], [sflag:$0x7] =	stream.indirect.gather [hbm4b:s1+s16], $0x40, s14, s16, $0xb8;
	[tilespmem:$0x1FE80] =	vst v63  }
0x8c: {  	_ =	swait.ge [sflag:s30], $0x1800  }
0x8d: {  	[sflag:s30] =	ssyncset.done $0x0  }
0x8e: {  	s15 =	sadd.s32 $0x5220, s5;
	s6 =	simm.s32 @!p1 $0x10;
	[sflag:s30] =	ssyncadd.s32 $0xFFFFE800  }
0x8f: {  	[spmem:s2] =	stream.indirect.scatter.add.f32 [tilespmem:s22], [sflag:$0xC], $0x40, s15, s16, $0xb8;
	[tilespmem:$0x1FE80] =	vst v63  }
0x90: {  	_ =	swait.ge @!p1 [sflag:s6], $0x1800  }
0x91: {  	[sflag:s6] =	ssyncset.done @!p1 $0x0  }
0x92: {  	s7 =	sadd.s32 $0x2A0, s5;
	[sflag:s6] =	ssyncadd.s32 @!p1 $0xFFFFE800  }
0x93: {  	[tilespmem:s31], [sflag:$0x8] =	stream.indirect.gather [hbm4b:s1+s16], $0x40, s7, s16, $0xb8;
	[tilespmem:$0x1FE80] =	vst v63  }
0x94: {  	_ =	swait.ge [sflag:s0], $0x1800  }
0x95: {  	[sflag:s0] =	ssyncset.done $0x0  }
0x96: {  	s14 =	sadd.s32 $0x5280, s5;
	[sflag:s0] =	ssyncadd.s32 $0xFFFFE800  }
0x97: {  	[spmem:s2] =	stream.indirect.scatter.add.f32 [tilespmem:s24], [sflag:$0xD], $0x40, s14, s16, $0xb8;
	[tilespmem:$0x1FE80] =	vst v63  }
0x98: {  	_ =	swait.ge [sflag:s12], $0x1800  }
0x99: {  	p1 =	seq.s32 s10, $0x13800;
	[sflag:s12] =	ssyncset.done $0x0  }
0x9a: {  	s6 =	simm.s32 @p1 $0x6;
	[sflag:s12] =	ssyncadd.s32 $0xFFFFE800  }
0x9b: {  	_ =	swait.ge @p1 [sflag:s6], $0x1800  }
0x9c: {  	[sflag:s6] =	ssyncset.done @p1 $0x0  }
0x9d: {  	[sflag:s6] =	ssyncadd.s32 @p1 $0xFFFFE800;
	s6 =	sshra.s32 @p1 s10, $0x2  }
0x9e: {  	s7 =	simm.s32 @p1 $0x60;
	s14 =	simm.s32 @p1 $0x11A00;
	s6 =	sadd.s32 @p1 $0x52E0, s6  }
0x9f: {  	[spmem:s2] =	stream.indirect.scatter.add.f32 @p1 [tilespmem:s14], [sflag:$0xE], $0x40, s6, s7, $0xb8;
	[tilespmem:$0x1FE80] =	vst v63  }
0xa0: {  	s6 =	simm.s32 @p1 $0xA  }
0xa1: {  	_ =	swait.ge @p1 [sflag:s6], $0x1800  }
0xa2: {  	[sflag:s6] =	ssyncset.done @p1 $0x0  }
0xa3: {  	[sflag:s6] =	ssyncadd.s32 @p1 $0xFFFFE800;
	s6 =	sshra.s32 @!p1 s10, $0x2  }
0xa4: {  	s15 =	simm.s32 @!p1 $0xA200;
	s14 =	simm.s32 @!p1 $0x60;
	s7 =	sadd.s32 @!p1 $0x300, s6  }
0xa5: {  	[tilespmem:s15], [sflag:$0x1] =	stream.indirect.gather @!p1 [hbm4b:s1+s14], $0x40, s7, s14, $0xb8;
	[tilespmem:$0x1FE80] =	vst v63  }
0xa6: {  	s7 =	simm.s32 @!p1 $0x6  }
0xa7: {  	_ =	swait.ge @!p1 [sflag:s7], $0x1800  }
0xa8: {  	[sflag:s7] =	ssyncset.done @!p1 $0x0  }
0xa9: {  	s15 =	simm.s32 @!p1 $0x11A00;
	[sflag:s7] =	ssyncadd.s32 @!p1 $0xFFFFE800;
	s7 =	sadd.s32 @!p1 $0x52E0, s6  }
0xaa: {  	[spmem:s2] =	stream.indirect.scatter.add.f32 @!p1 [tilespmem:s15], [sflag:$0xE], $0x40, s7, s14, $0xb8;
	[tilespmem:$0x1FE80] =	vst v63  }
0xab: {  	s7 =	simm.s32 @!p1 $0xA  }
0xac: {  	_ =	swait.ge @!p1 [sflag:s7], $0x1800  }
0xad: {  	[sflag:s7] =	ssyncset.done @!p1 $0x0  }
0xae: {  	s6 =	sadd.s32 @!p1 $0x360, s6;
	[sflag:s7] =	ssyncadd.s32 @!p1 $0xFFFFE800;
	s7 =	simm.s32 @!p1 $0xBA00  }
0xaf: {  	[tilespmem:s7], [sflag:$0x2] =	stream.indirect.gather @!p1 [hbm4b:s1+s14], $0x40, s6, s14, $0xb8;
	[tilespmem:$0x1FE80] =	vst v63  }
0xb0: {  	_ =	swait.ge [sflag:s19], $0x1800  }
0xb1: {  	[sflag:s19] =	ssyncset.done $0x0  }
.Ltmp3:
0xb2: {  	s15 =	sadd.s32 $0x5340, s5;
	[sflag:s19] =	ssyncadd.s32 $0xFFFFE800;
	(pc) =	sbr.rel @p1 .LBB2_6-.Ltmp3, $4  }
0xb3: {  	[spmem:s2] =	stream.indirect.scatter.add.f32 [tilespmem:s29], [sflag:$0xF], $0x40, s15, s16, $0xb8;
	[tilespmem:$0x1FE80] =	vst v63  }
0xb4: {  	_ =	swait.ge [sflag:s21], $0x1800  }
0xb5: {  	[sflag:s21] =	ssyncset.done $0x0  }
0xb6: {  	s6 =	sadd.s32 $0x53A0, s5;
	[sflag:s21] =	ssyncadd.s32 $0xFFFFE800  }
0xb7: {  	s7 =	sadd.s32 $0x3C0, s5  }
0xb8: {  	[tilespmem:s20], [sflag:$0x3] =	stream.indirect.gather [hbm4b:s1+s16], $0x40, s7, s16, $0xb8;
	[tilespmem:$0x1FE80] =	vst v63  }
0xb9: {  	_ =	swait.ge [sflag:s3], $0x1800  }
0xba: {  	[sflag:s3] =	ssyncset.done $0x0  }
0xbb: {  	[sflag:s3] =	ssyncadd.s32 $0xFFFFE800  }
0xbc: {  	[spmem:s2] =	stream.indirect.scatter.add.f32 [tilespmem:s31], [sflag:$0x10], $0x40, s6, s16, $0xb8;
	[tilespmem:$0x1FE80] =	vst v63  }
.Ltmp4:
0xbd: {  	_ = 	snop;
	(pc) =	sbr.rel .LBB2_4-.Ltmp4, $4  }
0xbe: {  	_ =	swait.ge [sflag:s4], $0x1800  }
0xbf: {  	[sflag:s4] =	ssyncset.done $0x0  }
0xc0: {  	s15 =	sadd.s32 $0x420, s5;
	s10 =	sadd.s32 $0xC00, s10;
	[sflag:s4] =	ssyncadd.s32 $0xFFFFE800  }
0xc1: {  	[tilespmem:s22], [sflag:$0x4] =	stream.indirect.gather [hbm4b:s1+s16], $0x40, s15, s16, $0xb8;
	[tilespmem:$0x1FE80] =	vst v63  }
.LBB2_7:
0xc2: {  	_ =	sfence.sel $0x180000  }
0xc3: {  	[bflag:$0x0] =	sbarrier.arrive $0xFFFF  }
0xc4: {  	_ =	strace $0x9000004A  }
0xc5: {  	[bflag:$0x2] =	sbarrier.arrive $0xFFFF  }
0xc6: {  	s0 =	rddreg [dreg:$0x3]  }
0xc7: {  	s0 =	sadd.s32 @!p0 $0x100000, s0  }
0xc8: {  	[sflag:s0] =	ssyncadd.tile.s32 @!p0 $0x1;
	_ =	shalt  }
.Lfunc_end2:
_tile_overlayer_lowered:
.L_overlay_start_2:
0xc9: {  	(tag) =	ssettag $0x2  }
0xca: {  	s0 =	rddreg [dreg:$0x0];
	s2 =	stileid.u32  }
0xcb: {  	s1 =	rddreg [dreg:$0x1];
	p0 =	sne.s32 s2, $0x0  }
0xcc: {  	s3 =	rddreg [dreg:$0x2];
	[bflag:$0x3] =	sbarrier.arrive $0xFFFF;
	s2 =	simm.s32 @!p0 $0x1C11  }
0xcd: {  	[timem:s3], [sflag:s2] =	dma.local @!p0 [hbm:s0], s1  }
0xce: {  	s0 =	simm.s32 @!p0 $0x11  }
0xcf: {  	_ =	swait.ge @!p0 [sflag:s0], s1  }
0xd0: {  	s1 =	ssub.s32 @!p0 $0x0, s1;
	[sflag:s0] =	ssyncset.done @!p0 $0x0  }
0xd1: {  	[sflag:s0] =	ssyncadd.s32 @!p0 s1  }
0xd2: {  	[bflag:$0x3] =	sbarrier.arrive $0xFFFF  }
0xd3: {  	_ =	shalt  }

// kernel: kernel.7.cloned.1.call-start
scs
__scs_entry_jumppad:
0x0: {  	(pc) =	sbr.rel $0x88, $3  }
0x1: {  	(tag) =	ssettag $0x0;
	lr =	simm.s32 $0x1  }
0x2: {  	[smem:$0x3F9D] =	sst lr;
	_ =	strace $0xD0000000  }
0x3: {  	_ = 	snop  }
0x4: {  	_ = 	snop  }
0x5: {  	_ = 	snop  }
0x6: {  	_ = 	snop  }
0x7: {  	_ = 	snop  }
__scs_overlays_trampoline_lowered:
0x8: {  	[smem:$0x3FAC] =	sst s0  }
0x9: {  	[smem:$0x3FAD] =	sst s1  }
0xa: {  	[smem:$0x3FAE] =	sst s2  }
0xb: {  	[smem:$0x3FAF] =	sst s3  }
0xc: {  	[smem:$0x3FB0] =	sst s4  }
0xd: {  	[smem:$0x3FB1] =	sst s5  }
0xe: {  	[smem:$0x3FB2] =	sst s6  }
0xf: {  	[smem:$0x3FB3] =	sst s7  }
0x10: {  	[smem:$0x3FB4] =	sst s8  }
0x11: {  	[smem:$0x3FB5] =	sst s9;
	s0 =	simm.s32 @!p0 $0x0  }
0x12: {  	s1 =	sld [smem:$0x3F9B];
	s0 =	simm.s32 @p0 $0x1  }
0x13: {  	[smem:$0x3FB6] =	sst s0;
	s0 =	simm.s32 @!p1 $0x0  }
0x14: {  	s2 =	sld [smem:$0x3F9A];
	s0 =	simm.s32 @p1 $0x1  }
0x15: {  	[smem:$0x3FB7] =	sst s0;
	s0 =	simm.s32 @!p2 $0x0  }
0x16: {  	s3 =	sld [smem:$0x3FDB];
	s0 =	simm.s32 @p2 $0x1  }
0x17: {  	s4 =	simm.s32 $0x1BF5;
	[smem:$0x3FB9] =	sst s0  }
0x18: {  	s0 =	sld [smem:$0x3F9C];
	_ =	swait.ge [sflag:s4], $0x0  }
0x19: {  	s7 =	sld [smem:$0x3F9D]  }
0x1a: {  	s8 =	sadd.s32 $0xFFFFE003, lr  }
0x1b: {  	s9 =	sadd.s32 $0xFFFFFEF7, lr;
	s5 =	simm.s32 $0xFFFFFFFF;
	p2 =	slt.u32 s8, $0xFFFFF086  }
0x1c: {  	p1 =	slt.u32 s9, $0xF7A;
	s5 =	simm.s32 @!p2 $0x0  }
0x1d: {  	s5 =	simm.s32 @p1 $0x1;
	p0 =	seq.s32 s7, s2  }
0x1e: {  	s7 =	smul.u32 @!p0 $0xF7A, s2;
	p2 =	seq.s32 @!p0 s5, $0x0  }
0x1f: {  	s9 =	smul.u32 $0xF7A, s1;
	s8 =	simm.s32 @!p0 $0x1BF5;
	p2 =	por !p2, p0  }
0x20: {  	[sflag:s8] =	ssyncset.s32 @!p0 $0xFFFFF086;
	s6 =	sadd.s32 @!p0 s3, s7;
	s7 =	simm.s32 @!p0 $0x108  }
0x21: {  	s3 =	sadd.s32 s3, s9;
	s6 =	sadd.s32 @!p0 $0x88, s6;
	s7 =	simm.s32 @p2 $0x1082  }
0x22: {  	[simem:s7], [sflag:s8] =	dma.local @!p0 [hbm:s6], $0xF7A  }
0x23: {  	s9 =	sor.u32 $0xD0000000, s2;
	s6 =	simm.s32 $0x108;
	_ =	swait.ge @!p0 [sflag:s8], $0x0  }
0x24: {  	s3 =	sadd.s32 $0x88, s3;
	s6 =	simm.s32 @!p1 $0x1082;
	[sflag:s4] =	ssyncset.s32 $0xFFFFF086  }
0x25: {  	[simem:s6], [sflag:s4] =	dma.local [hbm:s3], $0xF7A  }
0x26: {  	[smem:$0x3F9D] =	sst s1;
	(tag) =	ssettag s2;
	_ =	strace s9  }
0x27: {  	s1 =	sld [smem:$0x3FAD]  }
0x28: {  	s2 =	sld [smem:$0x3FAE]  }
0x29: {  	s4 =	sld [smem:$0x3FB0]  }
0x2a: {  	p0 =	seq.s32 s5, $0x0;
	s5 =	sld [smem:$0x3FB1]  }
0x2b: {  	s6 =	sld [smem:$0x3FB2]  }
0x2c: {  	s7 =	sld [smem:$0x3FB3]  }
0x2d: {  	s3 =	simm.s32 $0x108;
	s8 =	sld [smem:$0x3FB4]  }
0x2e: {  	s3 =	simm.s32 @!p0 $0x1082;
	s9 =	sld [smem:$0x3FB5]  }
0x2f: {  	lr =	sadd.s32 s0, s3;
	s0 =	sld [smem:$0x3FAC]  }
0x30: {  	s3 =	sld [smem:$0x3FAF]  }
0x31: {  	[smem:$0x3FB8] =	sst s10  }
0x32: {  	s10 =	sld [smem:$0x3FB6];
	_ =	sdelay $0x3  }
0x33: {  	p0 =	seq.s32 s10, $0x1;
	s10 =	sld [smem:$0x3FB8];
	_ =	sdelay $0x3  }
0x34: {  	[smem:$0x3FB8] =	sst s10  }
0x35: {  	s10 =	sld [smem:$0x3FB7];
	_ =	sdelay $0x3  }
0x36: {  	p1 =	seq.s32 s10, $0x1;
	s10 =	sld [smem:$0x3FB8];
	_ =	sdelay $0x3  }
0x37: {  	[smem:$0x3FB8] =	sst s10  }
0x38: {  	s10 =	sld [smem:$0x3FB9]  }
0x39: {  	_ = 	snop;
	(pc) =	sbr.ind lr, $3  }
0x3a: {  	_ = 	snop  }
0x3b: {  	_ = 	snop  }
0x3c: {  	p2 =	seq.s32 s10, $0x1;
	s10 =	sld [smem:$0x3FB8]  }
0x3d: {  	_ =	shalt  }
0x3e: {  	_ =	shalt  }
0x3f: {  	_ =	shalt  }
0x40: {  	_ =	shalt  }
0x41: {  	_ =	shalt  }
0x42: {  	_ =	shalt  }
0x43: {  	_ =	shalt  }
0x44: {  	_ =	shalt  }
0x45: {  	_ =	shalt  }
0x46: {  	_ =	shalt  }
0x47: {  	_ =	shalt  }
0x48: {  	_ =	shalt  }
0x49: {  	_ =	shalt  }
0x4a: {  	_ =	shalt  }
0x4b: {  	_ =	shalt  }
0x4c: {  	_ =	shalt  }
0x4d: {  	_ =	shalt  }
0x4e: {  	_ =	shalt  }
0x4f: {  	_ =	shalt  }
0x50: {  	_ =	shalt  }
0x51: {  	_ =	shalt  }
0x52: {  	_ =	shalt  }
0x53: {  	_ =	shalt  }
0x54: {  	_ =	shalt  }
0x55: {  	_ =	shalt  }
0x56: {  	_ =	shalt  }
0x57: {  	_ =	shalt  }
0x58: {  	_ =	shalt  }
0x59: {  	_ =	shalt  }
0x5a: {  	_ =	shalt  }
0x5b: {  	_ =	shalt  }
0x5c: {  	_ =	shalt  }
0x5d: {  	_ =	shalt  }
0x5e: {  	_ =	shalt  }
0x5f: {  	_ =	shalt  }
0x60: {  	_ =	shalt  }
0x61: {  	_ =	shalt  }
0x62: {  	_ =	shalt  }
0x63: {  	_ =	shalt  }
0x64: {  	_ =	shalt  }
0x65: {  	_ =	shalt  }
0x66: {  	_ =	shalt  }
0x67: {  	_ =	shalt  }
0x68: {  	_ =	shalt  }
0x69: {  	_ =	shalt  }
0x6a: {  	_ =	shalt  }
0x6b: {  	_ =	shalt  }
0x6c: {  	_ =	shalt  }
0x6d: {  	_ =	shalt  }
0x6e: {  	_ =	shalt  }
0x6f: {  	_ =	shalt  }
0x70: {  	_ =	shalt  }
0x71: {  	_ =	shalt  }
0x72: {  	_ =	shalt  }
0x73: {  	_ =	shalt  }
0x74: {  	_ =	shalt  }
0x75: {  	_ =	shalt  }
0x76: {  	_ =	shalt  }
0x77: {  	_ =	shalt  }
0x78: {  	_ =	shalt  }
0x79: {  	_ =	shalt  }
0x7a: {  	_ =	shalt  }
0x7b: {  	_ =	shalt  }
0x7c: {  	_ =	shalt  }
0x7d: {  	_ =	shalt  }
0x7e: {  	_ =	shalt  }
0x7f: {  	_ =	shalt  }
0x80: {  	_ =	shalt  }
0x81: {  	_ =	shalt  }
0x82: {  	_ =	shalt  }
0x83: {  	_ =	shalt  }
0x84: {  	_ =	shalt  }
0x85: {  	_ =	shalt  }
0x86: {  	_ =	shalt  }
0x87: {  	_ =	shalt  }
.Lfunc_end0:
.L_simem_size_0:
called_computation_lowered:
.L_overlay_start_0:
0x88: {  	s2 =	sld [smem:$0x3FD9]  }
0x89: {  	s3 =	sld [smem:$0x3FFE];
	_ =	sdelay $0x1  }
0x8a: {  	s1 =	srdreg.scid  }
0x8b: {  	s0 =	sand.u32 $0x1, s1  }
0x8c: {  	s17 =	sshll.u32 s0, $0xA;
	s2 =	sadd.s32 s3, s2  }
0x8d: {  	s2 =	sadd.s32 s2, s17  }
0x8e: {  	[smem:$0x3FC4] =	sst s2  }
0x8f: {  	_ = 	snop  }
0x90: {  	s2 =	sld [smem:$0x3FD0];
	(tm) =	ssettm $0x1  }
0x91: {  	s18 =	sld [smem:$0x3FFB];
	_ =	sdelay $0x3  }
0x92: {  	_ =	strace s18  }
0x93: {  	s3 =	sld [smem:$0x3FFC];
	_ =	sdelay $0x3  }
0x94: {  	_ =	strace s3  }
0x95: {  	s3 =	sld [smem:$0x3FFD];
	_ =	sdelay $0x3  }
0x96: {  	_ =	strace s3  }
0x97: {  	_ =	strace $0x8FFFFFFF  }
0x98: {  	s19 =	sld [smem:$0x3FDB];
	_ =	sdelay $0x1  }
0x99: {  	s4 =	simm.s32 $_scs_section_size  }
0x9a: {  	s5 =	simm.s32 $_size__tile_overlayer_lowered;
	s6 =	simm.s32 $_tile_overlayer_lowered  }
0x9b: {  	s22 =	simm.s32 $0x1BFF;
	s21 =	sshll.u32 s6, $0x1;
	s3 =	sadd.s32 s4, s19  }
0x9c: {  	s7 =	simm.s32 $0x0;
	s20 =	sshll.u32 s5, $0x1;
	s5 =	sadd.s32 s21, s3  }
0x9d: {  	[timem:s7], [sflag:s22] =	dma.local [hbm:s5], s20  }
0x9e: {  	_ =	swait.ge [sflag:s22], s20  }
0x9f: {  	s4 =	ssub.s32 $0x0, s20;
	[sflag:s22] =	ssyncset.done $0x0  }
0xa0: {  	[sflag:s22] =	ssyncadd.s32 s4;
	_ =	sdelay $0x1  }
0xa1: {  	s23 =	simm.s32 $0x1B8B  }
0xa2: {  	_ =	swait.ge [sflag:s23], $0x1  }
0xa3: {  	[sflag:s23] =	ssyncset.done $0x0  }
0xa4: {  	s25 =	simm.s32 $0x1B8E;
	s24 =	sld [smem:$0x3FFE];
	[sflag:s23] =	ssyncadd.s32 $0xFFFFFFFF  }
0xa5: {  	s26 =	simm.s32 $execute0_lowered;
	[smem:$0x3FD2] =	sst s25  }
0xa6: {  	s5 =	sshll.u32 s26, $0x1;
	_ =	strace $0x80000046;
	[dreg:$0x1] =	wrdreg $0xFFFFFFFF  }
0xa7: {  	s28 =	simm.s32 $_size_execute0_lowered;
	s3 =	sadd.s32 s3, s5;
	[dreg:$0x0] =	wrdreg $0x0  }
0xa8: {  	s5 =	sshll.u32 s28, $0x1;
	[dreg:$0x2] =	wrdreg s3  }
0xa9: {  	[dreg:$0x3] =	wrdreg s5  }
0xaa: {  	[dreg:$0x4] =	wrdreg $0xC0  }
0xab: {  	_ =	task [dreg:s7], $0x5FFFF  }
0xac: {  	[dreg:$0x1] =	wrdreg $0xFFFFFFFF  }
0xad: {  	[dreg:$0x0] =	wrdreg $0x60  }
0xae: {  	[dreg:$0x2] =	wrdreg s24  }
0xaf: {  	[dreg:$0x3] =	wrdreg s2  }
0xb0: {  	[dreg:$0x4] =	wrdreg $0x52A00  }
0xb1: {  	[dreg:$0x5] =	wrdreg $0x9  }
0xb2: {  	_ =	task.clear_ibuf [dreg:s7], $0x6FFFF;
	_ =	strace $0x90000046  }
0xb3: {  	s29 =	simm.s32 $0x9;
	_ =	strace $0x80000048  }
0xb4: {  	_ =	swait.ge [sflag:s29], $0x1  }
0xb5: {  	[sflag:s29] =	ssyncadd.s32 $0xFFFFFFFF  }
0xb6: {  	_ =	strace $0x90000048  }
0xb7: {  	_ =	sfence  }
0xb8: {  	s30 =	sld [smem:$0x0];
	_ =	sdelay $0x2  }
0xb9: {  	s31 =	sshll.u32 s1, $0xD;
	s1 =	sshrl.u32 s1, $0x2  }
0xba: {  	s3 =	sand.u32 $0x4000, s31;
	s1 =	sadd.s32 s1, s30  }
0xbb: {  	s0 =	sor.u32 s3, s0;
	s1 =	sshll.u32 s1, $0x11  }
0xbc: {  	s0 =	sor.u32 s1, s0  }
0xbd: {  	s0 =	sadd.s32 $0x8F2B, s0  }
0xbe: {  	[sflag:s0] =	ssyncadd.remote.s32 $0x1  }
0xbf: {  	_ =	sfence.sel $0xFFFF  }
0xc0: {  	[dreg:$0x0] =	wrdreg $0xFFFFFFFF;
	(pc) =	sbr.abs _section_cstart, $3  }
0xc1: {  	[dreg:$0x1] =	wrdreg $0xFFFFFFFF  }
0xc2: {  	_ =	task.clear_ibuf [dreg:s7], $0x2FFFF;
	_ =	strace $0x9FFFFFFF  }
0xc3: {  	(tm) =	ssettm $0x7FFFFFFF  }
tec
execute0_lowered:
.L_overlay_start_1:
0x0: {  	(tag) =	ssettag $0x1  }
0x1: {  	s4 =	rddreg [dreg:$0x0]  }
0x2: {  	s0 =	rddreg [dreg:$0x1];
	s1 =	srdreg.scid  }
0x3: {  	s2 =	rddreg [dreg:$0x2];
	s25 =	stileid.u32;
	s3 =	simm.s32 $0x0  }
0x4: {  	s10 =	simm.s32 $0x60;
	s11 =	simm.s32 $0x5100;
	s12 =	simm.s32 $0xC0  }
0x5: {  	s13 =	simm.s32 $0x120;
	s14 =	simm.s32 $0x180;
	s15 =	simm.s32 $0x1E0  }
0x6: {  	s16 =	simm.s32 $0x240;
	s17 =	simm.s32 $0x2A0;
	s18 =	simm.s32 $0x1  }
0x7: {  	s19 =	simm.s32 $0x2;
	s20 =	simm.s32 $0x3;
	s21 =	simm.s32 $0x4  }
0x8: {  	s22 =	simm.s32 $0x5;
	s23 =	simm.s32 $0x6;
	s24 =	simm.s32 $0x7  }
0x9: {  	s26 =	simm.s32 $0x5160;
	s5 =	sand.u32 $0x1, s1;
	s1 =	rddreg [dreg:$0x3]  }
0xa: {  	s28 =	simm.s32 $0x0;
	s7 =	smul.u32 $0x140, s25;
	[smem:$0x7FF] =	sst s3  }
0xb: {  	s8 =	smul.u32 $0x5100, s25;
	p0 =	sne.s32 s25, $0x0;
	p1 =	seq.s32 s25, $0xF  }
0xc: {  	s25 =	simm.s32 $0x8;
	s6 =	smul.u32 $0x1388, s5;
	s5 =	ssub.s32 $0x2, s5  }
.Ltmp0:
0xd: {  	_ =	strace $0x80000047;
	s9 =	sshrl.u32 s5, $0x1;
	(pc) =	sbr.rel .LBB2_1-.Ltmp0, $4  }
0xe: {  	s8 =	sshrl.u32 s8, $0x3;
	s6 =	sadd.s32 s7, s6;
	s31 =	ssub.s32 s5, s9  }
0xf: {  	s9 =	sshrl.u32 @!p0 s2, $0x3;
	s7 =	sshrl.u32 s6, $0x3;
	s5 =	sadd.s32 s6, s2  }
0x10: {  	s7 =	sadd.s32 s7, s4;
	s4 =	sadd.s32 s4, s8;
	s8 =	simm.s32 $0x9  }
0x11: {  	v0 =	vimm.f32 $1.000000000e+00;
	s4 =	sadd.s32 $0xBC00, s4;
	s6 =	sadd.s32 $0x15E00, s7;
	s7 =	smax.u32 s31, $0x1  }
.LBB2_6:
0x12: {  	v1 =	vld [tilespmem:s29+$0x5160];
	_ =	sdelay $0x4  }
0x13: {  	v2 =	vshrl.u32 v1, $0x1;
	v1 =	vmul.f32 $5.000000000e-01, v1  }
0x14: {  	v2 =	vsub.s32 $0x5F3759DF, v2  }
0x15: {  	v3 =	vmul.f32 v2, v1;
	_ =	sdelay $0x1  }
0x16: {  	v3 =	vmul.f32 v2, v3;
	_ =	sdelay $0x1  }
0x17: {  	v3 =	vsub.f32 $1.500000000e+00, v3;
	_ =	sdelay $0x1  }
0x18: {  	v2 =	vmul.f32 v2, v3;
	_ =	sdelay $0x1  }
0x19: {  	v3 =	vmul.f32 v2, v1;
	_ =	sdelay $0x1  }
0x1a: {  	v3 =	vmul.f32 v3, v2;
	_ =	sdelay $0x1  }
0x1b: {  	v3 =	vsub.f32 $1.500000000e+00, v3;
	_ =	sdelay $0x1  }
0x1c: {  	v2 =	vmul.f32 v3, v2;
	_ =	sdelay $0x1  }
0x1d: {  	v1 =	vmul.f32 v2, v1;
	_ =	sdelay $0x1  }
0x1e: {  	v1 =	vmul.f32 v1, v2;
	_ =	sdelay $0x1  }
0x1f: {  	v1 =	vsub.f32 $1.500000000e+00, v1;
	_ =	sdelay $0x1  }
0x20: {  	v1 =	vmul.f32 v1, v2;
	_ =	sdelay $0x1  }
0x21: {  	[tilespmem:s29+$0x5160] =	vst v1  }
0x22: {  	[hbm4b:s6+s3] =	stream.linear.scatter [tilespmem:s26], [sflag:$0x9], $0x140, $0x38;
	[tilespmem:$0x5518] =	vst v63  }
0x23: {  	_ =	swait.ge [sflag:s8], $0x140  }
0x24: {  	[sflag:s8] =	ssyncset.done $0x0  }
0x25: {  	[sflag:s8] =	ssyncadd.s32 $0xFFFFFEC0  }
.LBB2_10:
0x26: {  	s28 =	sadd.s32 $0x1, s28  }
0x27: {  	p2 =	sne.s32 s28, s7  }
.Ltmp1:
0x28: {  	_ = 	snop;
	(pc) =	sbr.rel @!p2 .LBB2_11-.Ltmp1, $1  }
0x29: {  	_ =	sdelay $0x3  }
.LBB2_1:
0x2a: {  	[tilespmem:s3], [sflag:$0x9] =	stream.linear.gather [hbm4b:s4+s3], $0x5100, $0x38;
	[tilespmem:$0x5518] =	vst v63  }
0x2b: {  	_ =	swait.ge [sflag:s8], $0x5100  }
0x2c: {  	[sflag:s8] =	ssyncset.done $0x0  }
0x2d: {  	[sflag:s8] =	ssyncadd.s32 $0xFFFFAF00  }
0x2e: {  	[tilespmem:$0x5100] =	vst v0  }
0x2f: {  	[tilespmem:$0x5110] =	vst v0  }
0x30: {  	[tilespmem:$0x5120] =	vst v0  }
0x31: {  	[tilespmem:$0x5130] =	vst v0  }
0x32: {  	[tilespmem:$0x5140] =	vst v0  }
0x33: {  	s29 =	simm.s32 @!p0 $0x1C09;
	[tilespmem:$0x5150] =	vst v0  }
0x34: {  	[spmem:s9], [sflag:s29] =	dma.local @!p0 [hbm:s0], $0x4E4  }
0x35: {  	s29 =	simm.s32 @!p0 $0x9  }
0x36: {  	_ =	swait.ge @!p0 [sflag:s29], $0x4E4  }
0x37: {  	[sflag:s29] =	ssyncset.done @!p0 $0x0  }
0x38: {  	[sflag:s29] =	ssyncadd.s32 @!p0 $0xFFFFFB1C  }
0x39: {  	[bflag:$0x0] =	sbarrier.arrive $0xFFFF  }
0x3a: {  	[spmem:s2] =	stream.indirect.scatter.add.f32 [tilespmem:s11], [sflag:$0x1], $0x1, s3, s10, $0xb8;
	[tilespmem:$0x5518] =	vst v63  }
0x3b: {  	_ = 	snop  }
0x3c: {  	[spmem:s2] =	stream.indirect.scatter.add.f32 [tilespmem:s11], [sflag:$0x2], $0x1, s10, s10, $0xb8;
	[tilespmem:$0x5518] =	vst v63  }
0x3d: {  	_ = 	snop  }
0x3e: {  	[spmem:s2] =	stream.indirect.scatter.add.f32 [tilespmem:s11], [sflag:$0x3], $0x1, s12, s10, $0xb8;
	[tilespmem:$0x5518] =	vst v63  }
0x3f: {  	_ = 	snop  }
0x40: {  	[spmem:s2] =	stream.indirect.scatter.add.f32 [tilespmem:s11], [sflag:$0x4], $0x1, s13, s10, $0xb8;
	[tilespmem:$0x5518] =	vst v63  }
0x41: {  	_ = 	snop  }
0x42: {  	[spmem:s2] =	stream.indirect.scatter.add.f32 [tilespmem:s11], [sflag:$0x5], $0x1, s14, s10, $0xb8;
	[tilespmem:$0x5518] =	vst v63  }
0x43: {  	_ = 	snop  }
0x44: {  	[spmem:s2] =	stream.indirect.scatter.add.f32 [tilespmem:s11], [sflag:$0x6], $0x1, s15, s10, $0xb8;
	[tilespmem:$0x5518] =	vst v63  }
0x45: {  	_ = 	snop  }
0x46: {  	[spmem:s2] =	stream.indirect.scatter.add.f32 [tilespmem:s11], [sflag:$0x7], $0x1, s16, s10, $0xb8;
	[tilespmem:$0x5518] =	vst v63  }
0x47: {  	_ = 	snop  }
0x48: {  	[spmem:s2] =	stream.indirect.scatter.add.f32 [tilespmem:s11], [sflag:$0x8], $0x1, s17, s10, $0xb8;
	[tilespmem:$0x5518] =	vst v63  }
0x49: {  	_ =	swait.ge [sflag:s18], $0x60  }
0x4a: {  	[sflag:s18] =	ssyncset.done $0x0  }
0x4b: {  	s29 =	simm.s32 $0x300;
	[sflag:s18] =	ssyncadd.s32 $0xFFFFFFA0  }
0x4c: {  	[spmem:s2] =	stream.indirect.scatter.add.f32 [tilespmem:s11], [sflag:$0x1], $0x1, s29, s10, $0xb8;
	[tilespmem:$0x5518] =	vst v63  }
0x4d: {  	_ =	swait.ge [sflag:s19], $0x60  }
0x4e: {  	[sflag:s19] =	ssyncset.done $0x0  }
0x4f: {  	s29 =	simm.s32 $0x360;
	[sflag:s19] =	ssyncadd.s32 $0xFFFFFFA0  }
0x50: {  	[spmem:s2] =	stream.indirect.scatter.add.f32 [tilespmem:s11], [sflag:$0x2], $0x1, s29, s10, $0xb8;
	[tilespmem:$0x5518] =	vst v63  }
0x51: {  	_ =	swait.ge [sflag:s20], $0x60  }
0x52: {  	[sflag:s20] =	ssyncset.done $0x0  }
0x53: {  	s29 =	simm.s32 $0x3C0;
	[sflag:s20] =	ssyncadd.s32 $0xFFFFFFA0  }
0x54: {  	[spmem:s2] =	stream.indirect.scatter.add.f32 [tilespmem:s11], [sflag:$0x3], $0x1, s29, s10, $0xb8;
	[tilespmem:$0x5518] =	vst v63  }
0x55: {  	_ =	swait.ge [sflag:s21], $0x60  }
0x56: {  	[sflag:s21] =	ssyncset.done $0x0  }
0x57: {  	s29 =	simm.s32 $0x420;
	[sflag:s21] =	ssyncadd.s32 $0xFFFFFFA0  }
0x58: {  	[spmem:s2] =	stream.indirect.scatter.add.f32 [tilespmem:s11], [sflag:$0x4], $0x1, s29, s10, $0xb8;
	[tilespmem:$0x5518] =	vst v63  }
0x59: {  	_ =	swait.ge [sflag:s22], $0x60  }
0x5a: {  	[sflag:s22] =	ssyncset.done $0x0  }
0x5b: {  	s29 =	simm.s32 $0x480;
	[sflag:s22] =	ssyncadd.s32 $0xFFFFFFA0  }
0x5c: {  	[spmem:s2] =	stream.indirect.scatter.add.f32 [tilespmem:s11], [sflag:$0x5], $0x1, s29, s10, $0xb8;
	[tilespmem:$0x5518] =	vst v63  }
0x5d: {  	_ =	swait.ge [sflag:s23], $0x60  }
0x5e: {  	[sflag:s23] =	ssyncset.done $0x0  }
0x5f: {  	s29 =	simm.s32 $0x4E0;
	[sflag:s23] =	ssyncadd.s32 $0xFFFFFFA0  }
0x60: {  	[spmem:s2] =	stream.indirect.scatter.add.f32 [tilespmem:s11], [sflag:$0x6], $0x1, s29, s10, $0xb8;
	[tilespmem:$0x5518] =	vst v63  }
0x61: {  	_ =	swait.ge [sflag:s24], $0x60  }
0x62: {  	[sflag:s24] =	ssyncset.done $0x0  }
0x63: {  	s29 =	simm.s32 $0x540;
	[sflag:s24] =	ssyncadd.s32 $0xFFFFFFA0  }
0x64: {  	[spmem:s2] =	stream.indirect.scatter.add.f32 [tilespmem:s11], [sflag:$0x7], $0x1, s29, s10, $0xb8;
	[tilespmem:$0x5518] =	vst v63  }
0x65: {  	_ =	swait.ge [sflag:s25], $0x60  }
0x66: {  	[sflag:s25] =	ssyncset.done $0x0  }
0x67: {  	s30 =	simm.s32 $0x5A0;
	s29 =	simm.s32 $0xC00;
	[sflag:s25] =	ssyncadd.s32 $0xFFFFFFA0  }
.LBB2_2:
0x68: {  	[spmem:s2] =	stream.indirect.scatter.add.f32 [tilespmem:s11], [sflag:$0x8], $0x1, s30, s10, $0xb8;
	[tilespmem:$0x5518] =	vst v63  }
0x69: {  	s30 =	smov.u32 s29  }
0x6a: {  	p2 =	sne.s32 s29, $0x12C00;
	s29 =	sadd.s32 $0xC00, s29;
	_ =	swait.ge [sflag:s18], $0x60  }
0x6b: {  	s30 =	sshra.s32 s30, $0x2;
	[sflag:s18] =	ssyncset.done $0x0  }
0x6c: {  	s31 =	sadd.s32 $0x300, s30;
	[sflag:s18] =	ssyncadd.s32 $0xFFFFFFA0  }
0x6d: {  	[spmem:s2] =	stream.indirect.scatter.add.f32 [tilespmem:s11], [sflag:$0x1], $0x1, s31, s10, $0xb8;
	[tilespmem:$0x5518] =	vst v63  }
0x6e: {  	_ =	swait.ge [sflag:s19], $0x60  }
0x6f: {  	[sflag:s19] =	ssyncset.done $0x0  }
0x70: {  	s31 =	sadd.s32 $0x360, s30;
	[sflag:s19] =	ssyncadd.s32 $0xFFFFFFA0  }
0x71: {  	[spmem:s2] =	stream.indirect.scatter.add.f32 [tilespmem:s11], [sflag:$0x2], $0x1, s31, s10, $0xb8;
	[tilespmem:$0x5518] =	vst v63  }
0x72: {  	_ =	swait.ge [sflag:s20], $0x60  }
0x73: {  	[sflag:s20] =	ssyncset.done $0x0  }
0x74: {  	s31 =	sadd.s32 $0x3C0, s30;
	[sflag:s20] =	ssyncadd.s32 $0xFFFFFFA0  }
0x75: {  	[spmem:s2] =	stream.indirect.scatter.add.f32 [tilespmem:s11], [sflag:$0x3], $0x1, s31, s10, $0xb8;
	[tilespmem:$0x5518] =	vst v63  }
0x76: {  	_ =	swait.ge [sflag:s21], $0x60  }
0x77: {  	[sflag:s21] =	ssyncset.done $0x0  }
0x78: {  	s31 =	sadd.s32 $0x420, s30;
	[sflag:s21] =	ssyncadd.s32 $0xFFFFFFA0  }
0x79: {  	[spmem:s2] =	stream.indirect.scatter.add.f32 [tilespmem:s11], [sflag:$0x4], $0x1, s31, s10, $0xb8;
	[tilespmem:$0x5518] =	vst v63  }
0x7a: {  	_ =	swait.ge [sflag:s22], $0x60  }
0x7b: {  	[sflag:s22] =	ssyncset.done $0x0  }
0x7c: {  	s31 =	sadd.s32 $0x480, s30;
	[sflag:s22] =	ssyncadd.s32 $0xFFFFFFA0  }
0x7d: {  	[spmem:s2] =	stream.indirect.scatter.add.f32 [tilespmem:s11], [sflag:$0x5], $0x1, s31, s10, $0xb8;
	[tilespmem:$0x5518] =	vst v63  }
0x7e: {  	_ =	swait.ge [sflag:s23], $0x60  }
0x7f: {  	[sflag:s23] =	ssyncset.done $0x0  }
0x80: {  	s31 =	sadd.s32 $0x4E0, s30;
	[sflag:s23] =	ssyncadd.s32 $0xFFFFFFA0  }
0x81: {  	[spmem:s2] =	stream.indirect.scatter.add.f32 [tilespmem:s11], [sflag:$0x6], $0x1, s31, s10, $0xb8;
	[tilespmem:$0x5518] =	vst v63  }
0x82: {  	_ =	swait.ge [sflag:s24], $0x60  }
0x83: {  	[sflag:s24] =	ssyncset.done $0x0  }
.Ltmp2:
0x84: {  	s31 =	sadd.s32 $0x540, s30;
	[sflag:s24] =	ssyncadd.s32 $0xFFFFFFA0;
	(pc) =	sbr.rel @p2 .LBB2_2-.Ltmp2, $4  }
0x85: {  	[spmem:s2] =	stream.indirect.scatter.add.f32 [tilespmem:s11], [sflag:$0x7], $0x1, s31, s10, $0xb8;
	[tilespmem:$0x5518] =	vst v63  }
0x86: {  	_ =	swait.ge [sflag:s25], $0x60  }
0x87: {  	[sflag:s25] =	ssyncset.done $0x0  }
0x88: {  	s30 =	sadd.s32 $0x5A0, s30;
	[sflag:s25] =	ssyncadd.s32 $0xFFFFFFA0  }
0x89: {  	[spmem:s2] =	stream.indirect.scatter.add.f32 [tilespmem:s11], [sflag:$0x8], $0x1, s30, s10, $0xb8;
	[tilespmem:$0x5518] =	vst v63  }
0x8a: {  	_ =	swait.ge [sflag:s18], $0x60  }
0x8b: {  	[sflag:s18] =	ssyncset.done $0x0  }
0x8c: {  	[sflag:s18] =	ssyncadd.s32 $0xFFFFFFA0  }
0x8d: {  	_ =	swait.ge [sflag:s19], $0x60  }
0x8e: {  	[sflag:s19] =	ssyncset.done $0x0  }
0x8f: {  	[sflag:s19] =	ssyncadd.s32 $0xFFFFFFA0  }
0x90: {  	_ =	swait.ge [sflag:s20], $0x60  }
0x91: {  	[sflag:s20] =	ssyncset.done $0x0  }
0x92: {  	[sflag:s20] =	ssyncadd.s32 $0xFFFFFFA0  }
0x93: {  	_ =	swait.ge [sflag:s21], $0x60  }
0x94: {  	[sflag:s21] =	ssyncset.done $0x0  }
0x95: {  	[sflag:s21] =	ssyncadd.s32 $0xFFFFFFA0  }
0x96: {  	_ =	swait.ge [sflag:s22], $0x60  }
0x97: {  	[sflag:s22] =	ssyncset.done $0x0  }
0x98: {  	[sflag:s22] =	ssyncadd.s32 $0xFFFFFFA0  }
0x99: {  	_ =	swait.ge [sflag:s23], $0x60  }
0x9a: {  	[sflag:s23] =	ssyncset.done $0x0  }
0x9b: {  	[sflag:s23] =	ssyncadd.s32 $0xFFFFFFA0  }
0x9c: {  	_ =	swait.ge [sflag:s24], $0x60  }
0x9d: {  	[sflag:s24] =	ssyncset.done $0x0  }
0x9e: {  	[sflag:s24] =	ssyncadd.s32 $0xFFFFFFA0  }
.Ltmp3:
0x9f: {  	_ =	swait.ge [sflag:s25], $0x60;
	(pc) =	sbr.rel @!p1 .LBB2_4-.Ltmp3, $3  }
0xa0: {  	[sflag:s25] =	ssyncset.done $0x0  }
0xa1: {  	[sflag:s25] =	ssyncadd.s32 $0xFFFFFFA0  }
0xa2: {  	[bflag:$0x0] =	sbarrier.arrive $0xFFFF;
	_ =	sdelay $0x1  }
0xa3: {  	[tilespmem:s26], [sflag:$0x9] =	stream.linear.gather [spmem:s5], $0xC8, $0x38;
	[tilespmem:$0x5518] =	vst v63  }
0xa4: {  	_ =	swait.ge [sflag:s8], $0xC8  }
0xa5: {  	[sflag:s8] =	ssyncset.done $0x0  }
0xa6: {  	s29 =	simm.s32 $0x0;
	s30 =	simm.s32 $0x40;
	[sflag:s8] =	ssyncadd.s32 $0xFFFFFF38  }
.LBB2_8:
0xa7: {  	p2 =	sne.s32 s30, $0x300;
	v1 =	vld [tilespmem:s29+$0x5160];
	_ =	sdelay $0x4  }
0xa8: {  	v2 =	vshrl.u32 v1, $0x1;
	v1 =	vmul.f32 $5.000000000e-01, v1  }
0xa9: {  	v2 =	vsub.s32 $0x5F3759DF, v2  }
0xaa: {  	v3 =	vmul.f32 v2, v1;
	_ =	sdelay $0x1  }
0xab: {  	v3 =	vmul.f32 v2, v3;
	_ =	sdelay $0x1  }
0xac: {  	v3 =	vsub.f32 $1.500000000e+00, v3;
	_ =	sdelay $0x1  }
0xad: {  	v2 =	vmul.f32 v2, v3;
	_ =	sdelay $0x1  }
0xae: {  	v3 =	vmul.f32 v2, v1;
	_ =	sdelay $0x1  }
0xaf: {  	v3 =	vmul.f32 v3, v2;
	_ =	sdelay $0x1  }
0xb0: {  	v3 =	vsub.f32 $1.500000000e+00, v3;
	_ =	sdelay $0x1  }
0xb1: {  	v2 =	vmul.f32 v3, v2;
	_ =	sdelay $0x1  }
0xb2: {  	v1 =	vmul.f32 v2, v1;
	_ =	sdelay $0x1  }
0xb3: {  	v1 =	vmul.f32 v1, v2;
	_ =	sdelay $0x1  }
.Ltmp4:
0xb4: {  	v1 =	vsub.f32 $1.500000000e+00, v1;
	(pc) =	sbr.rel @p2 .LBB2_8-.Ltmp4, $3  }
0xb5: {  	_ = 	snop  }
0xb6: {  	v1 =	vmul.f32 v1, v2;
	_ =	sdelay $0x1  }
0xb7: {  	[tilespmem:s29+$0x5160] =	vst v1;
	s29 =	sshra.s32 s30, $0x2;
	s30 =	sadd.s32 $0x40, s30  }
0xb8: {  	v1 =	vld [tilespmem:s29+$0x5160];
	_ =	sdelay $0x4  }
0xb9: {  	v2 =	vshrl.u32 v1, $0x1;
	v1 =	vmul.f32 $5.000000000e-01, v1  }
0xba: {  	v2 =	vsub.s32 $0x5F3759DF, v2  }
0xbb: {  	v3 =	vmul.f32 v2, v1;
	_ =	sdelay $0x1  }
0xbc: {  	v3 =	vmul.f32 v2, v3;
	_ =	sdelay $0x1  }
0xbd: {  	v3 =	vsub.f32 $1.500000000e+00, v3;
	_ =	sdelay $0x1  }
0xbe: {  	v2 =	vmul.f32 v2, v3;
	_ =	sdelay $0x1  }
0xbf: {  	v3 =	vmul.f32 v2, v1;
	_ =	sdelay $0x1  }
0xc0: {  	v3 =	vmul.f32 v3, v2;
	_ =	sdelay $0x1  }
0xc1: {  	v3 =	vsub.f32 $1.500000000e+00, v3;
	_ =	sdelay $0x1  }
0xc2: {  	v2 =	vmul.f32 v3, v2;
	_ =	sdelay $0x1  }
0xc3: {  	v1 =	vmul.f32 v2, v1;
	_ =	sdelay $0x1  }
0xc4: {  	v1 =	vmul.f32 v1, v2;
	_ =	sdelay $0x1  }
0xc5: {  	v1 =	vsub.f32 $1.500000000e+00, v1;
	_ =	sdelay $0x1  }
0xc6: {  	v1 =	vmul.f32 v1, v2;
	_ =	sdelay $0x1  }
.Ltmp5:
0xc7: {  	[tilespmem:s29+$0x5160] =	vst v1;
	(pc) =	sbr.rel .LBB2_10-.Ltmp5, $4  }
0xc8: {  	[hbm4b:s6+s3] =	stream.linear.scatter [tilespmem:s26], [sflag:$0x9], $0xC8, $0x38;
	[tilespmem:$0x5518] =	vst v63  }
0xc9: {  	_ =	swait.ge [sflag:s8], $0xC8  }
0xca: {  	[sflag:s8] =	ssyncset.done $0x0  }
0xcb: {  	[sflag:s8] =	ssyncadd.s32 $0xFFFFFF38  }
.LBB2_4:
0xcc: {  	[tilespmem:s26], [sflag:$0x9] =	stream.linear.gather [spmem:s5], $0x140, $0x38;
	[tilespmem:$0x5518] =	vst v63  }
0xcd: {  	_ =	swait.ge [sflag:s8], $0x140  }
0xce: {  	[sflag:s8] =	ssyncset.done $0x0  }
0xcf: {  	s29 =	simm.s32 $0x0;
	s30 =	simm.s32 $0x40;
	[sflag:s8] =	ssyncadd.s32 $0xFFFFFEC0  }
.LBB2_5:
0xd0: {  	p2 =	sne.s32 s30, $0x4C0;
	v1 =	vld [tilespmem:s29+$0x5160];
	_ =	sdelay $0x4  }
0xd1: {  	v2 =	vshrl.u32 v1, $0x1;
	v1 =	vmul.f32 $5.000000000e-01, v1  }
0xd2: {  	v2 =	vsub.s32 $0x5F3759DF, v2  }
0xd3: {  	v3 =	vmul.f32 v2, v1;
	_ =	sdelay $0x1  }
0xd4: {  	v3 =	vmul.f32 v2, v3;
	_ =	sdelay $0x1  }
0xd5: {  	v3 =	vsub.f32 $1.500000000e+00, v3;
	_ =	sdelay $0x1  }
0xd6: {  	v2 =	vmul.f32 v2, v3;
	_ =	sdelay $0x1  }
0xd7: {  	v3 =	vmul.f32 v2, v1;
	_ =	sdelay $0x1  }
0xd8: {  	v3 =	vmul.f32 v3, v2;
	_ =	sdelay $0x1  }
0xd9: {  	v3 =	vsub.f32 $1.500000000e+00, v3;
	_ =	sdelay $0x1  }
0xda: {  	v2 =	vmul.f32 v3, v2;
	_ =	sdelay $0x1  }
0xdb: {  	v1 =	vmul.f32 v2, v1;
	_ =	sdelay $0x1  }
0xdc: {  	v1 =	vmul.f32 v1, v2;
	_ =	sdelay $0x1  }
.Ltmp6:
0xdd: {  	v1 =	vsub.f32 $1.500000000e+00, v1;
	(pc) =	sbr.rel @p2 .LBB2_5-.Ltmp6, $3  }
0xde: {  	_ = 	snop  }
0xdf: {  	v1 =	vmul.f32 v1, v2;
	_ =	sdelay $0x1  }
0xe0: {  	[tilespmem:s29+$0x5160] =	vst v1;
	s29 =	sshra.s32 s30, $0x2;
	s30 =	sadd.s32 $0x40, s30  }
.Ltmp7:
0xe1: {  	_ = 	snop;
	(pc) =	sbr.rel .LBB2_6-.Ltmp7, $1  }
0xe2: {  	_ =	sdelay $0x3  }
.LBB2_11:
0xe3: {  	_ =	sfence.sel $0x180000  }
0xe4: {  	[bflag:$0x0] =	sbarrier.arrive $0xFFFF  }
0xe5: {  	_ =	strace $0x90000047  }
0xe6: {  	s0 =	sadd.s32 @!p0 $0x100000, s1;
	[bflag:$0x2] =	sbarrier.arrive $0xFFFF  }
0xe7: {  	[sflag:s0] =	ssyncadd.tile.s32 @!p0 $0x1;
	_ =	shalt  }
.Lfunc_end2:
_tile_overlayer_lowered:
.L_overlay_start_2:
0xe8: {  	(tag) =	ssettag $0x2  }
0xe9: {  	s0 =	rddreg [dreg:$0x0];
	s2 =	stileid.u32  }
0xea: {  	s1 =	rddreg [dreg:$0x1];
	p0 =	sne.s32 s2, $0x0  }
0xeb: {  	s3 =	rddreg [dreg:$0x2];
	[bflag:$0x3] =	sbarrier.arrive $0xFFFF;
	s2 =	simm.s32 @!p0 $0x1C09  }
0xec: {  	[timem:s3], [sflag:s2] =	dma.local @!p0 [hbm:s0], s1  }
0xed: {  	s0 =	simm.s32 @!p0 $0x9  }
0xee: {  	_ =	swait.ge @!p0 [sflag:s0], s1  }
0xef: {  	s1 =	ssub.s32 @!p0 $0x0, s1;
	[sflag:s0] =	ssyncset.done @!p0 $0x0  }
0xf0: {  	[sflag:s0] =	ssyncadd.s32 @!p0 s1  }
0xf1: {  	[bflag:$0x3] =	sbarrier.arrive $0xFFFF  }
0xf2: {  	_ =	shalt  }

</sc_bundles>
